<compile_context>
chip_gen: v7x
topology: tpu7x:2x2x1
jax: 0.10.2.dev20260603
libtpu: 0.0.44.dev20260713+nightly
codegen_flags: <defaults>
</compile_context>

<pallas_src>
import functools

import jax
import jax.numpy as jnp
from jax import lax
from jax.experimental import pallas as pl
from jax.experimental.pallas import tpu as pltpu
from jax.experimental.pallas import tpu_sc as plsc

N = 10000
E = 160000
D = 256
H = D // 2
NC = 2
NS = 16
L = 16
CH = 128
T = -(-E // (NS * CH))
E_PAD = T * NS * CH
ROW_STRIDE = 632
ROW_BASE = 520
ROW_EXTRA = ROW_STRIDE - ROW_BASE


def _sc_agg_body(xcat_hbm, src_hbm, dst_hbm, w_hbm, out_hbm,
                 gidx_v, didx_v, w_v, rows_v, acc_sh, sem):
    c = lax.axis_index("c")
    s = lax.axis_index("s")

    zeros16 = jnp.zeros((L,), jnp.float32)

    def zero_row(i, carry):
        for g in range(H // L):
            rows_v[i, pl.ds(g * L, L)] = zeros16
        return carry

    lax.fori_loop(0, CH, zero_row, 0)

    base = pl.multiple_of(s * ROW_STRIDE, 8)

    def copy_acc_region(dst_is_hbm):
        for j in range(ROW_BASE // CH):
            sl = pl.ds(base + j * CH, CH)
            if dst_is_hbm:
                pltpu.sync_copy(acc_sh.at[sl], out_hbm.at[c, sl])
            else:
                pltpu.sync_copy(rows_v, acc_sh.at[sl])
        sl8 = pl.ds(base + ROW_BASE - 8, 8)
        sle = pl.ds(base + ROW_BASE, ROW_EXTRA)
        if dst_is_hbm:
            pltpu.sync_copy(acc_sh.at[sl8], out_hbm.at[c, sl8])

            @pl.when(s < NS - 1)
            def _():
                pltpu.sync_copy(acc_sh.at[sle], out_hbm.at[c, sle])
        else:
            pltpu.sync_copy(rows_v.at[pl.ds(0, 8)], acc_sh.at[sl8])

            @pl.when(s < NS - 1)
            def _():
                pltpu.sync_copy(rows_v.at[pl.ds(0, ROW_EXTRA)],
                                acc_sh.at[sle])

    copy_acc_region(dst_is_hbm=False)
    plsc.subcore_barrier()

    tbl_off = c * N

    def chunk(t, carry):
        e0 = (s * T + t) * CH
        pltpu.sync_copy(src_hbm.at[pl.ds(e0, CH)], gidx_v)
        pltpu.sync_copy(dst_hbm.at[pl.ds(e0, CH)], didx_v)
        pltpu.sync_copy(w_hbm.at[pl.ds(e0, CH)], w_v)
        for g in range(CH // L):
            sl = pl.ds(g * L, L)
            gidx_v[sl] = gidx_v[sl] + tbl_off
        pltpu.async_copy(xcat_hbm.at[gidx_v], rows_v, sem).wait()

        def scale(b, carry2):
            w16 = w_v[pl.ds(b * L, L)]
            for e in range(L):
                wspl = jnp.full((L,), w16[e], jnp.float32)
                row = b * L + e
                for g in range(H // L):
                    sl = pl.ds(g * L, L)
                    rows_v[row, sl] = rows_v[row, sl] * wspl
            return carry2

        lax.fori_loop(0, CH // L, scale, 0)

        pltpu.sync_copy(rows_v, acc_sh.at[didx_v], add=True)
        return carry

    lax.fori_loop(0, T, chunk, 0)
    plsc.subcore_barrier()

    copy_acc_region(dst_is_hbm=True)


_sc_agg = functools.partial(
    pl.kernel,
    out_type=jax.ShapeDtypeStruct((NC, N, H), jnp.float32),
    mesh=plsc.VectorSubcoreMesh(core_axis_name="c", subcore_axis_name="s"),
    scratch_types=[
        pltpu.VMEM((CH,), jnp.int32),
        pltpu.VMEM((CH,), jnp.int32),
        pltpu.VMEM((CH,), jnp.float32),
        pltpu.VMEM((CH, H), jnp.float32),
        pltpu.VMEM_SHARED((N, H), jnp.float32),
        pltpu.SemaphoreType.DMA,
    ],
)(_sc_agg_body)


def _tc_body(x_ref, al_ref, ar_ref, wst_ref, wsb_ref, we_ref, o_ref):
    acc = jnp.dot(al_ref[...], wst_ref[...], preferred_element_type=jnp.float32)
    acc = acc + jnp.dot(ar_ref[...], wsb_ref[...],
                        preferred_element_type=jnp.float32)
    acc = acc + jnp.dot(x_ref[...], we_ref[...],
                        preferred_element_type=jnp.float32)
    o_ref[...] = jnp.maximum(acc, 0.0)


_MB = 2000


def _tc_fused(x, aggl, aggr, wst, wsb, we):
    return pl.pallas_call(
        _tc_body,
        out_shape=jax.ShapeDtypeStruct((N, D), jnp.float32),
        grid=(N // _MB,),
        in_specs=[
            pl.BlockSpec((_MB, D), lambda i: (i, 0)),
            pl.BlockSpec((_MB, H), lambda i: (i, 0)),
            pl.BlockSpec((_MB, H), lambda i: (i, 0)),
            pl.BlockSpec((H, D), lambda i: (0, 0)),
            pl.BlockSpec((H, D), lambda i: (0, 0)),
            pl.BlockSpec((D, D), lambda i: (0, 0)),
        ],
        out_specs=pl.BlockSpec((_MB, D), lambda i: (i, 0)),
    )(x, aggl, aggr, wst, wsb, we)


def kernel(x, edge_index, edge_weight, W_s, W_e):
    src = edge_index[0].astype(jnp.int32)
    dst = edge_index[1].astype(jnp.int32)
    w = edge_weight.astype(jnp.float32)

    pad = E_PAD - E
    fill = (jnp.arange(pad, dtype=jnp.int32) % N)
    src_p = jnp.concatenate([src, fill])
    dst_p = jnp.concatenate([dst, fill])
    w_p = jnp.concatenate([w, jnp.zeros((pad,), jnp.float32)])

    xcat = jnp.concatenate([x[:, :H], x[:, H:]], axis=0)

    agg = _sc_agg(xcat, src_p, dst_p, w_p)

    return _tc_fused(x, agg[0], agg[1], W_s[:H, :], W_s[H:, :], W_e)

# --- scband reference (transcript-rebuilt; emitter-appended) ---
"""Pipeline reference for scband-graph-convolution-v2-59768764891639 (READ-ONLY COPY).

The authoritative reference and input builder live on the scoring server;
editing this copy changes nothing except your own understanding.
"""

import jax, jax.numpy as jnp
import numpy as np

N_NODES = 10000
N_EDGES = 160000
D_IN = 256
D_OUT = 256


def setup_inputs(seed: int = 0) -> dict:
    key = jax.random.key(seed)
    k1, k2, k3, k4, k5 = jax.random.split(key, 5)
    x = jax.random.normal(k1, (N_NODES, D_IN), dtype=jnp.float32)
    edge_index = jax.random.randint(k2, (2, N_EDGES), 0, N_NODES, dtype=jnp.int64)
    edge_weight = jax.random.uniform(k3, (N_EDGES,), dtype=jnp.float32)
    limit = float(np.sqrt(6.0 / (D_IN + D_OUT)))
    W_s = jax.random.uniform(k4, (D_IN, D_OUT), minval=-limit, maxval=limit, dtype=jnp.float32)
    W_e = jax.random.uniform(k5, (D_IN, D_OUT), minval=-limit, maxval=limit, dtype=jnp.float32)
    return {"x": x, "edge_index": edge_index, "edge_weight": edge_weight, "W_s": W_s, "W_e": W_e}


def reference(x, edge_index, edge_weight, W_s, W_e):
    # GraphConvolution_v2, fusion_method='add', single support, no dropout, no bias.
    # pre_sup_s = x @ W_s ; pre_sup_e = x @ W_e
    pre_sup_s = x @ W_s
    pre_sup_e = x @ W_e
    src = edge_index[0]
    dst = edge_index[1]
    # support_s = A @ pre_sup_s  (sparse matmul as gather + weighted scatter-add)
    msgs = pre_sup_s[src] * edge_weight[:, None]
    support_s = jax.ops.segment_sum(msgs, dst, num_segments=x.shape[0])
    # support_e = I @ pre_sup_e = pre_sup_e  (support_diag is sparse identity)
    support = support_s + pre_sup_e
    # output = add_n(supports) over one support, then act=relu
    return jax.nn.relu(support)

if __name__ == "__main__":
    import jax
    _d = setup_inputs()
    print(jax.jit(kernel)(*tuple(_d.values())))

</pallas_src>

<mosaic_0001>
#map = affine_map<(d0, d1) -> (0, 0)>
#map1 = affine_map<(d0, d1) -> (0)>
#map2 = affine_map<(d0, d1) -> (0, 0, 0)>
module attributes {stable_mosaic.version = 14 : i64} {
  func.func @_sc_agg_body(%arg0: i32, %arg1: i32, %arg2: memref<20000x128xf32, #tpu.memory_space<hbm>>, %arg3: memref<161792xi32, #tpu.memory_space<hbm>>, %arg4: memref<161792xi32, #tpu.memory_space<hbm>>, %arg5: memref<161792xf32, #tpu.memory_space<hbm>>, %arg6: memref<2x10000x128xf32, #tpu.memory_space<hbm>>, %arg7: memref<128xi32, #tpu.memory_space<vmem>>, %arg8: memref<128xi32, #tpu.memory_space<vmem>>, %arg9: memref<128xf32, #tpu.memory_space<vmem>>, %arg10: memref<128x128xf32, #tpu.memory_space<vmem>>, %arg11: memref<10000x128xf32, #tpu.memory_space<vmem_shared>>, %arg12: memref<!tpu.dma_semaphore, #tpu.memory_space<semaphore_mem>>) attributes {dimension_semantics = [#tpu.dimension_semantics<core_parallel>, #tpu.dimension_semantics<subcore_parallel>], iteration_bounds = array<i64: 2, 16>, scalar_prefetch = 0 : i64, scratch_operands = 6 : i64, tpu.core_type = #tpu.core_type<sc_vector_subcore>, window_params = [{transform_indices = #map}, {transform_indices = #map1}, {transform_indices = #map1}, {transform_indices = #map1}, {transform_indices = #map2}]} {
    %broadcast_in_dim3A = arith.constant 0.000000e+00 : f32
    %broadcast_in_dim3A_0 = vector.broadcast %broadcast_in_dim3A : f32 to vector<16xf32>
    %scan3A = arith.constant 0 : i32
    %scan3A_1 = arith.constant 0 : i32
    %scan3A_2 = arith.constant 128 : i32
    %scan3A_3 = arith.addi %scan3A_1, %scan3A_2 : i32
    %scan3A_4 = arith.constant 1 : i32
    scf.for %scan3A_49 = %scan3A_1 to %scan3A_3 step %scan3A_4  : i32 {
      %swap3A = arith.index_cast %scan3A_49 : i32 to index
      %swap3A_50 = arith.constant 0 : index
      %swap3A_51 = tpu.vector_load %arg10[%swap3A, %swap3A_50] {strides = array<i32>} : memref<128x128xf32, #tpu.memory_space<vmem>>, vector<1x16xf32>,
      %swap3A_52 = vector.shape_cast %swap3A_51 : vector<1x16xf32> to vector<16xf32>
      %swap3A_53 = vector.shape_cast %broadcast_in_dim3A_0 : vector<16xf32> to vector<1x16xf32>
      tpu.vector_store %arg10[%swap3A, %swap3A_50], %swap3A_53 {strides = array<i32>} : memref<128x128xf32, #tpu.memory_space<vmem>>, vector<1x16xf32>,
      %swap3A_54 = arith.index_cast %scan3A_49 : i32 to index
      %swap3A_55 = arith.constant 16 : index
      %swap3A_56 = tpu.vector_load %arg10[%swap3A_54, %swap3A_55] {strides = array<i32>} : memref<128x128xf32, #tpu.memory_space<vmem>>, vector<1x16xf32>,
      %swap3A_57 = vector.shape_cast %swap3A_56 : vector<1x16xf32> to vector<16xf32>
      %swap3A_58 = vector.shape_cast %broadcast_in_dim3A_0 : vector<16xf32> to vector<1x16xf32>
      tpu.vector_store %arg10[%swap3A_54, %swap3A_55], %swap3A_58 {strides = array<i32>} : memref<128x128xf32, #tpu.memory_space<vmem>>, vector<1x16xf32>,
      %swap3A_59 = arith.index_cast %scan3A_49 : i32 to index
      %swap3A_60 = arith.constant 32 : index
      %swap3A_61 = tpu.vector_load %arg10[%swap3A_59, %swap3A_60] {strides = array<i32>} : memref<128x128xf32, #tpu.memory_space<vmem>>, vector<1x16xf32>,
      %swap3A_62 = vector.shape_cast %swap3A_61 : vector<1x16xf32> to vector<16xf32>
      %swap3A_63 = vector.shape_cast %broadcast_in_dim3A_0 : vector<16xf32> to vector<1x16xf32>
      tpu.vector_store %arg10[%swap3A_59, %swap3A_60], %swap3A_63 {strides = array<i32>} : memref<128x128xf32, #tpu.memory_space<vmem>>, vector<1x16xf32>,
      %swap3A_64 = arith.index_cast %scan3A_49 : i32 to index
      %swap3A_65 = arith.constant 48 : index
      %swap3A_66 = tpu.vector_load %arg10[%swap3A_64, %swap3A_65] {strides = array<i32>} : memref<128x128xf32, #tpu.memory_space<vmem>>, vector<1x16xf32>,
      %swap3A_67 = vector.shape_cast %swap3A_66 : vector<1x16xf32> to vector<16xf32>
      %swap3A_68 = vector.shape_cast %broadcast_in_dim3A_0 : vector<16xf32> to vector<1x16xf32>
      tpu.vector_store %arg10[%swap3A_64, %swap3A_65], %swap3A_68 {strides = array<i32>} : memref<128x128xf32, #tpu.memory_space<vmem>>, vector<1x16xf32>,
      %swap3A_69 = arith.index_cast %scan3A_49 : i32 to index
      %swap3A_70 = arith.constant 64 : index
      %swap3A_71 = tpu.vector_load %arg10[%swap3A_69, %swap3A_70] {strides = array<i32>} : memref<128x128xf32, #tpu.memory_space<vmem>>, vector<1x16xf32>,
      %swap3A_72 = vector.shape_cast %swap3A_71 : vector<1x16xf32> to vector<16xf32>
      %swap3A_73 = vector.shape_cast %broadcast_in_dim3A_0 : vector<16xf32> to vector<1x16xf32>
      tpu.vector_store %arg10[%swap3A_69, %swap3A_70], %swap3A_73 {strides = array<i32>} : memref<128x128xf32, #tpu.memory_space<vmem>>, vector<1x16xf32>,
      %swap3A_74 = arith.index_cast %scan3A_49 : i32 to index
      %swap3A_75 = arith.constant 80 : index
      %swap3A_76 = tpu.vector_load %arg10[%swap3A_74, %swap3A_75] {strides = array<i32>} : memref<128x128xf32, #tpu.memory_space<vmem>>, vector<1x16xf32>,
      %swap3A_77 = vector.shape_cast %swap3A_76 : vector<1x16xf32> to vector<16xf32>
      %swap3A_78 = vector.shape_cast %broadcast_in_dim3A_0 : vector<16xf32> to vector<1x16xf32>
      tpu.vector_store %arg10[%swap3A_74, %swap3A_75], %swap3A_78 {strides = array<i32>} : memref<128x128xf32, #tpu.memory_space<vmem>>, vector<1x16xf32>,
      %swap3A_79 = arith.index_cast %scan3A_49 : i32 to index
      %swap3A_80 = arith.constant 96 : index
      %swap3A_81 = tpu.vector_load %arg10[%swap3A_79, %swap3A_80] {strides = array<i32>} : memref<128x128xf32, #tpu.memory_space<vmem>>, vector<1x16xf32>,
      %swap3A_82 = vector.shape_cast %swap3A_81 : vector<1x16xf32> to vector<16xf32>
      %swap3A_83 = vector.shape_cast %broadcast_in_dim3A_0 : vector<16xf32> to vector<1x16xf32>
      tpu.vector_store %arg10[%swap3A_79, %swap3A_80], %swap3A_83 {strides = array<i32>} : memref<128x128xf32, #tpu.memory_space<vmem>>, vector<1x16xf32>,
      %swap3A_84 = arith.index_cast %scan3A_49 : i32 to index
      %swap3A_85 = arith.constant 112 : index
      %swap3A_86 = tpu.vector_load %arg10[%swap3A_84, %swap3A_85] {strides = array<i32>} : memref<128x128xf32, #tpu.memory_space<vmem>>, vector<1x16xf32>,
      %swap3A_87 = vector.shape_cast %swap3A_86 : vector<1x16xf32> to vector<16xf32>
      %swap3A_88 = vector.shape_cast %broadcast_in_dim3A_0 : vector<16xf32> to vector<1x16xf32>
      tpu.vector_store %arg10[%swap3A_84, %swap3A_85], %swap3A_88 {strides = array<i32>} : memref<128x128xf32, #tpu.memory_space<vmem>>, vector<1x16xf32>,
    }
    %scan3A_5 = arith.constant 128 : i32
    %mul3A = arith.constant 632 : i32
    %mul3A_6 = arith.muli %arg1, %mul3A : i32
    %multiple_of3A = tpu.assume_multiple %mul3A_6, 8 : i32
    %add3A = arith.constant 0 : i32
    %add3A_7 = arith.addi %multiple_of3A, %add3A : i32
    "tpu.region"() ({
      %run_scoped3A = tpu.sem_alloc : memref<!tpu.dma_semaphore, #tpu.memory_space<semaphore_mem>>
      %dma_start3A = arith.constant 0 : i32
      %dma_start3A_49 = tpu.memref_slice %arg11[%add3A_7, %dma_start3A] : memref<10000x128xf32, #tpu.memory_space<vmem_shared>> -> memref<128x128xf32, #tpu.memory_space<vmem_shared>>
      %dma_start3A_50 = arith.constant 0 : i32
      %dma_start3A_51 = tpu.memref_slice %arg11[%add3A_7, %dma_start3A_50] : memref<10000x128xf32, #tpu.memory_space<vmem_shared>> -> memref<128x128xf32, #tpu.memory_space<vmem_shared>>
      tpu.enqueue_dma source(%arg10 : memref<128x128xf32, #tpu.memory_space<vmem>>) target(%dma_start3A_51 : memref<128x128xf32, #tpu.memory_space<vmem_shared>>) target_semaphore(%run_scoped3A : memref<!tpu.dma_semaphore, #tpu.memory_space<semaphore_mem>>)
      %dma_wait3A = arith.constant 0 : i32
      %dma_wait3A_52 = tpu.memref_slice %arg11[%add3A_7, %dma_wait3A] : memref<10000x128xf32, #tpu.memory_space<vmem_shared>> -> memref<128x128xf32, #tpu.memory_space<vmem_shared>>
      %dma_wait3A_53 = arith.constant 0 : i32
      %dma_wait3A_54 = tpu.memref_slice %arg11[%add3A_7, %dma_wait3A_53] : memref<10000x128xf32, #tpu.memory_space<vmem_shared>> -> memref<128x128xf32, #tpu.memory_space<vmem_shared>>
      tpu.wait_dma2 semaphore(%run_scoped3A : memref<!tpu.dma_semaphore, #tpu.memory_space<semaphore_mem>>) src(%arg10 : memref<128x128xf32, #tpu.memory_space<vmem>>) dst(%dma_wait3A_54 : memref<128x128xf32, #tpu.memory_space<vmem_shared>>)
      tpu.yield
    }) : () -> ()
    %add3A_8 = arith.constant 128 : i32
    %add3A_9 = arith.addi %multiple_of3A, %add3A_8 : i32
    "tpu.region"() ({
      %run_scoped3A = tpu.sem_alloc : memref<!tpu.dma_semaphore, #tpu.memory_space<semaphore_mem>>
      %dma_start3A = arith.constant 0 : i32
      %dma_start3A_49 = tpu.memref_slice %arg11[%add3A_9, %dma_start3A] : memref<10000x128xf32, #tpu.memory_space<vmem_shared>> -> memref<128x128xf32, #tpu.memory_space<vmem_shared>>
      %dma_start3A_50 = arith.constant 0 : i32
      %dma_start3A_51 = tpu.memref_slice %arg11[%add3A_9, %dma_start3A_50] : memref<10000x128xf32, #tpu.memory_space<vmem_shared>> -> memref<128x128xf32, #tpu.memory_space<vmem_shared>>
      tpu.enqueue_dma source(%arg10 : memref<128x128xf32, #tpu.memory_space<vmem>>) target(%dma_start3A_51 : memref<128x128xf32, #tpu.memory_space<vmem_shared>>) target_semaphore(%run_scoped3A : memref<!tpu.dma_semaphore, #tpu.memory_space<semaphore_mem>>)
      %dma_wait3A = arith.constant 0 : i32
      %dma_wait3A_52 = tpu.memref_slice %arg11[%add3A_9, %dma_wait3A] : memref<10000x128xf32, #tpu.memory_space<vmem_shared>> -> memref<128x128xf32, #tpu.memory_space<vmem_shared>>
      %dma_wait3A_53 = arith.constant 0 : i32
      %dma_wait3A_54 = tpu.memref_slice %arg11[%add3A_9, %dma_wait3A_53] : memref<10000x128xf32, #tpu.memory_space<vmem_shared>> -> memref<128x128xf32, #tpu.memory_space<vmem_shared>>
      tpu.wait_dma2 semaphore(%run_scoped3A : memref<!tpu.dma_semaphore, #tpu.memory_space<semaphore_mem>>) src(%arg10 : memref<128x128xf32, #tpu.memory_space<vmem>>) dst(%dma_wait3A_54 : memref<128x128xf32, #tpu.memory_space<vmem_shared>>)
      tpu.yield
    }) : () -> ()
    %add3A_10 = arith.constant 256 : i32
    %add3A_11 = arith.addi %multiple_of3A, %add3A_10 : i32
    "tpu.region"() ({
      %run_scoped3A = tpu.sem_alloc : memref<!tpu.dma_semaphore, #tpu.memory_space<semaphore_mem>>
      %dma_start3A = arith.constant 0 : i32
      %dma_start3A_49 = tpu.memref_slice %arg11[%add3A_11, %dma_start3A] : memref<10000x128xf32, #tpu.memory_space<vmem_shared>> -> memref<128x128xf32, #tpu.memory_space<vmem_shared>>
      %dma_start3A_50 = arith.constant 0 : i32
      %dma_start3A_51 = tpu.memref_slice %arg11[%add3A_11, %dma_start3A_50] : memref<10000x128xf32, #tpu.memory_space<vmem_shared>> -> memref<128x128xf32, #tpu.memory_space<vmem_shared>>
      tpu.enqueue_dma source(%arg10 : memref<128x128xf32, #tpu.memory_space<vmem>>) target(%dma_start3A_51 : memref<128x128xf32, #tpu.memory_space<vmem_shared>>) target_semaphore(%run_scoped3A : memref<!tpu.dma_semaphore, #tpu.memory_space<semaphore_mem>>)
      %dma_wait3A = arith.constant 0 : i32
      %dma_wait3A_52 = tpu.memref_slice %arg11[%add3A_11, %dma_wait3A] : memref<10000x128xf32, #tpu.memory_space<vmem_shared>> -> memref<128x128xf32, #tpu.memory_space<vmem_shared>>
      %dma_wait3A_53 = arith.constant 0 : i32
      %dma_wait3A_54 = tpu.memref_slice %arg11[%add3A_11, %dma_wait3A_53] : memref<10000x128xf32, #tpu.memory_space<vmem_shared>> -> memref<128x128xf32, #tpu.memory_space<vmem_shared>>
      tpu.wait_dma2 semaphore(%run_scoped3A : memref<!tpu.dma_semaphore, #tpu.memory_space<semaphore_mem>>) src(%arg10 : memref<128x128xf32, #tpu.memory_space<vmem>>) dst(%dma_wait3A_54 : memref<128x128xf32, #tpu.memory_space<vmem_shared>>)
      tpu.yield
    }) : () -> ()
    %add3A_12 = arith.constant 384 : i32
    %add3A_13 = arith.addi %multiple_of3A, %add3A_12 : i32
    "tpu.region"() ({
      %run_scoped3A = tpu.sem_alloc : memref<!tpu.dma_semaphore, #tpu.memory_space<semaphore_mem>>
      %dma_start3A = arith.constant 0 : i32
      %dma_start3A_49 = tpu.memref_slice %arg11[%add3A_13, %dma_start3A] : memref<10000x128xf32, #tpu.memory_space<vmem_shared>> -> memref<128x128xf32, #tpu.memory_space<vmem_shared>>
      %dma_start3A_50 = arith.constant 0 : i32
      %dma_start3A_51 = tpu.memref_slice %arg11[%add3A_13, %dma_start3A_50] : memref<10000x128xf32, #tpu.memory_space<vmem_shared>> -> memref<128x128xf32, #tpu.memory_space<vmem_shared>>
      tpu.enqueue_dma source(%arg10 : memref<128x128xf32, #tpu.memory_space<vmem>>) target(%dma_start3A_51 : memref<128x128xf32, #tpu.memory_space<vmem_shared>>) target_semaphore(%run_scoped3A : memref<!tpu.dma_semaphore, #tpu.memory_space<semaphore_mem>>)
      %dma_wait3A = arith.constant 0 : i32
      %dma_wait3A_52 = tpu.memref_slice %arg11[%add3A_13, %dma_wait3A] : memref<10000x128xf32, #tpu.memory_space<vmem_shared>> -> memref<128x128xf32, #tpu.memory_space<vmem_shared>>
      %dma_wait3A_53 = arith.constant 0 : i32
      %dma_wait3A_54 = tpu.memref_slice %arg11[%add3A_13, %dma_wait3A_53] : memref<10000x128xf32, #tpu.memory_space<vmem_shared>> -> memref<128x128xf32, #tpu.memory_space<vmem_shared>>
      tpu.wait_dma2 semaphore(%run_scoped3A : memref<!tpu.dma_semaphore, #tpu.memory_space<semaphore_mem>>) src(%arg10 : memref<128x128xf32, #tpu.memory_space<vmem>>) dst(%dma_wait3A_54 : memref<128x128xf32, #tpu.memory_space<vmem_shared>>)
      tpu.yield
    }) : () -> ()
    %add3A_14 = arith.constant 520 : i32
    %add3A_15 = arith.addi %multiple_of3A, %add3A_14 : i32
    %sub3A = arith.constant 8 : i32
    %sub3A_16 = arith.subi %add3A_15, %sub3A : i32
    %add3A_17 = arith.constant 520 : i32
    %add3A_18 = arith.addi %multiple_of3A, %add3A_17 : i32
    "tpu.region"() ({
      %run_scoped3A = tpu.sem_alloc : memref<!tpu.dma_semaphore, #tpu.memory_space<semaphore_mem>>
      %dma_start3A = arith.constant 0 : i32
      %dma_start3A_49 = arith.constant 0 : i32
      %dma_start3A_50 = tpu.memref_slice %arg10[%dma_start3A, %dma_start3A_49] : memref<128x128xf32, #tpu.memory_space<vmem>> -> memref<8x128xf32, #tpu.memory_space<vmem>>
      %dma_start3A_51 = arith.constant 0 : i32
      %dma_start3A_52 = tpu.memref_slice %arg11[%sub3A_16, %dma_start3A_51] : memref<10000x128xf32, #tpu.memory_space<vmem_shared>> -> memref<8x128xf32, #tpu.memory_space<vmem_shared>>
      %dma_start3A_53 = arith.constant 0 : i32
      %dma_start3A_54 = tpu.memref_slice %arg11[%sub3A_16, %dma_start3A_53] : memref<10000x128xf32, #tpu.memory_space<vmem_shared>> -> memref<8x128xf32, #tpu.memory_space<vmem_shared>>
      %dma_start3A_55 = arith.constant 0 : i32
      %dma_start3A_56 = arith.constant 0 : i32
      %dma_start3A_57 = tpu.memref_slice %arg10[%dma_start3A_55, %dma_start3A_56] : memref<128x128xf32, #tpu.memory_space<vmem>> -> memref<8x128xf32, #tpu.memory_space<vmem>>
      tpu.enqueue_dma source(%dma_start3A_57 : memref<8x128xf32, #tpu.memory_space<vmem>>) target(%dma_start3A_54 : memref<8x128xf32, #tpu.memory_space<vmem_shared>>) target_semaphore(%run_scoped3A : memref<!tpu.dma_semaphore, #tpu.memory_space<semaphore_mem>>)
      %dma_wait3A = arith.constant 0 : i32
      %dma_wait3A_58 = arith.constant 0 : i32
      %dma_wait3A_59 = tpu.memref_slice %arg10[%dma_wait3A, %dma_wait3A_58] : memref<128x128xf32, #tpu.memory_space<vmem>> -> memref<8x128xf32, #tpu.memory_space<vmem>>
      %dma_wait3A_60 = arith.constant 0 : i32
      %dma_wait3A_61 = tpu.memref_slice %arg11[%sub3A_16, %dma_wait3A_60] : memref<10000x128xf32, #tpu.memory_space<vmem_shared>> -> memref<8x128xf32, #tpu.memory_space<vmem_shared>>
      %dma_wait3A_62 = arith.constant 0 : i32
      %dma_wait3A_63 = tpu.memref_slice %arg11[%sub3A_16, %dma_wait3A_62] : memref<10000x128xf32, #tpu.memory_space<vmem_shared>> -> memref<8x128xf32, #tpu.memory_space<vmem_shared>>
      %dma_wait3A_64 = arith.constant 0 : i32
      %dma_wait3A_65 = arith.constant 0 : i32
      %dma_wait3A_66 = tpu.memref_slice %arg10[%dma_wait3A_64, %dma_wait3A_65] : memref<128x128xf32, #tpu.memory_space<vmem>> -> memref<8x128xf32, #tpu.memory_space<vmem>>
      tpu.wait_dma2 semaphore(%run_scoped3A : memref<!tpu.dma_semaphore, #tpu.memory_space<semaphore_mem>>) src(%dma_wait3A_66 : memref<8x128xf32, #tpu.memory_space<vmem>>) dst(%dma_wait3A_63 : memref<8x128xf32, #tpu.memory_space<vmem_shared>>)
      tpu.yield
    }) : () -> ()
    %lt3A = arith.constant 15 : i32
    %lt3A_19 = arith.cmpi slt, %arg1, %lt3A : i32
    %convert_element_type3A = arith.extui %lt3A_19 : i1 to i32
    %cond3A = arith.constant 0 : i32
    %cond3A_20 = arith.cmpi ne, %convert_element_type3A, %cond3A : i32
    scf.if %cond3A_20 {
      "tpu.region"() ({
        %run_scoped3A = tpu.sem_alloc : memref<!tpu.dma_semaphore, #tpu.memory_space<semaphore_mem>>
        %dma_start3A = arith.constant 0 : i32
        %dma_start3A_49 = arith.constant 0 : i32
        %dma_start3A_50 = tpu.memref_slice %arg10[%dma_start3A, %dma_start3A_49] : memref<128x128xf32, #tpu.memory_space<vmem>> -> memref<112x128xf32, #tpu.memory_space<vmem>>
        %dma_start3A_51 = arith.constant 0 : i32
        %dma_start3A_52 = tpu.memref_slice %arg11[%add3A_18, %dma_start3A_51] : memref<10000x128xf32, #tpu.memory_space<vmem_shared>> -> memref<112x128xf32, #tpu.memory_space<vmem_shared>>
        %dma_start3A_53 = arith.constant 0 : i32
        %dma_start3A_54 = tpu.memref_slice %arg11[%add3A_18, %dma_start3A_53] : memref<10000x128xf32, #tpu.memory_space<vmem_shared>> -> memref<112x128xf32, #tpu.memory_space<vmem_shared>>
        %dma_start3A_55 = arith.constant 0 : i32
        %dma_start3A_56 = arith.constant 0 : i32
        %dma_start3A_57 = tpu.memref_slice %arg10[%dma_start3A_55, %dma_start3A_56] : memref<128x128xf32, #tpu.memory_space<vmem>> -> memref<112x128xf32, #tpu.memory_space<vmem>>
        tpu.enqueue_dma source(%dma_start3A_57 : memref<112x128xf32, #tpu.memory_space<vmem>>) target(%dma_start3A_54 : memref<112x128xf32, #tpu.memory_space<vmem_shared>>) target_semaphore(%run_scoped3A : memref<!tpu.dma_semaphore, #tpu.memory_space<semaphore_mem>>)
        %dma_wait3A = arith.constant 0 : i32
        %dma_wait3A_58 = arith.constant 0 : i32
        %dma_wait3A_59 = tpu.memref_slice %arg10[%dma_wait3A, %dma_wait3A_58] : memref<128x128xf32, #tpu.memory_space<vmem>> -> memref<112x128xf32, #tpu.memory_space<vmem>>
        %dma_wait3A_60 = arith.constant 0 : i32
        %dma_wait3A_61 = tpu.memref_slice %arg11[%add3A_18, %dma_wait3A_60] : memref<10000x128xf32, #tpu.memory_space<vmem_shared>> -> memref<112x128xf32, #tpu.memory_space<vmem_shared>>
        %dma_wait3A_62 = arith.constant 0 : i32
        %dma_wait3A_63 = tpu.memref_slice %arg11[%add3A_18, %dma_wait3A_62] : memref<10000x128xf32, #tpu.memory_space<vmem_shared>> -> memref<112x128xf32, #tpu.memory_space<vmem_shared>>
        %dma_wait3A_64 = arith.constant 0 : i32
        %dma_wait3A_65 = arith.constant 0 : i32
        %dma_wait3A_66 = tpu.memref_slice %arg10[%dma_wait3A_64, %dma_wait3A_65] : memref<128x128xf32, #tpu.memory_space<vmem>> -> memref<112x128xf32, #tpu.memory_space<vmem>>
        tpu.wait_dma2 semaphore(%run_scoped3A : memref<!tpu.dma_semaphore, #tpu.memory_space<semaphore_mem>>) src(%dma_wait3A_66 : memref<112x128xf32, #tpu.memory_space<vmem>>) dst(%dma_wait3A_63 : memref<112x128xf32, #tpu.memory_space<vmem_shared>>)
        tpu.yield
      }) : () -> ()
    } else {
    }
    %barrier3A = arith.constant 0 : index
    tpu.barrier barrier_id(%barrier3A)
    %mul3A_21 = arith.constant 10000 : i32
    %mul3A_22 = arith.muli %arg0, %mul3A_21 : i32
    %scan3A_23 = arith.constant 0 : i32
    %scan3A_24 = arith.constant 0 : i32
    %scan3A_25 = arith.constant 79 : i32
    %scan3A_26 = arith.addi %scan3A_24, %scan3A_25 : i32
    %scan3A_27 = arith.constant 1 : i32
    scf.for %scan3A_49 = %scan3A_24 to %scan3A_26 step %scan3A_27  : i32 {
      %mul3A_50 = arith.constant 79 : i32
      %mul3A_51 = arith.muli %arg1, %mul3A_50 : i32
      %add3A_52 = arith.addi %mul3A_51, %scan3A_49 : i32
      %mul3A_53 = arith.constant 128 : i32
      %mul3A_54 = arith.muli %add3A_52, %mul3A_53 : i32
      "tpu.region"() ({
        %run_scoped3A = tpu.sem_alloc : memref<!tpu.dma_semaphore, #tpu.memory_space<semaphore_mem>>
        %dma_start3A_135 = tpu.memref_slice %arg3[%mul3A_54] : memref<161792xi32, #tpu.memory_space<hbm>> -> memref<128xi32, #tpu.memory_space<hbm>>
        %dma_start3A_136 = tpu.memref_slice %arg3[%mul3A_54] : memref<161792xi32, #tpu.memory_space<hbm>> -> memref<128xi32, #tpu.memory_space<hbm>>
        tpu.enqueue_dma source(%dma_start3A_136 : memref<128xi32, #tpu.memory_space<hbm>>) target(%arg7 : memref<128xi32, #tpu.memory_space<vmem>>) target_semaphore(%run_scoped3A : memref<!tpu.dma_semaphore, #tpu.memory_space<semaphore_mem>>)
        %dma_wait3A_137 = tpu.memref_slice %arg3[%mul3A_54] : memref<161792xi32, #tpu.memory_space<hbm>> -> memref<128xi32, #tpu.memory_space<hbm>>
        %dma_wait3A_138 = tpu.memref_slice %arg3[%mul3A_54] : memref<161792xi32, #tpu.memory_space<hbm>> -> memref<128xi32, #tpu.memory_space<hbm>>
        tpu.wait_dma2 semaphore(%run_scoped3A : memref<!tpu.dma_semaphore, #tpu.memory_space<semaphore_mem>>) src(%dma_wait3A_138 : memref<128xi32, #tpu.memory_space<hbm>>) dst(%arg7 : memref<128xi32, #tpu.memory_space<vmem>>)
        tpu.yield
      }) : () -> ()
      "tpu.region"() ({
        %run_scoped3A = tpu.sem_alloc : memref<!tpu.dma_semaphore, #tpu.memory_space<semaphore_mem>>
        %dma_start3A_135 = tpu.memref_slice %arg4[%mul3A_54] : memref<161792xi32, #tpu.memory_space<hbm>> -> memref<128xi32, #tpu.memory_space<hbm>>
        %dma_start3A_136 = tpu.memref_slice %arg4[%mul3A_54] : memref<161792xi32, #tpu.memory_space<hbm>> -> memref<128xi32, #tpu.memory_space<hbm>>
        tpu.enqueue_dma source(%dma_start3A_136 : memref<128xi32, #tpu.memory_space<hbm>>) target(%arg8 : memref<128xi32, #tpu.memory_space<vmem>>) target_semaphore(%run_scoped3A : memref<!tpu.dma_semaphore, #tpu.memory_space<semaphore_mem>>)
        %dma_wait3A_137 = tpu.memref_slice %arg4[%mul3A_54] : memref<161792xi32, #tpu.memory_space<hbm>> -> memref<128xi32, #tpu.memory_space<hbm>>
        %dma_wait3A_138 = tpu.memref_slice %arg4[%mul3A_54] : memref<161792xi32, #tpu.memory_space<hbm>> -> memref<128xi32, #tpu.memory_space<hbm>>
        tpu.wait_dma2 semaphore(%run_scoped3A : memref<!tpu.dma_semaphore, #tpu.memory_space<semaphore_mem>>) src(%dma_wait3A_138 : memref<128xi32, #tpu.memory_space<hbm>>) dst(%arg8 : memref<128xi32, #tpu.memory_space<vmem>>)
        tpu.yield
      }) : () -> ()
      "tpu.region"() ({
        %run_scoped3A = tpu.sem_alloc : memref<!tpu.dma_semaphore, #tpu.memory_space<semaphore_mem>>
        %dma_start3A_135 = tpu.memref_slice %arg5[%mul3A_54] : memref<161792xf32, #tpu.memory_space<hbm>> -> memref<128xf32, #tpu.memory_space<hbm>>
        %dma_start3A_136 = tpu.memref_slice %arg5[%mul3A_54] : memref<161792xf32, #tpu.memory_space<hbm>> -> memref<128xf32, #tpu.memory_space<hbm>>
        tpu.enqueue_dma source(%dma_start3A_136 : memref<128xf32, #tpu.memory_space<hbm>>) target(%arg9 : memref<128xf32, #tpu.memory_space<vmem>>) target_semaphore(%run_scoped3A : memref<!tpu.dma_semaphore, #tpu.memory_space<semaphore_mem>>)
        %dma_wait3A_137 = tpu.memref_slice %arg5[%mul3A_54] : memref<161792xf32, #tpu.memory_space<hbm>> -> memref<128xf32, #tpu.memory_space<hbm>>
        %dma_wait3A_138 = tpu.memref_slice %arg5[%mul3A_54] : memref<161792xf32, #tpu.memory_space<hbm>> -> memref<128xf32, #tpu.memory_space<hbm>>
        tpu.wait_dma2 semaphore(%run_scoped3A : memref<!tpu.dma_semaphore, #tpu.memory_space<semaphore_mem>>) src(%dma_wait3A_138 : memref<128xf32, #tpu.memory_space<hbm>>) dst(%arg9 : memref<128xf32, #tpu.memory_space<vmem>>)
        tpu.yield
      }) : () -> ()
      %get3A = arith.constant 0 : index
      %get3A_55 = tpu.vector_load %arg7[%get3A] {strides = array<i32>} : memref<128xi32, #tpu.memory_space<vmem>>, vector<16xi32>,
      %get3A_56 = vector.shape_cast %get3A_55 : vector<16xi32> to vector<16xi32>
      %add3A_57 = vector.broadcast %mul3A_22 : i32 to vector<16xi32>
      %add3A_58 = arith.addi %get3A_56, %add3A_57 : vector<16xi32>
      %swap3A = arith.constant 0 : index
      %swap3A_59 = tpu.vector_load %arg7[%swap3A] {strides = array<i32>} : memref<128xi32, #tpu.memory_space<vmem>>, vector<16xi32>,
      %swap3A_60 = vector.shape_cast %swap3A_59 : vector<16xi32> to vector<16xi32>
      %swap3A_61 = vector.shape_cast %add3A_58 : vector<16xi32> to vector<16xi32>
      tpu.vector_store %arg7[%swap3A], %swap3A_61 {strides = array<i32>} : memref<128xi32, #tpu.memory_space<vmem>>, vector<16xi32>,
      %get3A_62 = arith.constant 16 : index
      %get3A_63 = tpu.vector_load %arg7[%get3A_62] {strides = array<i32>} : memref<128xi32, #tpu.memory_space<vmem>>, vector<16xi32>,
      %get3A_64 = vector.shape_cast %get3A_63 : vector<16xi32> to vector<16xi32>
      %add3A_65 = vector.broadcast %mul3A_22 : i32 to vector<16xi32>
      %add3A_66 = arith.addi %get3A_64, %add3A_65 : vector<16xi32>
      %swap3A_67 = arith.constant 16 : index
      %swap3A_68 = tpu.vector_load %arg7[%swap3A_67] {strides = array<i32>} : memref<128xi32, #tpu.memory_space<vmem>>, vector<16xi32>,
      %swap3A_69 = vector.shape_cast %swap3A_68 : vector<16xi32> to vector<16xi32>
      %swap3A_70 = vector.shape_cast %add3A_66 : vector<16xi32> to vector<16xi32>
      tpu.vector_store %arg7[%swap3A_67], %swap3A_70 {strides = array<i32>} : memref<128xi32, #tpu.memory_space<vmem>>, vector<16xi32>,
      %get3A_71 = arith.constant 32 : index
      %get3A_72 = tpu.vector_load %arg7[%get3A_71] {strides = array<i32>} : memref<128xi32, #tpu.memory_space<vmem>>, vector<16xi32>,
      %get3A_73 = vector.shape_cast %get3A_72 : vector<16xi32> to vector<16xi32>
      %add3A_74 = vector.broadcast %mul3A_22 : i32 to vector<16xi32>
      %add3A_75 = arith.addi %get3A_73, %add3A_74 : vector<16xi32>
      %swap3A_76 = arith.constant 32 : index
      %swap3A_77 = tpu.vector_load %arg7[%swap3A_76] {strides = array<i32>} : memref<128xi32, #tpu.memory_space<vmem>>, vector<16xi32>,
      %swap3A_78 = vector.shape_cast %swap3A_77 : vector<16xi32> to vector<16xi32>
      %swap3A_79 = vector.shape_cast %add3A_75 : vector<16xi32> to vector<16xi32>
      tpu.vector_store %arg7[%swap3A_76], %swap3A_79 {strides = array<i32>} : memref<128xi32, #tpu.memory_space<vmem>>, vector<16xi32>,
      %get3A_80 = arith.constant 48 : index
      %get3A_81 = tpu.vector_load %arg7[%get3A_80] {strides = array<i32>} : memref<128xi32, #tpu.memory_space<vmem>>, vector<16xi32>,
      %get3A_82 = vector.shape_cast %get3A_81 : vector<16xi32> to vector<16xi32>
      %add3A_83 = vector.broadcast %mul3A_22 : i32 to vector<16xi32>
      %add3A_84 = arith.addi %get3A_82, %add3A_83 : vector<16xi32>
      %swap3A_85 = arith.constant 48 : index
      %swap3A_86 = tpu.vector_load %arg7[%swap3A_85] {strides = array<i32>} : memref<128xi32, #tpu.memory_space<vmem>>, vector<16xi32>,
      %swap3A_87 = vector.shape_cast %swap3A_86 : vector<16xi32> to vector<16xi32>
      %swap3A_88 = vector.shape_cast %add3A_84 : vector<16xi32> to vector<16xi32>
      tpu.vector_store %arg7[%swap3A_85], %swap3A_88 {strides = array<i32>} : memref<128xi32, #tpu.memory_space<vmem>>, vector<16xi32>,
      %get3A_89 = arith.constant 64 : index
      %get3A_90 = tpu.vector_load %arg7[%get3A_89] {strides = array<i32>} : memref<128xi32, #tpu.memory_space<vmem>>, vector<16xi32>,
      %get3A_91 = vector.shape_cast %get3A_90 : vector<16xi32> to vector<16xi32>
      %add3A_92 = vector.broadcast %mul3A_22 : i32 to vector<16xi32>
      %add3A_93 = arith.addi %get3A_91, %add3A_92 : vector<16xi32>
      %swap3A_94 = arith.constant 64 : index
      %swap3A_95 = tpu.vector_load %arg7[%swap3A_94] {strides = array<i32>} : memref<128xi32, #tpu.memory_space<vmem>>, vector<16xi32>,
      %swap3A_96 = vector.shape_cast %swap3A_95 : vector<16xi32> to vector<16xi32>
      %swap3A_97 = vector.shape_cast %add3A_93 : vector<16xi32> to vector<16xi32>
      tpu.vector_store %arg7[%swap3A_94], %swap3A_97 {strides = array<i32>} : memref<128xi32, #tpu.memory_space<vmem>>, vector<16xi32>,
      %get3A_98 = arith.constant 80 : index
      %get3A_99 = tpu.vector_load %arg7[%get3A_98] {strides = array<i32>} : memref<128xi32, #tpu.memory_space<vmem>>, vector<16xi32>,
      %get3A_100 = vector.shape_cast %get3A_99 : vector<16xi32> to vector<16xi32>
      %add3A_101 = vector.broadcast %mul3A_22 : i32 to vector<16xi32>
      %add3A_102 = arith.addi %get3A_100, %add3A_101 : vector<16xi32>
      %swap3A_103 = arith.constant 80 : index
      %swap3A_104 = tpu.vector_load %arg7[%swap3A_103] {strides = array<i32>} : memref<128xi32, #tpu.memory_space<vmem>>, vector<16xi32>,
      %swap3A_105 = vector.shape_cast %swap3A_104 : vector<16xi32> to vector<16xi32>
      %swap3A_106 = vector.shape_cast %add3A_102 : vector<16xi32> to vector<16xi32>
      tpu.vector_store %arg7[%swap3A_103], %swap3A_106 {strides = array<i32>} : memref<128xi32, #tpu.memory_space<vmem>>, vector<16xi32>,
      %get3A_107 = arith.constant 96 : index
      %get3A_108 = tpu.vector_load %arg7[%get3A_107] {strides = array<i32>} : memref<128xi32, #tpu.memory_space<vmem>>, vector<16xi32>,
      %get3A_109 = vector.shape_cast %get3A_108 : vector<16xi32> to vector<16xi32>
      %add3A_110 = vector.broadcast %mul3A_22 : i32 to vector<16xi32>
      %add3A_111 = arith.addi %get3A_109, %add3A_110 : vector<16xi32>
      %swap3A_112 = arith.constant 96 : index
      %swap3A_113 = tpu.vector_load %arg7[%swap3A_112] {strides = array<i32>} : memref<128xi32, #tpu.memory_space<vmem>>, vector<16xi32>,
      %swap3A_114 = vector.shape_cast %swap3A_113 : vector<16xi32> to vector<16xi32>
      %swap3A_115 = vector.shape_cast %add3A_111 : vector<16xi32> to vector<16xi32>
      tpu.vector_store %arg7[%swap3A_112], %swap3A_115 {strides = array<i32>} : memref<128xi32, #tpu.memory_space<vmem>>, vector<16xi32>,
      %get3A_116 = arith.constant 112 : index
      %get3A_117 = tpu.vector_load %arg7[%get3A_116] {strides = array<i32>} : memref<128xi32, #tpu.memory_space<vmem>>, vector<16xi32>,
      %get3A_118 = vector.shape_cast %get3A_117 : vector<16xi32> to vector<16xi32>
      %add3A_119 = vector.broadcast %mul3A_22 : i32 to vector<16xi32>
      %add3A_120 = arith.addi %get3A_118, %add3A_119 : vector<16xi32>
      %swap3A_121 = arith.constant 112 : index
      %swap3A_122 = tpu.vector_load %arg7[%swap3A_121] {strides = array<i32>} : memref<128xi32, #tpu.memory_space<vmem>>, vector<16xi32>,
      %swap3A_123 = vector.shape_cast %swap3A_122 : vector<16xi32> to vector<16xi32>
      %swap3A_124 = vector.shape_cast %add3A_120 : vector<16xi32> to vector<16xi32>
      tpu.vector_store %arg7[%swap3A_121], %swap3A_124 {strides = array<i32>} : memref<128xi32, #tpu.memory_space<vmem>>, vector<16xi32>,
      %dma_start3A = arith.constant 0 : i32
      %dma_start3A_125 = arith.constant 0 : i32
      %dma_start3A_126 = tpu.memref_slice %arg2[%dma_start3A, %dma_start3A_125] : memref<20000x128xf32, #tpu.memory_space<hbm>> -> memref<20000x128xf32, #tpu.memory_space<hbm>>
      tpu.enqueue_indirect_dma source(%dma_start3A_126 : memref<20000x128xf32, #tpu.memory_space<hbm>>) target(%arg10 : memref<128x128xf32, #tpu.memory_space<vmem>>) offsets(%arg7 : memref<128xi32, #tpu.memory_space<vmem>>) semaphore(%arg12 : memref<!tpu.dma_semaphore, #tpu.memory_space<semaphore_mem>>)
      %dma_wait3A = arith.constant 0 : i32
      %dma_wait3A_127 = arith.constant 0 : i32
      %dma_wait3A_128 = tpu.memref_slice %arg2[%dma_wait3A, %dma_wait3A_127] : memref<20000x128xf32, #tpu.memory_space<hbm>> -> memref<20000x128xf32, #tpu.memory_space<hbm>>
      tpu.wait_indirect_dma semaphore(%arg12 : memref<!tpu.dma_semaphore, #tpu.memory_space<semaphore_mem>>) src(%dma_wait3A_128 : memref<20000x128xf32, #tpu.memory_space<hbm>>) dst(%arg10 : memref<128x128xf32, #tpu.memory_space<vmem>>)
      %scan3A_129 = arith.constant 0 : i32
      %scan3A_130 = arith.constant 0 : i32
      %scan3A_131 = arith.constant 8 : i32
      %scan3A_132 = arith.addi %scan3A_130, %scan3A_131 : i32
      %scan3A_133 = arith.constant 1 : i32
      scf.for %scan3A_135 = %scan3A_130 to %scan3A_132 step %scan3A_133  : i32 {
        %mul3A_136 = arith.constant 16 : i32
        %mul3A_137 = arith.muli %scan3A_135, %mul3A_136 : i32
        %get3A_138 = arith.index_cast %mul3A_137 : i32 to index
        %get3A_139 = tpu.vector_load %arg9[%get3A_138] {strides = array<i32>} : memref<128xf32, #tpu.memory_space<vmem>>, vector<16xf32>,
        %get3A_140 = vector.shape_cast %get3A_139 : vector<16xf32> to vector<16xf32>
        %slice3A = vector.extract_strided_slice %get3A_140 {offsets = [0], sizes = [1], strides = [1]} : vector<16xf32> to vector<1xf32>
        %squeeze3A = vector.extract %slice3A[0] : f32 from vector<1xf32>
        %broadcast_in_dim3A_141 = vector.broadcast %squeeze3A : f32 to vector<16xf32>
        %mul3A_142 = arith.constant 16 : i32
        %mul3A_143 = arith.muli %scan3A_135, %mul3A_142 : i32
        %add3A_144 = arith.constant 0 : i32
        %add3A_145 = arith.addi %mul3A_143, %add3A_144 : i32
        %get3A_146 = arith.index_cast %add3A_145 : i32 to index
        %get3A_147 = arith.constant 0 : index
        %get3A_148 = tpu.vector_load %arg10[%get3A_146, %get3A_147] {strides = array<i32>} : memref<128x128xf32, #tpu.memory_space<vmem>>, vector<1x16xf32>,
        %get3A_149 = vector.shape_cast %get3A_148 : vector<1x16xf32> to vector<16xf32>
        %mul3A_150 = arith.mulf %get3A_149, %broadcast_in_dim3A_141 : vector<16xf32>
        %swap3A_151 = arith.index_cast %add3A_145 : i32 to index
        %swap3A_152 = arith.constant 0 : index
        %swap3A_153 = tpu.vector_load %arg10[%swap3A_151, %swap3A_152] {strides = array<i32>} : memref<128x128xf32, #tpu.memory_space<vmem>>, vector<1x16xf32>,
        %swap3A_154 = vector.shape_cast %swap3A_153 : vector<1x16xf32> to vector<16xf32>
        %swap3A_155 = vector.shape_cast %mul3A_150 : vector<16xf32> to vector<1x16xf32>
        tpu.vector_store %arg10[%swap3A_151, %swap3A_152], %swap3A_155 {strides = array<i32>} : memref<128x128xf32, #tpu.memory_space<vmem>>, vector<1x16xf32>,
        %get3A_156 = arith.index_cast %add3A_145 : i32 to index
        %get3A_157 = arith.constant 16 : index
        %get3A_158 = tpu.vector_load %arg10[%get3A_156, %get3A_157] {strides = array<i32>} : memref<128x128xf32, #tpu.memory_space<vmem>>, vector<1x16xf32>,
        %get3A_159 = vector.shape_cast %get3A_158 : vector<1x16xf32> to vector<16xf32>
        %mul3A_160 = arith.mulf %get3A_159, %broadcast_in_dim3A_141 : vector<16xf32>
        %swap3A_161 = arith.index_cast %add3A_145 : i32 to index
        %swap3A_162 = arith.constant 16 : index
        %swap3A_163 = tpu.vector_load %arg10[%swap3A_161, %swap3A_162] {strides = array<i32>} : memref<128x128xf32, #tpu.memory_space<vmem>>, vector<1x16xf32>,
        %swap3A_164 = vector.shape_cast %swap3A_163 : vector<1x16xf32> to vector<16xf32>
        %swap3A_165 = vector.shape_cast %mul3A_160 : vector<16xf32> to vector<1x16xf32>
        tpu.vector_store %arg10[%swap3A_161, %swap3A_162], %swap3A_165 {strides = array<i32>} : memref<128x128xf32, #tpu.memory_space<vmem>>, vector<1x16xf32>,
        %get3A_166 = arith.index_cast %add3A_145 : i32 to index
        %get3A_167 = arith.constant 32 : index
        %get3A_168 = tpu.vector_load %arg10[%get3A_166, %get3A_167] {strides = array<i32>} : memref<128x128xf32, #tpu.memory_space<vmem>>, vector<1x16xf32>,
        %get3A_169 = vector.shape_cast %get3A_168 : vector<1x16xf32> to vector<16xf32>
        %mul3A_170 = arith.mulf %get3A_169, %broadcast_in_dim3A_141 : vector<16xf32>
        %swap3A_171 = arith.index_cast %add3A_145 : i32 to index
        %swap3A_172 = arith.constant 32 : index
        %swap3A_173 = tpu.vector_load %arg10[%swap3A_171, %swap3A_172] {strides = array<i32>} : memref<128x128xf32, #tpu.memory_space<vmem>>, vector<1x16xf32>,
        %swap3A_174 = vector.shape_cast %swap3A_173 : vector<1x16xf32> to vector<16xf32>
        %swap3A_175 = vector.shape_cast %mul3A_170 : vector<16xf32> to vector<1x16xf32>
        tpu.vector_store %arg10[%swap3A_171, %swap3A_172], %swap3A_175 {strides = array<i32>} : memref<128x128xf32, #tpu.memory_space<vmem>>, vector<1x16xf32>,
        %get3A_176 = arith.index_cast %add3A_145 : i32 to index
        %get3A_177 = arith.constant 48 : index
        %get3A_178 = tpu.vector_load %arg10[%get3A_176, %get3A_177] {strides = array<i32>} : memref<128x128xf32, #tpu.memory_space<vmem>>, vector<1x16xf32>,
        %get3A_179 = vector.shape_cast %get3A_178 : vector<1x16xf32> to vector<16xf32>
        %mul3A_180 = arith.mulf %get3A_179, %broadcast_in_dim3A_141 : vector<16xf32>
        %swap3A_181 = arith.index_cast %add3A_145 : i32 to index
        %swap3A_182 = arith.constant 48 : index
        %swap3A_183 = tpu.vector_load %arg10[%swap3A_181, %swap3A_182] {strides = array<i32>} : memref<128x128xf32, #tpu.memory_space<vmem>>, vector<1x16xf32>,
        %swap3A_184 = vector.shape_cast %swap3A_183 : vector<1x16xf32> to vector<16xf32>
        %swap3A_185 = vector.shape_cast %mul3A_180 : vector<16xf32> to vector<1x16xf32>
        tpu.vector_store %arg10[%swap3A_181, %swap3A_182], %swap3A_185 {strides = array<i32>} : memref<128x128xf32, #tpu.memory_space<vmem>>, vector<1x16xf32>,
        %get3A_186 = arith.index_cast %add3A_145 : i32 to index
        %get3A_187 = arith.constant 64 : index
        %get3A_188 = tpu.vector_load %arg10[%get3A_186, %get3A_187] {strides = array<i32>} : memref<128x128xf32, #tpu.memory_space<vmem>>, vector<1x16xf32>,
        %get3A_189 = vector.shape_cast %get3A_188 : vector<1x16xf32> to vector<16xf32>
        %mul3A_190 = arith.mulf %get3A_189, %broadcast_in_dim3A_141 : vector<16xf32>
        %swap3A_191 = arith.index_cast %add3A_145 : i32 to index
        %swap3A_192 = arith.constant 64 : index
        %swap3A_193 = tpu.vector_load %arg10[%swap3A_191, %swap3A_192] {strides = array<i32>} : memref<128x128xf32, #tpu.memory_space<vmem>>, vector<1x16xf32>,
        %swap3A_194 = vector.shape_cast %swap3A_193 : vector<1x16xf32> to vector<16xf32>
        %swap3A_195 = vector.shape_cast %mul3A_190 : vector<16xf32> to vector<1x16xf32>
        tpu.vector_store %arg10[%swap3A_191, %swap3A_192], %swap3A_195 {strides = array<i32>} : memref<128x128xf32, #tpu.memory_space<vmem>>, vector<1x16xf32>,
        %get3A_196 = arith.index_cast %add3A_145 : i32 to index
        %get3A_197 = arith.constant 80 : index
        %get3A_198 = tpu.vector_load %arg10[%get3A_196, %get3A_197] {strides = array<i32>} : memref<128x128xf32, #tpu.memory_space<vmem>>, vector<1x16xf32>,
        %get3A_199 = vector.shape_cast %get3A_198 : vector<1x16xf32> to vector<16xf32>
        %mul3A_200 = arith.mulf %get3A_199, %broadcast_in_dim3A_141 : vector<16xf32>
        %swap3A_201 = arith.index_cast %add3A_145 : i32 to index
        %swap3A_202 = arith.constant 80 : index
        %swap3A_203 = tpu.vector_load %arg10[%swap3A_201, %swap3A_202] {strides = array<i32>} : memref<128x128xf32, #tpu.memory_space<vmem>>, vector<1x16xf32>,
        %swap3A_204 = vector.shape_cast %swap3A_203 : vector<1x16xf32> to vector<16xf32>
        %swap3A_205 = vector.shape_cast %mul3A_200 : vector<16xf32> to vector<1x16xf32>
        tpu.vector_store %arg10[%swap3A_201, %swap3A_202], %swap3A_205 {strides = array<i32>} : memref<128x128xf32, #tpu.memory_space<vmem>>, vector<1x16xf32>,
        %get3A_206 = arith.index_cast %add3A_145 : i32 to index
        %get3A_207 = arith.constant 96 : index
        %get3A_208 = tpu.vector_load %arg10[%get3A_206, %get3A_207] {strides = array<i32>} : memref<128x128xf32, #tpu.memory_space<vmem>>, vector<1x16xf32>,
        %get3A_209 = vector.shape_cast %get3A_208 : vector<1x16xf32> to vector<16xf32>
        %mul3A_210 = arith.mulf %get3A_209, %broadcast_in_dim3A_141 : vector<16xf32>
        %swap3A_211 = arith.index_cast %add3A_145 : i32 to index
        %swap3A_212 = arith.constant 96 : index
        %swap3A_213 = tpu.vector_load %arg10[%swap3A_211, %swap3A_212] {strides = array<i32>} : memref<128x128xf32, #tpu.memory_space<vmem>>, vector<1x16xf32>,
        %swap3A_214 = vector.shape_cast %swap3A_213 : vector<1x16xf32> to vector<16xf32>
        %swap3A_215 = vector.shape_cast %mul3A_210 : vector<16xf32> to vector<1x16xf32>
        tpu.vector_store %arg10[%swap3A_211, %swap3A_212], %swap3A_215 {strides = array<i32>} : memref<128x128xf32, #tpu.memory_space<vmem>>, vector<1x16xf32>,
        %get3A_216 = arith.index_cast %add3A_145 : i32 to index
        %get3A_217 = arith.constant 112 : index
        %get3A_218 = tpu.vector_load %arg10[%get3A_216, %get3A_217] {strides = array<i32>} : memref<128x128xf32, #tpu.memory_space<vmem>>, vector<1x16xf32>,
        %get3A_219 = vector.shape_cast %get3A_218 : vector<1x16xf32> to vector<16xf32>
        %mul3A_220 = arith.mulf %get3A_219, %broadcast_in_dim3A_141 : vector<16xf32>
        %swap3A_221 = arith.index_cast %add3A_145 : i32 to index
        %swap3A_222 = arith.constant 112 : index
        %swap3A_223 = tpu.vector_load %arg10[%swap3A_221, %swap3A_222] {strides = array<i32>} : memref<128x128xf32, #tpu.memory_space<vmem>>, vector<1x16xf32>,
        %swap3A_224 = vector.shape_cast %swap3A_223 : vector<1x16xf32> to vector<16xf32>
        %swap3A_225 = vector.shape_cast %mul3A_220 : vector<16xf32> to vector<1x16xf32>
        tpu.vector_store %arg10[%swap3A_221, %swap3A_222], %swap3A_225 {strides = array<i32>} : memref<128x128xf32, #tpu.memory_space<vmem>>, vector<1x16xf32>,
        %slice3A_226 = vector.extract_strided_slice %get3A_140 {offsets = [1], sizes = [1], strides = [1]} : vector<16xf32> to vector<1xf32>
        %squeeze3A_227 = vector.extract %slice3A_226[0] : f32 from vector<1xf32>
        %broadcast_in_dim3A_228 = vector.broadcast %squeeze3A_227 : f32 to vector<16xf32>
        %mul3A_229 = arith.constant 16 : i32
        %mul3A_230 = arith.muli %scan3A_135, %mul3A_229 : i32
        %add3A_231 = arith.constant 1 : i32
        %add3A_232 = arith.addi %mul3A_230, %add3A_231 : i32
        %get3A_233 = arith.index_cast %add3A_232 : i32 to index
        %get3A_234 = arith.constant 0 : index
        %get3A_235 = tpu.vector_load %arg10[%get3A_233, %get3A_234] {strides = array<i32>} : memref<128x128xf32, #tpu.memory_space<vmem>>, vector<1x16xf32>,
        %get3A_236 = vector.shape_cast %get3A_235 : vector<1x16xf32> to vector<16xf32>
        %mul3A_237 = arith.mulf %get3A_236, %broadcast_in_dim3A_228 : vector<16xf32>
        %swap3A_238 = arith.index_cast %add3A_232 : i32 to index
        %swap3A_239 = arith.constant 0 : index
        %swap3A_240 = tpu.vector_load %arg10[%swap3A_238, %swap3A_239] {strides = array<i32>} : memref<128x128xf32, #tpu.memory_space<vmem>>, vector<1x16xf32>,
        %swap3A_241 = vector.shape_cast %swap3A_240 : vector<1x16xf32> to vector<16xf32>
        %swap3A_242 = vector.shape_cast %mul3A_237 : vector<16xf32> to vector<1x16xf32>
        tpu.vector_store %arg10[%swap3A_238, %swap3A_239], %swap3A_242 {strides = array<i32>} : memref<128x128xf32, #tpu.memory_space<vmem>>, vector<1x16xf32>,
        %get3A_243 = arith.index_cast %add3A_232 : i32 to index
        %get3A_244 = arith.constant 16 : index
        %get3A_245 = tpu.vector_load %arg10[%get3A_243, %get3A_244] {strides = array<i32>} : memref<128x128xf32, #tpu.memory_space<vmem>>, vector<1x16xf32>,
        %get3A_246 = vector.shape_cast %get3A_245 : vector<1x16xf32> to vector<16xf32>
        %mul3A_247 = arith.mulf %get3A_246, %broadcast_in_dim3A_228 : vector<16xf32>
        %swap3A_248 = arith.index_cast %add3A_232 : i32 to index
        %swap3A_249 = arith.constant 16 : index
        %swap3A_250 = tpu.vector_load %arg10[%swap3A_248, %swap3A_249] {strides = array<i32>} : memref<128x128xf32, #tpu.memory_space<vmem>>, vector<1x16xf32>,
        %swap3A_251 = vector.shape_cast %swap3A_250 : vector<1x16xf32> to vector<16xf32>
        %swap3A_252 = vector.shape_cast %mul3A_247 : vector<16xf32> to vector<1x16xf32>
        tpu.vector_store %arg10[%swap3A_248, %swap3A_249], %swap3A_252 {strides = array<i32>} : memref<128x128xf32, #tpu.memory_space<vmem>>, vector<1x16xf32>,
        %get3A_253 = arith.index_cast %add3A_232 : i32 to index
        %get3A_254 = arith.constant 32 : index
        %get3A_255 = tpu.vector_load %arg10[%get3A_253, %get3A_254] {strides = array<i32>} : memref<128x128xf32, #tpu.memory_space<vmem>>, vector<1x16xf32>,
        %get3A_256 = vector.shape_cast %get3A_255 : vector<1x16xf32> to vector<16xf32>
        %mul3A_257 = arith.mulf %get3A_256, %broadcast_in_dim3A_228 : vector<16xf32>
        %swap3A_258 = arith.index_cast %add3A_232 : i32 to index
        %swap3A_259 = arith.constant 32 : index
        %swap3A_260 = tpu.vector_load %arg10[%swap3A_258, %swap3A_259] {strides = array<i32>} : memref<128x128xf32, #tpu.memory_space<vmem>>, vector<1x16xf32>,
        %swap3A_261 = vector.shape_cast %swap3A_260 : vector<1x16xf32> to vector<16xf32>
        %swap3A_262 = vector.shape_cast %mul3A_257 : vector<16xf32> to vector<1x16xf32>
        tpu.vector_store %arg10[%swap3A_258, %swap3A_259], %swap3A_262 {strides = array<i32>} : memref<128x128xf32, #tpu.memory_space<vmem>>, vector<1x16xf32>,
        %get3A_263 = arith.index_cast %add3A_232 : i32 to index
        %get3A_264 = arith.constant 48 : index
        %get3A_265 = tpu.vector_load %arg10[%get3A_263, %get3A_264] {strides = array<i32>} : memref<128x128xf32, #tpu.memory_space<vmem>>, vector<1x16xf32>,
        %get3A_266 = vector.shape_cast %get3A_265 : vector<1x16xf32> to vector<16xf32>
        %mul3A_267 = arith.mulf %get3A_266, %broadcast_in_dim3A_228 : vector<16xf32>
        %swap3A_268 = arith.index_cast %add3A_232 : i32 to index
        %swap3A_269 = arith.constant 48 : index
        %swap3A_270 = tpu.vector_load %arg10[%swap3A_268, %swap3A_269] {strides = array<i32>} : memref<128x128xf32, #tpu.memory_space<vmem>>, vector<1x16xf32>,
        %swap3A_271 = vector.shape_cast %swap3A_270 : vector<1x16xf32> to vector<16xf32>
        %swap3A_272 = vector.shape_cast %mul3A_267 : vector<16xf32> to vector<1x16xf32>
        tpu.vector_store %arg10[%swap3A_268, %swap3A_269], %swap3A_272 {strides = array<i32>} : memref<128x128xf32, #tpu.memory_space<vmem>>, vector<1x16xf32>,
        %get3A_273 = arith.index_cast %add3A_232 : i32 to index
        %get3A_274 = arith.constant 64 : index
        %get3A_275 = tpu.vector_load %arg10[%get3A_273, %get3A_274] {strides = array<i32>} : memref<128x128xf32, #tpu.memory_space<vmem>>, vector<1x16xf32>,
        %get3A_276 = vector.shape_cast %get3A_275 : vector<1x16xf32> to vector<16xf32>
        %mul3A_277 = arith.mulf %get3A_276, %broadcast_in_dim3A_228 : vector<16xf32>
        %swap3A_278 = arith.index_cast %add3A_232 : i32 to index
        %swap3A_279 = arith.constant 64 : index
        %swap3A_280 = tpu.vector_load %arg10[%swap3A_278, %swap3A_279] {strides = array<i32>} : memref<128x128xf32, #tpu.memory_space<vmem>>, vector<1x16xf32>,
        %swap3A_281 = vector.shape_cast %swap3A_280 : vector<1x16xf32> to vector<16xf32>
        %swap3A_282 = vector.shape_cast %mul3A_277 : vector<16xf32> to vector<1x16xf32>
        tpu.vector_store %arg10[%swap3A_278, %swap3A_279], %swap3A_282 {strides = array<i32>} : memref<128x128xf32, #tpu.memory_space<vmem>>, vector<1x16xf32>,
        %get3A_283 = arith.index_cast %add3A_232 : i32 to index
        %get3A_284 = arith.constant 80 : index
        %get3A_285 = tpu.vector_load %arg10[%get3A_283, %get3A_284] {strides = array<i32>} : memref<128x128xf32, #tpu.memory_space<vmem>>, vector<1x16xf32>,
        %get3A_286 = vector.shape_cast %get3A_285 : vector<1x16xf32> to vector<16xf32>
        %mul3A_287 = arith.mulf %get3A_286, %broadcast_in_dim3A_228 : vector<16xf32>
        %swap3A_288 = arith.index_cast %add3A_232 : i32 to index
        %swap3A_289 = arith.constant 80 : index
        %swap3A_290 = tpu.vector_load %arg10[%swap3A_288, %swap3A_289] {strides = array<i32>} : memref<128x128xf32, #tpu.memory_space<vmem>>, vector<1x16xf32>,
        %swap3A_291 = vector.shape_cast %swap3A_290 : vector<1x16xf32> to vector<16xf32>
        %swap3A_292 = vector.shape_cast %mul3A_287 : vector<16xf32> to vector<1x16xf32>
        tpu.vector_store %arg10[%swap3A_288, %swap3A_289], %swap3A_292 {strides = array<i32>} : memref<128x128xf32, #tpu.memory_space<vmem>>, vector<1x16xf32>,
        %get3A_293 = arith.index_cast %add3A_232 : i32 to index
        %get3A_294 = arith.constant 96 : index
        %get3A_295 = tpu.vector_load %arg10[%get3A_293, %get3A_294] {strides = array<i32>} : memref<128x128xf32, #tpu.memory_space<vmem>>, vector<1x16xf32>,
        %get3A_296 = vector.shape_cast %get3A_295 : vector<1x16xf32> to vector<16xf32>
        %mul3A_297 = arith.mulf %get3A_296, %broadcast_in_dim3A_228 : vector<16xf32>
        %swap3A_298 = arith.index_cast %add3A_232 : i32 to index
        %swap3A_299 = arith.constant 96 : index
        %swap3A_300 = tpu.vector_load %arg10[%swap3A_298, %swap3A_299] {strides = array<i32>} : memref<128x128xf32, #tpu.memory_space<vmem>>, vector<1x16xf32>,
        %swap3A_301 = vector.shape_cast %swap3A_300 : vector<1x16xf32> to vector<16xf32>
        %swap3A_302 = vector.shape_cast %mul3A_297 : vector<16xf32> to vector<1x16xf32>
        tpu.vector_store %arg10[%swap3A_298, %swap3A_299], %swap3A_302 {strides = array<i32>} : memref<128x128xf32, #tpu.memory_space<vmem>>, vector<1x16xf32>,
        %get3A_303 = arith.index_cast %add3A_232 : i32 to index
        %get3A_304 = arith.constant 112 : index
        %get3A_305 = tpu.vector_load %arg10[%get3A_303, %get3A_304] {strides = array<i32>} : memref<128x128xf32, #tpu.memory_space<vmem>>, vector<1x16xf32>,
        %get3A_306 = vector.shape_cast %get3A_305 : vector<1x16xf32> to vector<16xf32>
        %mul3A_307 = arith.mulf %get3A_306, %broadcast_in_dim3A_228 : vector<16xf32>
        %swap3A_308 = arith.index_cast %add3A_232 : i32 to index
        %swap3A_309 = arith.constant 112 : index
        %swap3A_310 = tpu.vector_load %arg10[%swap3A_308, %swap3A_309] {strides = array<i32>} : memref<128x128xf32, #tpu.memory_space<vmem>>, vector<1x16xf32>,
        %swap3A_311 = vector.shape_cast %swap3A_310 : vector<1x16xf32> to vector<16xf32>
        %swap3A_312 = vector.shape_cast %mul3A_307 : vector<16xf32> to vector<1x16xf32>
        tpu.vector_store %arg10[%swap3A_308, %swap3A_309], %swap3A_312 {strides = array<i32>} : memref<128x128xf32, #tpu.memory_space<vmem>>, vector<1x16xf32>,
        %slice3A_313 = vector.extract_strided_slice %get3A_140 {offsets = [2], sizes = [1], strides = [1]} : vector<16xf32> to vector<1xf32>
        %squeeze3A_314 = vector.extract %slice3A_313[0] : f32 from vector<1xf32>
        %broadcast_in_dim3A_315 = vector.broadcast %squeeze3A_314 : f32 to vector<16xf32>
        %mul3A_316 = arith.constant 16 : i32
        %mul3A_317 = arith.muli %scan3A_135, %mul3A_316 : i32
        %add3A_318 = arith.constant 2 : i32
        %add3A_319 = arith.addi %mul3A_317, %add3A_318 : i32
        %get3A_320 = arith.index_cast %add3A_319 : i32 to index
        %get3A_321 = arith.constant 0 : index
        %get3A_322 = tpu.vector_load %arg10[%get3A_320, %get3A_321] {strides = array<i32>} : memref<128x128xf32, #tpu.memory_space<vmem>>, vector<1x16xf32>,
        %get3A_323 = vector.shape_cast %get3A_322 : vector<1x16xf32> to vector<16xf32>
        %mul3A_324 = arith.mulf %get3A_323, %broadcast_in_dim3A_315 : vector<16xf32>
        %swap3A_325 = arith.index_cast %add3A_319 : i32 to index
        %swap3A_326 = arith.constant 0 : index
        %swap3A_327 = tpu.vector_load %arg10[%swap3A_325, %swap3A_326] {strides = array<i32>} : memref<128x128xf32, #tpu.memory_space<vmem>>, vector<1x16xf32>,
        %swap3A_328 = vector.shape_cast %swap3A_327 : vector<1x16xf32> to vector<16xf32>
        %swap3A_329 = vector.shape_cast %mul3A_324 : vector<16xf32> to vector<1x16xf32>
        tpu.vector_store %arg10[%swap3A_325, %swap3A_326], %swap3A_329 {strides = array<i32>} : memref<128x128xf32, #tpu.memory_space<vmem>>, vector<1x16xf32>,
        %get3A_330 = arith.index_cast %add3A_319 : i32 to index
        %get3A_331 = arith.constant 16 : index
        %get3A_332 = tpu.vector_load %arg10[%get3A_330, %get3A_331] {strides = array<i32>} : memref<128x128xf32, #tpu.memory_space<vmem>>, vector<1x16xf32>,
        %get3A_333 = vector.shape_cast %get3A_332 : vector<1x16xf32> to vector<16xf32>
        %mul3A_334 = arith.mulf %get3A_333, %broadcast_in_dim3A_315 : vector<16xf32>
        %swap3A_335 = arith.index_cast %add3A_319 : i32 to index
        %swap3A_336 = arith.constant 16 : index
        %swap3A_337 = tpu.vector_load %arg10[%swap3A_335, %swap3A_336] {strides = array<i32>} : memref<128x128xf32, #tpu.memory_space<vmem>>, vector<1x16xf32>,
        %swap3A_338 = vector.shape_cast %swap3A_337 : vector<1x16xf32> to vector<16xf32>
        %swap3A_339 = vector.shape_cast %mul3A_334 : vector<16xf32> to vector<1x16xf32>
        tpu.vector_store %arg10[%swap3A_335, %swap3A_336], %swap3A_339 {strides = array<i32>} : memref<128x128xf32, #tpu.memory_space<vmem>>, vector<1x16xf32>,
        %get3A_340 = arith.index_cast %add3A_319 : i32 to index
        %get3A_341 = arith.constant 32 : index
        %get3A_342 = tpu.vector_load %arg10[%get3A_340, %get3A_341] {strides = array<i32>} : memref<128x128xf32, #tpu.memory_space<vmem>>, vector<1x16xf32>,
        %get3A_343 = vector.shape_cast %get3A_342 : vector<1x16xf32> to vector<16xf32>
        %mul3A_344 = arith.mulf %get3A_343, %broadcast_in_dim3A_315 : vector<16xf32>
        %swap3A_345 = arith.index_cast %add3A_319 : i32 to index
        %swap3A_346 = arith.constant 32 : index
        %swap3A_347 = tpu.vector_load %arg10[%swap3A_345, %swap3A_346] {strides = array<i32>} : memref<128x128xf32, #tpu.memory_space<vmem>>, vector<1x16xf32>,
        %swap3A_348 = vector.shape_cast %swap3A_347 : vector<1x16xf32> to vector<16xf32>
        %swap3A_349 = vector.shape_cast %mul3A_344 : vector<16xf32> to vector<1x16xf32>
        tpu.vector_store %arg10[%swap3A_345, %swap3A_346], %swap3A_349 {strides = array<i32>} : memref<128x128xf32, #tpu.memory_space<vmem>>, vector<1x16xf32>,
        %get3A_350 = arith.index_cast %add3A_319 : i32 to index
        %get3A_351 = arith.constant 48 : index
        %get3A_352 = tpu.vector_load %arg10[%get3A_350, %get3A_351] {strides = array<i32>} : memref<128x128xf32, #tpu.memory_space<vmem>>, vector<1x16xf32>,
        %get3A_353 = vector.shape_cast %get3A_352 : vector<1x16xf32> to vector<16xf32>
        %mul3A_354 = arith.mulf %get3A_353, %broadcast_in_dim3A_315 : vector<16xf32>
        %swap3A_355 = arith.index_cast %add3A_319 : i32 to index
        %swap3A_356 = arith.constant 48 : index
        %swap3A_357 = tpu.vector_load %arg10[%swap3A_355, %swap3A_356] {strides = array<i32>} : memref<128x128xf32, #tpu.memory_space<vmem>>, vector<1x16xf32>,
        %swap3A_358 = vector.shape_cast %swap3A_357 : vector<1x16xf32> to vector<16xf32>
        %swap3A_359 = vector.shape_cast %mul3A_354 : vector<16xf32> to vector<1x16xf32>
        tpu.vector_store %arg10[%swap3A_355, %swap3A_356], %swap3A_359 {strides = array<i32>} : memref<128x128xf32, #tpu.memory_space<vmem>>, vector<1x16xf32>,
        %get3A_360 = arith.index_cast %add3A_319 : i32 to index
        %get3A_361 = arith.constant 64 : index
        %get3A_362 = tpu.vector_load %arg10[%get3A_360, %get3A_361] {strides = array<i32>} : memref<128x128xf32, #tpu.memory_space<vmem>>, vector<1x16xf32>,
        %get3A_363 = vector.shape_cast %get3A_362 : vector<1x16xf32> to vector<16xf32>
        %mul3A_364 = arith.mulf %get3A_363, %broadcast_in_dim3A_315 : vector<16xf32>
        %swap3A_365 = arith.index_cast %add3A_319 : i32 to index
        %swap3A_366 = arith.constant 64 : index
        %swap3A_367 = tpu.vector_load %arg10[%swap3A_365, %swap3A_366] {strides = array<i32>} : memref<128x128xf32, #tpu.memory_space<vmem>>, vector<1x16xf32>,
        %swap3A_368 = vector.shape_cast %swap3A_367 : vector<1x16xf32> to vector<16xf32>
        %swap3A_369 = vector.shape_cast %mul3A_364 : vector<16xf32> to vector<1x16xf32>
        tpu.vector_store %arg10[%swap3A_365, %swap3A_366], %swap3A_369 {strides = array<i32>} : memref<128x128xf32, #tpu.memory_space<vmem>>, vector<1x16xf32>,
        %get3A_370 = arith.index_cast %add3A_319 : i32 to index
        %get3A_371 = arith.constant 80 : index
        %get3A_372 = tpu.vector_load %arg10[%get3A_370, %get3A_371] {strides = array<i32>} : memref<128x128xf32, #tpu.memory_space<vmem>>, vector<1x16xf32>,
        %get3A_373 = vector.shape_cast %get3A_372 : vector<1x16xf32> to vector<16xf32>
        %mul3A_374 = arith.mulf %get3A_373, %broadcast_in_dim3A_315 : vector<16xf32>
        %swap3A_375 = arith.index_cast %add3A_319 : i32 to index
        %swap3A_376 = arith.constant 80 : index
        %swap3A_377 = tpu.vector_load %arg10[%swap3A_375, %swap3A_376] {strides = array<i32>} : memref<128x128xf32, #tpu.memory_space<vmem>>, vector<1x16xf32>,
        %swap3A_378 = vector.shape_cast %swap3A_377 : vector<1x16xf32> to vector<16xf32>
        %swap3A_379 = vector.shape_cast %mul3A_374 : vector<16xf32> to vector<1x16xf32>
        tpu.vector_store %arg10[%swap3A_375, %swap3A_376], %swap3A_379 {strides = array<i32>} : memref<128x128xf32, #tpu.memory_space<vmem>>, vector<1x16xf32>,
        %get3A_380 = arith.index_cast %add3A_319 : i32 to index
        %get3A_381 = arith.constant 96 : index
        %get3A_382 = tpu.vector_load %arg10[%get3A_380, %get3A_381] {strides = array<i32>} : memref<128x128xf32, #tpu.memory_space<vmem>>, vector<1x16xf32>,
        %get3A_383 = vector.shape_cast %get3A_382 : vector<1x16xf32> to vector<16xf32>
        %mul3A_384 = arith.mulf %get3A_383, %broadcast_in_dim3A_315 : vector<16xf32>
        %swap3A_385 = arith.index_cast %add3A_319 : i32 to index
        %swap3A_386 = arith.constant 96 : index
        %swap3A_387 = tpu.vector_load %arg10[%swap3A_385, %swap3A_386] {strides = array<i32>} : memref<128x128xf32, #tpu.memory_space<vmem>>, vector<1x16xf32>,
        %swap3A_388 = vector.shape_cast %swap3A_387 : vector<1x16xf32> to vector<16xf32>
        %swap3A_389 = vector.shape_cast %mul3A_384 : vector<16xf32> to vector<1x16xf32>
        tpu.vector_store %arg10[%swap3A_385, %swap3A_386], %swap3A_389 {strides = array<i32>} : memref<128x128xf32, #tpu.memory_space<vmem>>, vector<1x16xf32>,
        %get3A_390 = arith.index_cast %add3A_319 : i32 to index
        %get3A_391 = arith.constant 112 : index
        %get3A_392 = tpu.vector_load %arg10[%get3A_390, %get3A_391] {strides = array<i32>} : memref<128x128xf32, #tpu.memory_space<vmem>>, vector<1x16xf32>,
        %get3A_393 = vector.shape_cast %get3A_392 : vector<1x16xf32> to vector<16xf32>
        %mul3A_394 = arith.mulf %get3A_393, %broadcast_in_dim3A_315 : vector<16xf32>
        %swap3A_395 = arith.index_cast %add3A_319 : i32 to index
        %swap3A_396 = arith.constant 112 : index
        %swap3A_397 = tpu.vector_load %arg10[%swap3A_395, %swap3A_396] {strides = array<i32>} : memref<128x128xf32, #tpu.memory_space<vmem>>, vector<1x16xf32>,
        %swap3A_398 = vector.shape_cast %swap3A_397 : vector<1x16xf32> to vector<16xf32>
        %swap3A_399 = vector.shape_cast %mul3A_394 : vector<16xf32> to vector<1x16xf32>
        tpu.vector_store %arg10[%swap3A_395, %swap3A_396], %swap3A_399 {strides = array<i32>} : memref<128x128xf32, #tpu.memory_space<vmem>>, vector<1x16xf32>,
        %slice3A_400 = vector.extract_strided_slice %get3A_140 {offsets = [3], sizes = [1], strides = [1]} : vector<16xf32> to vector<1xf32>
        %squeeze3A_401 = vector.extract %slice3A_400[0] : f32 from vector<1xf32>
        %broadcast_in_dim3A_402 = vector.broadcast %squeeze3A_401 : f32 to vector<16xf32>
        %mul3A_403 = arith.constant 16 : i32
        %mul3A_404 = arith.muli %scan3A_135, %mul3A_403 : i32
        %add3A_405 = arith.constant 3 : i32
        %add3A_406 = arith.addi %mul3A_404, %add3A_405 : i32
        %get3A_407 = arith.index_cast %add3A_406 : i32 to index
        %get3A_408 = arith.constant 0 : index
        %get3A_409 = tpu.vector_load %arg10[%get3A_407, %get3A_408] {strides = array<i32>} : memref<128x128xf32, #tpu.memory_space<vmem>>, vector<1x16xf32>,
        %get3A_410 = vector.shape_cast %get3A_409 : vector<1x16xf32> to vector<16xf32>
        %mul3A_411 = arith.mulf %get3A_410, %broadcast_in_dim3A_402 : vector<16xf32>
        %swap3A_412 = arith.index_cast %add3A_406 : i32 to index
        %swap3A_413 = arith.constant 0 : index
        %swap3A_414 = tpu.vector_load %arg10[%swap3A_412, %swap3A_413] {strides = array<i32>} : memref<128x128xf32, #tpu.memory_space<vmem>>, vector<1x16xf32>,
        %swap3A_415 = vector.shape_cast %swap3A_414 : vector<1x16xf32> to vector<16xf32>
        %swap3A_416 = vector.shape_cast %mul3A_411 : vector<16xf32> to vector<1x16xf32>
        tpu.vector_store %arg10[%swap3A_412, %swap3A_413], %swap3A_416 {strides = array<i32>} : memref<128x128xf32, #tpu.memory_space<vmem>>, vector<1x16xf32>,
        %get3A_417 = arith.index_cast %add3A_406 : i32 to index
        %get3A_418 = arith.constant 16 : index
        %get3A_419 = tpu.vector_load %arg10[%get3A_417, %get3A_418] {strides = array<i32>} : memref<128x128xf32, #tpu.memory_space<vmem>>, vector<1x16xf32>,
        %get3A_420 = vector.shape_cast %get3A_419 : vector<1x16xf32> to vector<16xf32>
        %mul3A_421 = arith.mulf %get3A_420, %broadcast_in_dim3A_402 : vector<16xf32>
        %swap3A_422 = arith.index_cast %add3A_406 : i32 to index
        %swap3A_423 = arith.constant 16 : index
        %swap3A_424 = tpu.vector_load %arg10[%swap3A_422, %swap3A_423] {strides = array<i32>} : memref<128x128xf32, #tpu.memory_space<vmem>>, vector<1x16xf32>,
        %swap3A_425 = vector.shape_cast %swap3A_424 : vector<1x16xf32> to vector<16xf32>
        %swap3A_426 = vector.shape_cast %mul3A_421 : vector<16xf32> to vector<1x16xf32>
        tpu.vector_store %arg10[%swap3A_422, %swap3A_423], %swap3A_426 {strides = array<i32>} : memref<128x128xf32, #tpu.memory_space<vmem>>, vector<1x16xf32>,
        %get3A_427 = arith.index_cast %add3A_406 : i32 to index
        %get3A_428 = arith.constant 32 : index
        %get3A_429 = tpu.vector_load %arg10[%get3A_427, %get3A_428] {strides = array<i32>} : memref<128x128xf32, #tpu.memory_space<vmem>>, vector<1x16xf32>,
        %get3A_430 = vector.shape_cast %get3A_429 : vector<1x16xf32> to vector<16xf32>
        %mul3A_431 = arith.mulf %get3A_430, %broadcast_in_dim3A_402 : vector<16xf32>
        %swap3A_432 = arith.index_cast %add3A_406 : i32 to index
        %swap3A_433 = arith.constant 32 : index
        %swap3A_434 = tpu.vector_load %arg10[%swap3A_432, %swap3A_433] {strides = array<i32>} : memref<128x128xf32, #tpu.memory_space<vmem>>, vector<1x16xf32>,
        %swap3A_435 = vector.shape_cast %swap3A_434 : vector<1x16xf32> to vector<16xf32>
        %swap3A_436 = vector.shape_cast %mul3A_431 : vector<16xf32> to vector<1x16xf32>
        tpu.vector_store %arg10[%swap3A_432, %swap3A_433], %swap3A_436 {strides = array<i32>} : memref<128x128xf32, #tpu.memory_space<vmem>>, vector<1x16xf32>,
        %get3A_437 = arith.index_cast %add3A_406 : i32 to index
        %get3A_438 = arith.constant 48 : index
        %get3A_439 = tpu.vector_load %arg10[%get3A_437, %get3A_438] {strides = array<i32>} : memref<128x128xf32, #tpu.memory_space<vmem>>, vector<1x16xf32>,
        %get3A_440 = vector.shape_cast %get3A_439 : vector<1x16xf32> to vector<16xf32>
        %mul3A_441 = arith.mulf %get3A_440, %broadcast_in_dim3A_402 : vector<16xf32>
        %swap3A_442 = arith.index_cast %add3A_406 : i32 to index
        %swap3A_443 = arith.constant 48 : index
        %swap3A_444 = tpu.vector_load %arg10[%swap3A_442, %swap3A_443] {strides = array<i32>} : memref<128x128xf32, #tpu.memory_space<vmem>>, vector<1x16xf32>,
        %swap3A_445 = vector.shape_cast %swap3A_444 : vector<1x16xf32> to vector<16xf32>
        %swap3A_446 = vector.shape_cast %mul3A_441 : vector<16xf32> to vector<1x16xf32>
        tpu.vector_store %arg10[%swap3A_442, %swap3A_443], %swap3A_446 {strides = array<i32>} : memref<128x128xf32, #tpu.memory_space<vmem>>, vector<1x16xf32>,
        %get3A_447 = arith.index_cast %add3A_406 : i32 to index
        %get3A_448 = arith.constant 64 : index
        %get3A_449 = tpu.vector_load %arg10[%get3A_447, %get3A_448] {strides = array<i32>} : memref<128x128xf32, #tpu.memory_space<vmem>>, vector<1x16xf32>,
        %get3A_450 = vector.shape_cast %get3A_449 : vector<1x16xf32> to vector<16xf32>
        %mul3A_451 = arith.mulf %get3A_450, %broadcast_in_dim3A_402 : vector<16xf32>
        %swap3A_452 = arith.index_cast %add3A_406 : i32 to index
        %swap3A_453 = arith.constant 64 : index
        %swap3A_454 = tpu.vector_load %arg10[%swap3A_452, %swap3A_453] {strides = array<i32>} : memref<128x128xf32, #tpu.memory_space<vmem>>, vector<1x16xf32>,
        %swap3A_455 = vector.shape_cast %swap3A_454 : vector<1x16xf32> to vector<16xf32>
        %swap3A_456 = vector.shape_cast %mul3A_451 : vector<16xf32> to vector<1x16xf32>
        tpu.vector_store %arg10[%swap3A_452, %swap3A_453], %swap3A_456 {strides = array<i32>} : memref<128x128xf32, #tpu.memory_space<vmem>>, vector<1x16xf32>,
        %get3A_457 = arith.index_cast %add3A_406 : i32 to index
        %get3A_458 = arith.constant 80 : index
        %get3A_459 = tpu.vector_load %arg10[%get3A_457, %get3A_458] {strides = array<i32>} : memref<128x128xf32, #tpu.memory_space<vmem>>, vector<1x16xf32>,
        %get3A_460 = vector.shape_cast %get3A_459 : vector<1x16xf32> to vector<16xf32>
        %mul3A_461 = arith.mulf %get3A_460, %broadcast_in_dim3A_402 : vector<16xf32>
        %swap3A_462 = arith.index_cast %add3A_406 : i32 to index
        %swap3A_463 = arith.constant 80 : index
        %swap3A_464 = tpu.vector_load %arg10[%swap3A_462, %swap3A_463] {strides = array<i32>} : memref<128x128xf32, #tpu.memory_space<vmem>>, vector<1x16xf32>,
        %swap3A_465 = vector.shape_cast %swap3A_464 : vector<1x16xf32> to vector<16xf32>
        %swap3A_466 = vector.shape_cast %mul3A_461 : vector<16xf32> to vector<1x16xf32>
        tpu.vector_store %arg10[%swap3A_462, %swap3A_463], %swap3A_466 {strides = array<i32>} : memref<128x128xf32, #tpu.memory_space<vmem>>, vector<1x16xf32>,
        %get3A_467 = arith.index_cast %add3A_406 : i32 to index
        %get3A_468 = arith.constant 96 : index
        %get3A_469 = tpu.vector_load %arg10[%get3A_467, %get3A_468] {strides = array<i32>} : memref<128x128xf32, #tpu.memory_space<vmem>>, vector<1x16xf32>,
        %get3A_470 = vector.shape_cast %get3A_469 : vector<1x16xf32> to vector<16xf32>
        %mul3A_471 = arith.mulf %get3A_470, %broadcast_in_dim3A_402 : vector<16xf32>
        %swap3A_472 = arith.index_cast %add3A_406 : i32 to index
        %swap3A_473 = arith.constant 96 : index
        %swap3A_474 = tpu.vector_load %arg10[%swap3A_472, %swap3A_473] {strides = array<i32>} : memref<128x128xf32, #tpu.memory_space<vmem>>, vector<1x16xf32>,
        %swap3A_475 = vector.shape_cast %swap3A_474 : vector<1x16xf32> to vector<16xf32>
        %swap3A_476 = vector.shape_cast %mul3A_471 : vector<16xf32> to vector<1x16xf32>
        tpu.vector_store %arg10[%swap3A_472, %swap3A_473], %swap3A_476 {strides = array<i32>} : memref<128x128xf32, #tpu.memory_space<vmem>>, vector<1x16xf32>,
        %get3A_477 = arith.index_cast %add3A_406 : i32 to index
        %get3A_478 = arith.constant 112 : index
        %get3A_479 = tpu.vector_load %arg10[%get3A_477, %get3A_478] {strides = array<i32>} : memref<128x128xf32, #tpu.memory_space<vmem>>, vector<1x16xf32>,
        %get3A_480 = vector.shape_cast %get3A_479 : vector<1x16xf32> to vector<16xf32>
        %mul3A_481 = arith.mulf %get3A_480, %broadcast_in_dim3A_402 : vector<16xf32>
        %swap3A_482 = arith.index_cast %add3A_406 : i32 to index
        %swap3A_483 = arith.constant 112 : index
        %swap3A_484 = tpu.vector_load %arg10[%swap3A_482, %swap3A_483] {strides = array<i32>} : memref<128x128xf32, #tpu.memory_space<vmem>>, vector<1x16xf32>,
        %swap3A_485 = vector.shape_cast %swap3A_484 : vector<1x16xf32> to vector<16xf32>
        %swap3A_486 = vector.shape_cast %mul3A_481 : vector<16xf32> to vector<1x16xf32>
        tpu.vector_store %arg10[%swap3A_482, %swap3A_483], %swap3A_486 {strides = array<i32>} : memref<128x128xf32, #tpu.memory_space<vmem>>, vector<1x16xf32>,
        %slice3A_487 = vector.extract_strided_slice %get3A_140 {offsets = [4], sizes = [1], strides = [1]} : vector<16xf32> to vector<1xf32>
        %squeeze3A_488 = vector.extract %slice3A_487[0] : f32 from vector<1xf32>
        %broadcast_in_dim3A_489 = vector.broadcast %squeeze3A_488 : f32 to vector<16xf32>
        %mul3A_490 = arith.constant 16 : i32
        %mul3A_491 = arith.muli %scan3A_135, %mul3A_490 : i32
        %add3A_492 = arith.constant 4 : i32
        %add3A_493 = arith.addi %mul3A_491, %add3A_492 : i32
        %get3A_494 = arith.index_cast %add3A_493 : i32 to index
        %get3A_495 = arith.constant 0 : index
        %get3A_496 = tpu.vector_load %arg10[%get3A_494, %get3A_495] {strides = array<i32>} : memref<128x128xf32, #tpu.memory_space<vmem>>, vector<1x16xf32>,
        %get3A_497 = vector.shape_cast %get3A_496 : vector<1x16xf32> to vector<16xf32>
        %mul3A_498 = arith.mulf %get3A_497, %broadcast_in_dim3A_489 : vector<16xf32>
        %swap3A_499 = arith.index_cast %add3A_493 : i32 to index
        %swap3A_500 = arith.constant 0 : index
        %swap3A_501 = tpu.vector_load %arg10[%swap3A_499, %swap3A_500] {strides = array<i32>} : memref<128x128xf32, #tpu.memory_space<vmem>>, vector<1x16xf32>,
        %swap3A_502 = vector.shape_cast %swap3A_501 : vector<1x16xf32> to vector<16xf32>
        %swap3A_503 = vector.shape_cast %mul3A_498 : vector<16xf32> to vector<1x16xf32>
        tpu.vector_store %arg10[%swap3A_499, %swap3A_500], %swap3A_503 {strides = array<i32>} : memref<128x128xf32, #tpu.memory_space<vmem>>, vector<1x16xf32>,
        %get3A_504 = arith.index_cast %add3A_493 : i32 to index
        %get3A_505 = arith.constant 16 : index
        %get3A_506 = tpu.vector_load %arg10[%get3A_504, %get3A_505] {strides = array<i32>} : memref<128x128xf32, #tpu.memory_space<vmem>>, vector<1x16xf32>,
        %get3A_507 = vector.shape_cast %get3A_506 : vector<1x16xf32> to vector<16xf32>
        %mul3A_508 = arith.mulf %get3A_507, %broadcast_in_dim3A_489 : vector<16xf32>
        %swap3A_509 = arith.index_cast %add3A_493 : i32 to index
        %swap3A_510 = arith.constant 16 : index
        %swap3A_511 = tpu.vector_load %arg10[%swap3A_509, %swap3A_510] {strides = array<i32>} : memref<128x128xf32, #tpu.memory_space<vmem>>, vector<1x16xf32>,
        %swap3A_512 = vector.shape_cast %swap3A_511 : vector<1x16xf32> to vector<16xf32>
        %swap3A_513 = vector.shape_cast %mul3A_508 : vector<16xf32> to vector<1x16xf32>
        tpu.vector_store %arg10[%swap3A_509, %swap3A_510], %swap3A_513 {strides = array<i32>} : memref<128x128xf32, #tpu.memory_space<vmem>>, vector<1x16xf32>,
        %get3A_514 = arith.index_cast %add3A_493 : i32 to index
        %get3A_515 = arith.constant 32 : index
        %get3A_516 = tpu.vector_load %arg10[%get3A_514, %get3A_515] {strides = array<i32>} : memref<128x128xf32, #tpu.memory_space<vmem>>, vector<1x16xf32>,
        %get3A_517 = vector.shape_cast %get3A_516 : vector<1x16xf32> to vector<16xf32>
        %mul3A_518 = arith.mulf %get3A_517, %broadcast_in_dim3A_489 : vector<16xf32>
        %swap3A_519 = arith.index_cast %add3A_493 : i32 to index
        %swap3A_520 = arith.constant 32 : index
        %swap3A_521 = tpu.vector_load %arg10[%swap3A_519, %swap3A_520] {strides = array<i32>} : memref<128x128xf32, #tpu.memory_space<vmem>>, vector<1x16xf32>,
        %swap3A_522 = vector.shape_cast %swap3A_521 : vector<1x16xf32> to vector<16xf32>
        %swap3A_523 = vector.shape_cast %mul3A_518 : vector<16xf32> to vector<1x16xf32>
        tpu.vector_store %arg10[%swap3A_519, %swap3A_520], %swap3A_523 {strides = array<i32>} : memref<128x128xf32, #tpu.memory_space<vmem>>, vector<1x16xf32>,
        %get3A_524 = arith.index_cast %add3A_493 : i32 to index
        %get3A_525 = arith.constant 48 : index
        %get3A_526 = tpu.vector_load %arg10[%get3A_524, %get3A_525] {strides = array<i32>} : memref<128x128xf32, #tpu.memory_space<vmem>>, vector<1x16xf32>,
        %get3A_527 = vector.shape_cast %get3A_526 : vector<1x16xf32> to vector<16xf32>
        %mul3A_528 = arith.mulf %get3A_527, %broadcast_in_dim3A_489 : vector<16xf32>
        %swap3A_529 = arith.index_cast %add3A_493 : i32 to index
        %swap3A_530 = arith.constant 48 : index
        %swap3A_531 = tpu.vector_load %arg10[%swap3A_529, %swap3A_530] {strides = array<i32>} : memref<128x128xf32, #tpu.memory_space<vmem>>, vector<1x16xf32>,
        %swap3A_532 = vector.shape_cast %swap3A_531 : vector<1x16xf32> to vector<16xf32>
        %swap3A_533 = vector.shape_cast %mul3A_528 : vector<16xf32> to vector<1x16xf32>
        tpu.vector_store %arg10[%swap3A_529, %swap3A_530], %swap3A_533 {strides = array<i32>} : memref<128x128xf32, #tpu.memory_space<vmem>>, vector<1x16xf32>,
        %get3A_534 = arith.index_cast %add3A_493 : i32 to index
        %get3A_535 = arith.constant 64 : index
        %get3A_536 = tpu.vector_load %arg10[%get3A_534, %get3A_535] {strides = array<i32>} : memref<128x128xf32, #tpu.memory_space<vmem>>, vector<1x16xf32>,
        %get3A_537 = vector.shape_cast %get3A_536 : vector<1x16xf32> to vector<16xf32>
        %mul3A_538 = arith.mulf %get3A_537, %broadcast_in_dim3A_489 : vector<16xf32>
        %swap3A_539 = arith.index_cast %add3A_493 : i32 to index
        %swap3A_540 = arith.constant 64 : index
        %swap3A_541 = tpu.vector_load %arg10[%swap3A_539, %swap3A_540] {strides = array<i32>} : memref<128x128xf32, #tpu.memory_space<vmem>>, vector<1x16xf32>,
        %swap3A_542 = vector.shape_cast %swap3A_541 : vector<1x16xf32> to vector<16xf32>
        %swap3A_543 = vector.shape_cast %mul3A_538 : vector<16xf32> to vector<1x16xf32>
        tpu.vector_store %arg10[%swap3A_539, %swap3A_540], %swap3A_543 {strides = array<i32>} : memref<128x128xf32, #tpu.memory_space<vmem>>, vector<1x16xf32>,
        %get3A_544 = arith.index_cast %add3A_493 : i32 to index
        %get3A_545 = arith.constant 80 : index
        %get3A_546 = tpu.vector_load %arg10[%get3A_544, %get3A_545] {strides = array<i32>} : memref<128x128xf32, #tpu.memory_space<vmem>>, vector<1x16xf32>,
        %get3A_547 = vector.shape_cast %get3A_546 : vector<1x16xf32> to vector<16xf32>
        %mul3A_548 = arith.mulf %get3A_547, %broadcast_in_dim3A_489 : vector<16xf32>
        %swap3A_549 = arith.index_cast %add3A_493 : i32 to index
        %swap3A_550 = arith.constant 80 : index
        %swap3A_551 = tpu.vector_load %arg10[%swap3A_549, %swap3A_550] {strides = array<i32>} : memref<128x128xf32, #tpu.memory_space<vmem>>, vector<1x16xf32>,
        %swap3A_552 = vector.shape_cast %swap3A_551 : vector<1x16xf32> to vector<16xf32>
        %swap3A_553 = vector.shape_cast %mul3A_548 : vector<16xf32> to vector<1x16xf32>
        tpu.vector_store %arg10[%swap3A_549, %swap3A_550], %swap3A_553 {strides = array<i32>} : memref<128x128xf32, #tpu.memory_space<vmem>>, vector<1x16xf32>,
        %get3A_554 = arith.index_cast %add3A_493 : i32 to index
        %get3A_555 = arith.constant 96 : index
        %get3A_556 = tpu.vector_load %arg10[%get3A_554, %get3A_555] {strides = array<i32>} : memref<128x128xf32, #tpu.memory_space<vmem>>, vector<1x16xf32>,
        %get3A_557 = vector.shape_cast %get3A_556 : vector<1x16xf32> to vector<16xf32>
        %mul3A_558 = arith.mulf %get3A_557, %broadcast_in_dim3A_489 : vector<16xf32>
        %swap3A_559 = arith.index_cast %add3A_493 : i32 to index
        %swap3A_560 = arith.constant 96 : index
        %swap3A_561 = tpu.vector_load %arg10[%swap3A_559, %swap3A_560] {strides = array<i32>} : memref<128x128xf32, #tpu.memory_space<vmem>>, vector<1x16xf32>,
        %swap3A_562 = vector.shape_cast %swap3A_561 : vector<1x16xf32> to vector<16xf32>
        %swap3A_563 = vector.shape_cast %mul3A_558 : vector<16xf32> to vector<1x16xf32>
        tpu.vector_store %arg10[%swap3A_559, %swap3A_560], %swap3A_563 {strides = array<i32>} : memref<128x128xf32, #tpu.memory_space<vmem>>, vector<1x16xf32>,
        %get3A_564 = arith.index_cast %add3A_493 : i32 to index
        %get3A_565 = arith.constant 112 : index
        %get3A_566 = tpu.vector_load %arg10[%get3A_564, %get3A_565] {strides = array<i32>} : memref<128x128xf32, #tpu.memory_space<vmem>>, vector<1x16xf32>,
        %get3A_567 = vector.shape_cast %get3A_566 : vector<1x16xf32> to vector<16xf32>
        %mul3A_568 = arith.mulf %get3A_567, %broadcast_in_dim3A_489 : vector<16xf32>
        %swap3A_569 = arith.index_cast %add3A_493 : i32 to index
        %swap3A_570 = arith.constant 112 : index
        %swap3A_571 = tpu.vector_load %arg10[%swap3A_569, %swap3A_570] {strides = array<i32>} : memref<128x128xf32, #tpu.memory_space<vmem>>, vector<1x16xf32>,
        %swap3A_572 = vector.shape_cast %swap3A_571 : vector<1x16xf32> to vector<16xf32>
        %swap3A_573 = vector.shape_cast %mul3A_568 : vector<16xf32> to vector<1x16xf32>
        tpu.vector_store %arg10[%swap3A_569, %swap3A_570], %swap3A_573 {strides = array<i32>} : memref<128x128xf32, #tpu.memory_space<vmem>>, vector<1x16xf32>,
        %slice3A_574 = vector.extract_strided_slice %get3A_140 {offsets = [5], sizes = [1], strides = [1]} : vector<16xf32> to vector<1xf32>
        %squeeze3A_575 = vector.extract %slice3A_574[0] : f32 from vector<1xf32>
        %broadcast_in_dim3A_576 = vector.broadcast %squeeze3A_575 : f32 to vector<16xf32>
        %mul3A_577 = arith.constant 16 : i32
        %mul3A_578 = arith.muli %scan3A_135, %mul3A_577 : i32
        %add3A_579 = arith.constant 5 : i32
        %add3A_580 = arith.addi %mul3A_578, %add3A_579 : i32
        %get3A_581 = arith.index_cast %add3A_580 : i32 to index
        %get3A_582 = arith.constant 0 : index
        %get3A_583 = tpu.vector_load %arg10[%get3A_581, %get3A_582] {strides = array<i32>} : memref<128x128xf32, #tpu.memory_space<vmem>>, vector<1x16xf32>,
        %get3A_584 = vector.shape_cast %get3A_583 : vector<1x16xf32> to vector<16xf32>
        %mul3A_585 = arith.mulf %get3A_584, %broadcast_in_dim3A_576 : vector<16xf32>
        %swap3A_586 = arith.index_cast %add3A_580 : i32 to index
        %swap3A_587 = arith.constant 0 : index
        %swap3A_588 = tpu.vector_load %arg10[%swap3A_586, %swap3A_587] {strides = array<i32>} : memref<128x128xf32, #tpu.memory_space<vmem>>, vector<1x16xf32>,
        %swap3A_589 = vector.shape_cast %swap3A_588 : vector<1x16xf32> to vector<16xf32>
        %swap3A_590 = vector.shape_cast %mul3A_585 : vector<16xf32> to vector<1x16xf32>
        tpu.vector_store %arg10[%swap3A_586, %swap3A_587], %swap3A_590 {strides = array<i32>} : memref<128x128xf32, #tpu.memory_space<vmem>>, vector<1x16xf32>,
        %get3A_591 = arith.index_cast %add3A_580 : i32 to index
        %get3A_592 = arith.constant 16 : index
        %get3A_593 = tpu.vector_load %arg10[%get3A_591, %get3A_592] {strides = array<i32>} : memref<128x128xf32, #tpu.memory_space<vmem>>, vector<1x16xf32>,
        %get3A_594 = vector.shape_cast %get3A_593 : vector<1x16xf32> to vector<16xf32>
        %mul3A_595 = arith.mulf %get3A_594, %broadcast_in_dim3A_576 : vector<16xf32>
        %swap3A_596 = arith.index_cast %add3A_580 : i32 to index
        %swap3A_597 = arith.constant 16 : index
        %swap3A_598 = tpu.vector_load %arg10[%swap3A_596, %swap3A_597] {strides = array<i32>} : memref<128x128xf32, #tpu.memory_space<vmem>>, vector<1x16xf32>,
        %swap3A_599 = vector.shape_cast %swap3A_598 : vector<1x16xf32> to vector<16xf32>
        %swap3A_600 = vector.shape_cast %mul3A_595 : vector<16xf32> to vector<1x16xf32>
        tpu.vector_store %arg10[%swap3A_596, %swap3A_597], %swap3A_600 {strides = array<i32>} : memref<128x128xf32, #tpu.memory_space<vmem>>, vector<1x16xf32>,
        %get3A_601 = arith.index_cast %add3A_580 : i32 to index
        %get3A_602 = arith.constant 32 : index
        %get3A_603 = tpu.vector_load %arg10[%get3A_601, %get3A_602] {strides = array<i32>} : memref<128x128xf32, #tpu.memory_space<vmem>>, vector<1x16xf32>,
        %get3A_604 = vector.shape_cast %get3A_603 : vector<1x16xf32> to vector<16xf32>
        %mul3A_605 = arith.mulf %get3A_604, %broadcast_in_dim3A_576 : vector<16xf32>
        %swap3A_606 = arith.index_cast %add3A_580 : i32 to index
        %swap3A_607 = arith.constant 32 : index
        %swap3A_608 = tpu.vector_load %arg10[%swap3A_606, %swap3A_607] {strides = array<i32>} : memref<128x128xf32, #tpu.memory_space<vmem>>, vector<1x16xf32>,
        %swap3A_609 = vector.shape_cast %swap3A_608 : vector<1x16xf32> to vector<16xf32>
        %swap3A_610 = vector.shape_cast %mul3A_605 : vector<16xf32> to vector<1x16xf32>
        tpu.vector_store %arg10[%swap3A_606, %swap3A_607], %swap3A_610 {strides = array<i32>} : memref<128x128xf32, #tpu.memory_space<vmem>>, vector<1x16xf32>,
        %get3A_611 = arith.index_cast %add3A_580 : i32 to index
        %get3A_612 = arith.constant 48 : index
        %get3A_613 = tpu.vector_load %arg10[%get3A_611, %get3A_612] {strides = array<i32>} : memref<128x128xf32, #tpu.memory_space<vmem>>, vector<1x16xf32>,
        %get3A_614 = vector.shape_cast %get3A_613 : vector<1x16xf32> to vector<16xf32>
        %mul3A_615 = arith.mulf %get3A_614, %broadcast_in_dim3A_576 : vector<16xf32>
        %swap3A_616 = arith.index_cast %add3A_580 : i32 to index
        %swap3A_617 = arith.constant 48 : index
        %swap3A_618 = tpu.vector_load %arg10[%swap3A_616, %swap3A_617] {strides = array<i32>} : memref<128x128xf32, #tpu.memory_space<vmem>>, vector<1x16xf32>,
        %swap3A_619 = vector.shape_cast %swap3A_618 : vector<1x16xf32> to vector<16xf32>
        %swap3A_620 = vector.shape_cast %mul3A_615 : vector<16xf32> to vector<1x16xf32>
        tpu.vector_store %arg10[%swap3A_616, %swap3A_617], %swap3A_620 {strides = array<i32>} : memref<128x128xf32, #tpu.memory_space<vmem>>, vector<1x16xf32>,
        %get3A_621 = arith.index_cast %add3A_580 : i32 to index
        %get3A_622 = arith.constant 64 : index
        %get3A_623 = tpu.vector_load %arg10[%get3A_621, %get3A_622] {strides = array<i32>} : memref<128x128xf32, #tpu.memory_space<vmem>>, vector<1x16xf32>,
        %get3A_624 = vector.shape_cast %get3A_623 : vector<1x16xf32> to vector<16xf32>
        %mul3A_625 = arith.mulf %get3A_624, %broadcast_in_dim3A_576 : vector<16xf32>
        %swap3A_626 = arith.index_cast %add3A_580 : i32 to index
        %swap3A_627 = arith.constant 64 : index
        %swap3A_628 = tpu.vector_load %arg10[%swap3A_626, %swap3A_627] {strides = array<i32>} : memref<128x128xf32, #tpu.memory_space<vmem>>, vector<1x16xf32>,
        %swap3A_629 = vector.shape_cast %swap3A_628 : vector<1x16xf32> to vector<16xf32>
        %swap3A_630 = vector.shape_cast %mul3A_625 : vector<16xf32> to vector<1x16xf32>
        tpu.vector_store %arg10[%swap3A_626, %swap3A_627], %swap3A_630 {strides = array<i32>} : memref<128x128xf32, #tpu.memory_space<vmem>>, vector<1x16xf32>,
        %get3A_631 = arith.index_cast %add3A_580 : i32 to index
        %get3A_632 = arith.constant 80 : index
        %get3A_633 = tpu.vector_load %arg10[%get3A_631, %get3A_632] {strides = array<i32>} : memref<128x128xf32, #tpu.memory_space<vmem>>, vector<1x16xf32>,
        %get3A_634 = vector.shape_cast %get3A_633 : vector<1x16xf32> to vector<16xf32>
        %mul3A_635 = arith.mulf %get3A_634, %broadcast_in_dim3A_576 : vector<16xf32>
        %swap3A_636 = arith.index_cast %add3A_580 : i32 to index
        %swap3A_637 = arith.constant 80 : index
        %swap3A_638 = tpu.vector_load %arg10[%swap3A_636, %swap3A_637] {strides = array<i32>} : memref<128x128xf32, #tpu.memory_space<vmem>>, vector<1x16xf32>,
        %swap3A_639 = vector.shape_cast %swap3A_638 : vector<1x16xf32> to vector<16xf32>
        %swap3A_640 = vector.shape_cast %mul3A_635 : vector<16xf32> to vector<1x16xf32>
        tpu.vector_store %arg10[%swap3A_636, %swap3A_637], %swap3A_640 {strides = array<i32>} : memref<128x128xf32, #tpu.memory_space<vmem>>, vector<1x16xf32>,
        %get3A_641 = arith.index_cast %add3A_580 : i32 to index
        %get3A_642 = arith.constant 96 : index
        %get3A_643 = tpu.vector_load %arg10[%get3A_641, %get3A_642] {strides = array<i32>} : memref<128x128xf32, #tpu.memory_space<vmem>>, vector<1x16xf32>,
        %get3A_644 = vector.shape_cast %get3A_643 : vector<1x16xf32> to vector<16xf32>
        %mul3A_645 = arith.mulf %get3A_644, %broadcast_in_dim3A_576 : vector<16xf32>
        %swap3A_646 = arith.index_cast %add3A_580 : i32 to index
        %swap3A_647 = arith.constant 96 : index
        %swap3A_648 = tpu.vector_load %arg10[%swap3A_646, %swap3A_647] {strides = array<i32>} : memref<128x128xf32, #tpu.memory_space<vmem>>, vector<1x16xf32>,
        %swap3A_649 = vector.shape_cast %swap3A_648 : vector<1x16xf32> to vector<16xf32>
        %swap3A_650 = vector.shape_cast %mul3A_645 : vector<16xf32> to vector<1x16xf32>
        tpu.vector_store %arg10[%swap3A_646, %swap3A_647], %swap3A_650 {strides = array<i32>} : memref<128x128xf32, #tpu.memory_space<vmem>>, vector<1x16xf32>,
        %get3A_651 = arith.index_cast %add3A_580 : i32 to index
        %get3A_652 = arith.constant 112 : index
        %get3A_653 = tpu.vector_load %arg10[%get3A_651, %get3A_652] {strides = array<i32>} : memref<128x128xf32, #tpu.memory_space<vmem>>, vector<1x16xf32>,
        %get3A_654 = vector.shape_cast %get3A_653 : vector<1x16xf32> to vector<16xf32>
        %mul3A_655 = arith.mulf %get3A_654, %broadcast_in_dim3A_576 : vector<16xf32>
        %swap3A_656 = arith.index_cast %add3A_580 : i32 to index
        %swap3A_657 = arith.constant 112 : index
        %swap3A_658 = tpu.vector_load %arg10[%swap3A_656, %swap3A_657] {strides = array<i32>} : memref<128x128xf32, #tpu.memory_space<vmem>>, vector<1x16xf32>,
        %swap3A_659 = vector.shape_cast %swap3A_658 : vector<1x16xf32> to vector<16xf32>
        %swap3A_660 = vector.shape_cast %mul3A_655 : vector<16xf32> to vector<1x16xf32>
        tpu.vector_store %arg10[%swap3A_656, %swap3A_657], %swap3A_660 {strides = array<i32>} : memref<128x128xf32, #tpu.memory_space<vmem>>, vector<1x16xf32>,
        %slice3A_661 = vector.extract_strided_slice %get3A_140 {offsets = [6], sizes = [1], strides = [1]} : vector<16xf32> to vector<1xf32>
        %squeeze3A_662 = vector.extract %slice3A_661[0] : f32 from vector<1xf32>
        %broadcast_in_dim3A_663 = vector.broadcast %squeeze3A_662 : f32 to vector<16xf32>
        %mul3A_664 = arith.constant 16 : i32
        %mul3A_665 = arith.muli %scan3A_135, %mul3A_664 : i32
        %add3A_666 = arith.constant 6 : i32
        %add3A_667 = arith.addi %mul3A_665, %add3A_666 : i32
        %get3A_668 = arith.index_cast %add3A_667 : i32 to index
        %get3A_669 = arith.constant 0 : index
        %get3A_670 = tpu.vector_load %arg10[%get3A_668, %get3A_669] {strides = array<i32>} : memref<128x128xf32, #tpu.memory_space<vmem>>, vector<1x16xf32>,
        %get3A_671 = vector.shape_cast %get3A_670 : vector<1x16xf32> to vector<16xf32>
        %mul3A_672 = arith.mulf %get3A_671, %broadcast_in_dim3A_663 : vector<16xf32>
        %swap3A_673 = arith.index_cast %add3A_667 : i32 to index
        %swap3A_674 = arith.constant 0 : index
        %swap3A_675 = tpu.vector_load %arg10[%swap3A_673, %swap3A_674] {strides = array<i32>} : memref<128x128xf32, #tpu.memory_space<vmem>>, vector<1x16xf32>,
        %swap3A_676 = vector.shape_cast %swap3A_675 : vector<1x16xf32> to vector<16xf32>
        %swap3A_677 = vector.shape_cast %mul3A_672 : vector<16xf32> to vector<1x16xf32>
        tpu.vector_store %arg10[%swap3A_673, %swap3A_674], %swap3A_677 {strides = array<i32>} : memref<128x128xf32, #tpu.memory_space<vmem>>, vector<1x16xf32>,
        %get3A_678 = arith.index_cast %add3A_667 : i32 to index
        %get3A_679 = arith.constant 16 : index
        %get3A_680 = tpu.vector_load %arg10[%get3A_678, %get3A_679] {strides = array<i32>} : memref<128x128xf32, #tpu.memory_space<vmem>>, vector<1x16xf32>,
        %get3A_681 = vector.shape_cast %get3A_680 : vector<1x16xf32> to vector<16xf32>
        %mul3A_682 = arith.mulf %get3A_681, %broadcast_in_dim3A_663 : vector<16xf32>
        %swap3A_683 = arith.index_cast %add3A_667 : i32 to index
        %swap3A_684 = arith.constant 16 : index
        %swap3A_685 = tpu.vector_load %arg10[%swap3A_683, %swap3A_684] {strides = array<i32>} : memref<128x128xf32, #tpu.memory_space<vmem>>, vector<1x16xf32>,
        %swap3A_686 = vector.shape_cast %swap3A_685 : vector<1x16xf32> to vector<16xf32>
        %swap3A_687 = vector.shape_cast %mul3A_682 : vector<16xf32> to vector<1x16xf32>
        tpu.vector_store %arg10[%swap3A_683, %swap3A_684], %swap3A_687 {strides = array<i32>} : memref<128x128xf32, #tpu.memory_space<vmem>>, vector<1x16xf32>,
        %get3A_688 = arith.index_cast %add3A_667 : i32 to index
        %get3A_689 = arith.constant 32 : index
        %get3A_690 = tpu.vector_load %arg10[%get3A_688, %get3A_689] {strides = array<i32>} : memref<128x128xf32, #tpu.memory_space<vmem>>, vector<1x16xf32>,
        %get3A_691 = vector.shape_cast %get3A_690 : vector<1x16xf32> to vector<16xf32>
        %mul3A_692 = arith.mulf %get3A_691, %broadcast_in_dim3A_663 : vector<16xf32>
        %swap3A_693 = arith.index_cast %add3A_667 : i32 to index
        %swap3A_694 = arith.constant 32 : index
        %swap3A_695 = tpu.vector_load %arg10[%swap3A_693, %swap3A_694] {strides = array<i32>} : memref<128x128xf32, #tpu.memory_space<vmem>>, vector<1x16xf32>,
        %swap3A_696 = vector.shape_cast %swap3A_695 : vector<1x16xf32> to vector<16xf32>
        %swap3A_697 = vector.shape_cast %mul3A_692 : vector<16xf32> to vector<1x16xf32>
        tpu.vector_store %arg10[%swap3A_693, %swap3A_694], %swap3A_697 {strides = array<i32>} : memref<128x128xf32, #tpu.memory_space<vmem>>, vector<1x16xf32>,
        %get3A_698 = arith.index_cast %add3A_667 : i32 to index
        %get3A_699 = arith.constant 48 : index
        %get3A_700 = tpu.vector_load %arg10[%get3A_698, %get3A_699] {strides = array<i32>} : memref<128x128xf32, #tpu.memory_space<vmem>>, vector<1x16xf32>,
        %get3A_701 = vector.shape_cast %get3A_700 : vector<1x16xf32> to vector<16xf32>
        %mul3A_702 = arith.mulf %get3A_701, %broadcast_in_dim3A_663 : vector<16xf32>
        %swap3A_703 = arith.index_cast %add3A_667 : i32 to index
        %swap3A_704 = arith.constant 48 : index
        %swap3A_705 = tpu.vector_load %arg10[%swap3A_703, %swap3A_704] {strides = array<i32>} : memref<128x128xf32, #tpu.memory_space<vmem>>, vector<1x16xf32>,
        %swap3A_706 = vector.shape_cast %swap3A_705 : vector<1x16xf32> to vector<16xf32>
        %swap3A_707 = vector.shape_cast %mul3A_702 : vector<16xf32> to vector<1x16xf32>
        tpu.vector_store %arg10[%swap3A_703, %swap3A_704], %swap3A_707 {strides = array<i32>} : memref<128x128xf32, #tpu.memory_space<vmem>>, vector<1x16xf32>,
        %get3A_708 = arith.index_cast %add3A_667 : i32 to index
        %get3A_709 = arith.constant 64 : index
        %get3A_710 = tpu.vector_load %arg10[%get3A_708, %get3A_709] {strides = array<i32>} : memref<128x128xf32, #tpu.memory_space<vmem>>, vector<1x16xf32>,
        %get3A_711 = vector.shape_cast %get3A_710 : vector<1x16xf32> to vector<16xf32>
        %mul3A_712 = arith.mulf %get3A_711, %broadcast_in_dim3A_663 : vector<16xf32>
        %swap3A_713 = arith.index_cast %add3A_667 : i32 to index
        %swap3A_714 = arith.constant 64 : index
        %swap3A_715 = tpu.vector_load %arg10[%swap3A_713, %swap3A_714] {strides = array<i32>} : memref<128x128xf32, #tpu.memory_space<vmem>>, vector<1x16xf32>,
        %swap3A_716 = vector.shape_cast %swap3A_715 : vector<1x16xf32> to vector<16xf32>
        %swap3A_717 = vector.shape_cast %mul3A_712 : vector<16xf32> to vector<1x16xf32>
        tpu.vector_store %arg10[%swap3A_713, %swap3A_714], %swap3A_717 {strides = array<i32>} : memref<128x128xf32, #tpu.memory_space<vmem>>, vector<1x16xf32>,
        %get3A_718 = arith.index_cast %add3A_667 : i32 to index
        %get3A_719 = arith.constant 80 : index
        %get3A_720 = tpu.vector_load %arg10[%get3A_718, %get3A_719] {strides = array<i32>} : memref<128x128xf32, #tpu.memory_space<vmem>>, vector<1x16xf32>,
        %get3A_721 = vector.shape_cast %get3A_720 : vector<1x16xf32> to vector<16xf32>
        %mul3A_722 = arith.mulf %get3A_721, %broadcast_in_dim3A_663 : vector<16xf32>
        %swap3A_723 = arith.index_cast %add3A_667 : i32 to index
        %swap3A_724 = arith.constant 80 : index
        %swap3A_725 = tpu.vector_load %arg10[%swap3A_723, %swap3A_724] {strides = array<i32>} : memref<128x128xf32, #tpu.memory_space<vmem>>, vector<1x16xf32>,
        %swap3A_726 = vector.shape_cast %swap3A_725 : vector<1x16xf32> to vector<16xf32>
        %swap3A_727 = vector.shape_cast %mul3A_722 : vector<16xf32> to vector<1x16xf32>
        tpu.vector_store %arg10[%swap3A_723, %swap3A_724], %swap3A_727 {strides = array<i32>} : memref<128x128xf32, #tpu.memory_space<vmem>>, vector<1x16xf32>,
        %get3A_728 = arith.index_cast %add3A_667 : i32 to index
        %get3A_729 = arith.constant 96 : index
        %get3A_730 = tpu.vector_load %arg10[%get3A_728, %get3A_729] {strides = array<i32>} : memref<128x128xf32, #tpu.memory_space<vmem>>, vector<1x16xf32>,
        %get3A_731 = vector.shape_cast %get3A_730 : vector<1x16xf32> to vector<16xf32>
        %mul3A_732 = arith.mulf %get3A_731, %broadcast_in_dim3A_663 : vector<16xf32>
        %swap3A_733 = arith.index_cast %add3A_667 : i32 to index
        %swap3A_734 = arith.constant 96 : index
        %swap3A_735 = tpu.vector_load %arg10[%swap3A_733, %swap3A_734] {strides = array<i32>} : memref<128x128xf32, #tpu.memory_space<vmem>>, vector<1x16xf32>,
        %swap3A_736 = vector.shape_cast %swap3A_735 : vector<1x16xf32> to vector<16xf32>
        %swap3A_737 = vector.shape_cast %mul3A_732 : vector<16xf32> to vector<1x16xf32>
        tpu.vector_store %arg10[%swap3A_733, %swap3A_734], %swap3A_737 {strides = array<i32>} : memref<128x128xf32, #tpu.memory_space<vmem>>, vector<1x16xf32>,
        %get3A_738 = arith.index_cast %add3A_667 : i32 to index
        %get3A_739 = arith.constant 112 : index
        %get3A_740 = tpu.vector_load %arg10[%get3A_738, %get3A_739] {strides = array<i32>} : memref<128x128xf32, #tpu.memory_space<vmem>>, vector<1x16xf32>,
        %get3A_741 = vector.shape_cast %get3A_740 : vector<1x16xf32> to vector<16xf32>
        %mul3A_742 = arith.mulf %get3A_741, %broadcast_in_dim3A_663 : vector<16xf32>
        %swap3A_743 = arith.index_cast %add3A_667 : i32 to index
        %swap3A_744 = arith.constant 112 : index
        %swap3A_745 = tpu.vector_load %arg10[%swap3A_743, %swap3A_744] {strides = array<i32>} : memref<128x128xf32, #tpu.memory_space<vmem>>, vector<1x16xf32>,
        %swap3A_746 = vector.shape_cast %swap3A_745 : vector<1x16xf32> to vector<16xf32>
        %swap3A_747 = vector.shape_cast %mul3A_742 : vector<16xf32> to vector<1x16xf32>
        tpu.vector_store %arg10[%swap3A_743, %swap3A_744], %swap3A_747 {strides = array<i32>} : memref<128x128xf32, #tpu.memory_space<vmem>>, vector<1x16xf32>,
        %slice3A_748 = vector.extract_strided_slice %get3A_140 {offsets = [7], sizes = [1], strides = [1]} : vector<16xf32> to vector<1xf32>
        %squeeze3A_749 = vector.extract %slice3A_748[0] : f32 from vector<1xf32>
        %broadcast_in_dim3A_750 = vector.broadcast %squeeze3A_749 : f32 to vector<16xf32>
        %mul3A_751 = arith.constant 16 : i32
        %mul3A_752 = arith.muli %scan3A_135, %mul3A_751 : i32
        %add3A_753 = arith.constant 7 : i32
        %add3A_754 = arith.addi %mul3A_752, %add3A_753 : i32
        %get3A_755 = arith.index_cast %add3A_754 : i32 to index
        %get3A_756 = arith.constant 0 : index
        %get3A_757 = tpu.vector_load %arg10[%get3A_755, %get3A_756] {strides = array<i32>} : memref<128x128xf32, #tpu.memory_space<vmem>>, vector<1x16xf32>,
        %get3A_758 = vector.shape_cast %get3A_757 : vector<1x16xf32> to vector<16xf32>
        %mul3A_759 = arith.mulf %get3A_758, %broadcast_in_dim3A_750 : vector<16xf32>
        %swap3A_760 = arith.index_cast %add3A_754 : i32 to index
        %swap3A_761 = arith.constant 0 : index
        %swap3A_762 = tpu.vector_load %arg10[%swap3A_760, %swap3A_761] {strides = array<i32>} : memref<128x128xf32, #tpu.memory_space<vmem>>, vector<1x16xf32>,
        %swap3A_763 = vector.shape_cast %swap3A_762 : vector<1x16xf32> to vector<16xf32>
        %swap3A_764 = vector.shape_cast %mul3A_759 : vector<16xf32> to vector<1x16xf32>
        tpu.vector_store %arg10[%swap3A_760, %swap3A_761], %swap3A_764 {strides = array<i32>} : memref<128x128xf32, #tpu.memory_space<vmem>>, vector<1x16xf32>,
        %get3A_765 = arith.index_cast %add3A_754 : i32 to index
        %get3A_766 = arith.constant 16 : index
        %get3A_767 = tpu.vector_load %arg10[%get3A_765, %get3A_766] {strides = array<i32>} : memref<128x128xf32, #tpu.memory_space<vmem>>, vector<1x16xf32>,
        %get3A_768 = vector.shape_cast %get3A_767 : vector<1x16xf32> to vector<16xf32>
        %mul3A_769 = arith.mulf %get3A_768, %broadcast_in_dim3A_750 : vector<16xf32>
        %swap3A_770 = arith.index_cast %add3A_754 : i32 to index
        %swap3A_771 = arith.constant 16 : index
        %swap3A_772 = tpu.vector_load %arg10[%swap3A_770, %swap3A_771] {strides = array<i32>} : memref<128x128xf32, #tpu.memory_space<vmem>>, vector<1x16xf32>,
        %swap3A_773 = vector.shape_cast %swap3A_772 : vector<1x16xf32> to vector<16xf32>
        %swap3A_774 = vector.shape_cast %mul3A_769 : vector<16xf32> to vector<1x16xf32>
        tpu.vector_store %arg10[%swap3A_770, %swap3A_771], %swap3A_774 {strides = array<i32>} : memref<128x128xf32, #tpu.memory_space<vmem>>, vector<1x16xf32>,
        %get3A_775 = arith.index_cast %add3A_754 : i32 to index
        %get3A_776 = arith.constant 32 : index
        %get3A_777 = tpu.vector_load %arg10[%get3A_775, %get3A_776] {strides = array<i32>} : memref<128x128xf32, #tpu.memory_space<vmem>>, vector<1x16xf32>,
        %get3A_778 = vector.shape_cast %get3A_777 : vector<1x16xf32> to vector<16xf32>
        %mul3A_779 = arith.mulf %get3A_778, %broadcast_in_dim3A_750 : vector<16xf32>
        %swap3A_780 = arith.index_cast %add3A_754 : i32 to index
        %swap3A_781 = arith.constant 32 : index
        %swap3A_782 = tpu.vector_load %arg10[%swap3A_780, %swap3A_781] {strides = array<i32>} : memref<128x128xf32, #tpu.memory_space<vmem>>, vector<1x16xf32>,
        %swap3A_783 = vector.shape_cast %swap3A_782 : vector<1x16xf32> to vector<16xf32>
        %swap3A_784 = vector.shape_cast %mul3A_779 : vector<16xf32> to vector<1x16xf32>
        tpu.vector_store %arg10[%swap3A_780, %swap3A_781], %swap3A_784 {strides = array<i32>} : memref<128x128xf32, #tpu.memory_space<vmem>>, vector<1x16xf32>,
        %get3A_785 = arith.index_cast %add3A_754 : i32 to index
        %get3A_786 = arith.constant 48 : index
        %get3A_787 = tpu.vector_load %arg10[%get3A_785, %get3A_786] {strides = array<i32>} : memref<128x128xf32, #tpu.memory_space<vmem>>, vector<1x16xf32>,
        %get3A_788 = vector.shape_cast %get3A_787 : vector<1x16xf32> to vector<16xf32>
        %mul3A_789 = arith.mulf %get3A_788, %broadcast_in_dim3A_750 : vector<16xf32>
        %swap3A_790 = arith.index_cast %add3A_754 : i32 to index
        %swap3A_791 = arith.constant 48 : index
        %swap3A_792 = tpu.vector_load %arg10[%swap3A_790, %swap3A_791] {strides = array<i32>} : memref<128x128xf32, #tpu.memory_space<vmem>>, vector<1x16xf32>,
        %swap3A_793 = vector.shape_cast %swap3A_792 : vector<1x16xf32> to vector<16xf32>
        %swap3A_794 = vector.shape_cast %mul3A_789 : vector<16xf32> to vector<1x16xf32>
        tpu.vector_store %arg10[%swap3A_790, %swap3A_791], %swap3A_794 {strides = array<i32>} : memref<128x128xf32, #tpu.memory_space<vmem>>, vector<1x16xf32>,
        %get3A_795 = arith.index_cast %add3A_754 : i32 to index
        %get3A_796 = arith.constant 64 : index
        %get3A_797 = tpu.vector_load %arg10[%get3A_795, %get3A_796] {strides = array<i32>} : memref<128x128xf32, #tpu.memory_space<vmem>>, vector<1x16xf32>,
        %get3A_798 = vector.shape_cast %get3A_797 : vector<1x16xf32> to vector<16xf32>
        %mul3A_799 = arith.mulf %get3A_798, %broadcast_in_dim3A_750 : vector<16xf32>
        %swap3A_800 = arith.index_cast %add3A_754 : i32 to index
        %swap3A_801 = arith.constant 64 : index
        %swap3A_802 = tpu.vector_load %arg10[%swap3A_800, %swap3A_801] {strides = array<i32>} : memref<128x128xf32, #tpu.memory_space<vmem>>, vector<1x16xf32>,
        %swap3A_803 = vector.shape_cast %swap3A_802 : vector<1x16xf32> to vector<16xf32>
        %swap3A_804 = vector.shape_cast %mul3A_799 : vector<16xf32> to vector<1x16xf32>
        tpu.vector_store %arg10[%swap3A_800, %swap3A_801], %swap3A_804 {strides = array<i32>} : memref<128x128xf32, #tpu.memory_space<vmem>>, vector<1x16xf32>,
        %get3A_805 = arith.index_cast %add3A_754 : i32 to index
        %get3A_806 = arith.constant 80 : index
        %get3A_807 = tpu.vector_load %arg10[%get3A_805, %get3A_806] {strides = array<i32>} : memref<128x128xf32, #tpu.memory_space<vmem>>, vector<1x16xf32>,
        %get3A_808 = vector.shape_cast %get3A_807 : vector<1x16xf32> to vector<16xf32>
        %mul3A_809 = arith.mulf %get3A_808, %broadcast_in_dim3A_750 : vector<16xf32>
        %swap3A_810 = arith.index_cast %add3A_754 : i32 to index
        %swap3A_811 = arith.constant 80 : index
        %swap3A_812 = tpu.vector_load %arg10[%swap3A_810, %swap3A_811] {strides = array<i32>} : memref<128x128xf32, #tpu.memory_space<vmem>>, vector<1x16xf32>,
        %swap3A_813 = vector.shape_cast %swap3A_812 : vector<1x16xf32> to vector<16xf32>
        %swap3A_814 = vector.shape_cast %mul3A_809 : vector<16xf32> to vector<1x16xf32>
        tpu.vector_store %arg10[%swap3A_810, %swap3A_811], %swap3A_814 {strides = array<i32>} : memref<128x128xf32, #tpu.memory_space<vmem>>, vector<1x16xf32>,
        %get3A_815 = arith.index_cast %add3A_754 : i32 to index
        %get3A_816 = arith.constant 96 : index
        %get3A_817 = tpu.vector_load %arg10[%get3A_815, %get3A_816] {strides = array<i32>} : memref<128x128xf32, #tpu.memory_space<vmem>>, vector<1x16xf32>,
        %get3A_818 = vector.shape_cast %get3A_817 : vector<1x16xf32> to vector<16xf32>
        %mul3A_819 = arith.mulf %get3A_818, %broadcast_in_dim3A_750 : vector<16xf32>
        %swap3A_820 = arith.index_cast %add3A_754 : i32 to index
        %swap3A_821 = arith.constant 96 : index
        %swap3A_822 = tpu.vector_load %arg10[%swap3A_820, %swap3A_821] {strides = array<i32>} : memref<128x128xf32, #tpu.memory_space<vmem>>, vector<1x16xf32>,
        %swap3A_823 = vector.shape_cast %swap3A_822 : vector<1x16xf32> to vector<16xf32>
        %swap3A_824 = vector.shape_cast %mul3A_819 : vector<16xf32> to vector<1x16xf32>
        tpu.vector_store %arg10[%swap3A_820, %swap3A_821], %swap3A_824 {strides = array<i32>} : memref<128x128xf32, #tpu.memory_space<vmem>>, vector<1x16xf32>,
        %get3A_825 = arith.index_cast %add3A_754 : i32 to index
        %get3A_826 = arith.constant 112 : index
        %get3A_827 = tpu.vector_load %arg10[%get3A_825, %get3A_826] {strides = array<i32>} : memref<128x128xf32, #tpu.memory_space<vmem>>, vector<1x16xf32>,
        %get3A_828 = vector.shape_cast %get3A_827 : vector<1x16xf32> to vector<16xf32>
        %mul3A_829 = arith.mulf %get3A_828, %broadcast_in_dim3A_750 : vector<16xf32>
        %swap3A_830 = arith.index_cast %add3A_754 : i32 to index
        %swap3A_831 = arith.constant 112 : index
        %swap3A_832 = tpu.vector_load %arg10[%swap3A_830, %swap3A_831] {strides = array<i32>} : memref<128x128xf32, #tpu.memory_space<vmem>>, vector<1x16xf32>,
        %swap3A_833 = vector.shape_cast %swap3A_832 : vector<1x16xf32> to vector<16xf32>
        %swap3A_834 = vector.shape_cast %mul3A_829 : vector<16xf32> to vector<1x16xf32>
        tpu.vector_store %arg10[%swap3A_830, %swap3A_831], %swap3A_834 {strides = array<i32>} : memref<128x128xf32, #tpu.memory_space<vmem>>, vector<1x16xf32>,
        %slice3A_835 = vector.extract_strided_slice %get3A_140 {offsets = [8], sizes = [1], strides = [1]} : vector<16xf32> to vector<1xf32>
        %squeeze3A_836 = vector.extract %slice3A_835[0] : f32 from vector<1xf32>
        %broadcast_in_dim3A_837 = vector.broadcast %squeeze3A_836 : f32 to vector<16xf32>
        %mul3A_838 = arith.constant 16 : i32
        %mul3A_839 = arith.muli %scan3A_135, %mul3A_838 : i32
        %add3A_840 = arith.constant 8 : i32
        %add3A_841 = arith.addi %mul3A_839, %add3A_840 : i32
        %get3A_842 = arith.index_cast %add3A_841 : i32 to index
        %get3A_843 = arith.constant 0 : index
        %get3A_844 = tpu.vector_load %arg10[%get3A_842, %get3A_843] {strides = array<i32>} : memref<128x128xf32, #tpu.memory_space<vmem>>, vector<1x16xf32>,
        %get3A_845 = vector.shape_cast %get3A_844 : vector<1x16xf32> to vector<16xf32>
        %mul3A_846 = arith.mulf %get3A_845, %broadcast_in_dim3A_837 : vector<16xf32>
        %swap3A_847 = arith.index_cast %add3A_841 : i32 to index
        %swap3A_848 = arith.constant 0 : index
        %swap3A_849 = tpu.vector_load %arg10[%swap3A_847, %swap3A_848] {strides = array<i32>} : memref<128x128xf32, #tpu.memory_space<vmem>>, vector<1x16xf32>,
        %swap3A_850 = vector.shape_cast %swap3A_849 : vector<1x16xf32> to vector<16xf32>
        %swap3A_851 = vector.shape_cast %mul3A_846 : vector<16xf32> to vector<1x16xf32>
        tpu.vector_store %arg10[%swap3A_847, %swap3A_848], %swap3A_851 {strides = array<i32>} : memref<128x128xf32, #tpu.memory_space<vmem>>, vector<1x16xf32>,
        %get3A_852 = arith.index_cast %add3A_841 : i32 to index
        %get3A_853 = arith.constant 16 : index
        %get3A_854 = tpu.vector_load %arg10[%get3A_852, %get3A_853] {strides = array<i32>} : memref<128x128xf32, #tpu.memory_space<vmem>>, vector<1x16xf32>,
        %get3A_855 = vector.shape_cast %get3A_854 : vector<1x16xf32> to vector<16xf32>
        %mul3A_856 = arith.mulf %get3A_855, %broadcast_in_dim3A_837 : vector<16xf32>
        %swap3A_857 = arith.index_cast %add3A_841 : i32 to index
        %swap3A_858 = arith.constant 16 : index
        %swap3A_859 = tpu.vector_load %arg10[%swap3A_857, %swap3A_858] {strides = array<i32>} : memref<128x128xf32, #tpu.memory_space<vmem>>, vector<1x16xf32>,
        %swap3A_860 = vector.shape_cast %swap3A_859 : vector<1x16xf32> to vector<16xf32>
        %swap3A_861 = vector.shape_cast %mul3A_856 : vector<16xf32> to vector<1x16xf32>
        tpu.vector_store %arg10[%swap3A_857, %swap3A_858], %swap3A_861 {strides = array<i32>} : memref<128x128xf32, #tpu.memory_space<vmem>>, vector<1x16xf32>,
        %get3A_862 = arith.index_cast %add3A_841 : i32 to index
        %get3A_863 = arith.constant 32 : index
        %get3A_864 = tpu.vector_load %arg10[%get3A_862, %get3A_863] {strides = array<i32>} : memref<128x128xf32, #tpu.memory_space<vmem>>, vector<1x16xf32>,
        %get3A_865 = vector.shape_cast %get3A_864 : vector<1x16xf32> to vector<16xf32>
        %mul3A_866 = arith.mulf %get3A_865, %broadcast_in_dim3A_837 : vector<16xf32>
        %swap3A_867 = arith.index_cast %add3A_841 : i32 to index
        %swap3A_868 = arith.constant 32 : index
        %swap3A_869 = tpu.vector_load %arg10[%swap3A_867, %swap3A_868] {strides = array<i32>} : memref<128x128xf32, #tpu.memory_space<vmem>>, vector<1x16xf32>,
        %swap3A_870 = vector.shape_cast %swap3A_869 : vector<1x16xf32> to vector<16xf32>
        %swap3A_871 = vector.shape_cast %mul3A_866 : vector<16xf32> to vector<1x16xf32>
        tpu.vector_store %arg10[%swap3A_867, %swap3A_868], %swap3A_871 {strides = array<i32>} : memref<128x128xf32, #tpu.memory_space<vmem>>, vector<1x16xf32>,
        %get3A_872 = arith.index_cast %add3A_841 : i32 to index
        %get3A_873 = arith.constant 48 : index
        %get3A_874 = tpu.vector_load %arg10[%get3A_872, %get3A_873] {strides = array<i32>} : memref<128x128xf32, #tpu.memory_space<vmem>>, vector<1x16xf32>,
        %get3A_875 = vector.shape_cast %get3A_874 : vector<1x16xf32> to vector<16xf32>
        %mul3A_876 = arith.mulf %get3A_875, %broadcast_in_dim3A_837 : vector<16xf32>
        %swap3A_877 = arith.index_cast %add3A_841 : i32 to index
        %swap3A_878 = arith.constant 48 : index
        %swap3A_879 = tpu.vector_load %arg10[%swap3A_877, %swap3A_878] {strides = array<i32>} : memref<128x128xf32, #tpu.memory_space<vmem>>, vector<1x16xf32>,
        %swap3A_880 = vector.shape_cast %swap3A_879 : vector<1x16xf32> to vector<16xf32>
        %swap3A_881 = vector.shape_cast %mul3A_876 : vector<16xf32> to vector<1x16xf32>
        tpu.vector_store %arg10[%swap3A_877, %swap3A_878], %swap3A_881 {strides = array<i32>} : memref<128x128xf32, #tpu.memory_space<vmem>>, vector<1x16xf32>,
        %get3A_882 = arith.index_cast %add3A_841 : i32 to index
        %get3A_883 = arith.constant 64 : index
        %get3A_884 = tpu.vector_load %arg10[%get3A_882, %get3A_883] {strides = array<i32>} : memref<128x128xf32, #tpu.memory_space<vmem>>, vector<1x16xf32>,
        %get3A_885 = vector.shape_cast %get3A_884 : vector<1x16xf32> to vector<16xf32>
        %mul3A_886 = arith.mulf %get3A_885, %broadcast_in_dim3A_837 : vector<16xf32>
        %swap3A_887 = arith.index_cast %add3A_841 : i32 to index
        %swap3A_888 = arith.constant 64 : index
        %swap3A_889 = tpu.vector_load %arg10[%swap3A_887, %swap3A_888] {strides = array<i32>} : memref<128x128xf32, #tpu.memory_space<vmem>>, vector<1x16xf32>,
        %swap3A_890 = vector.shape_cast %swap3A_889 : vector<1x16xf32> to vector<16xf32>
        %swap3A_891 = vector.shape_cast %mul3A_886 : vector<16xf32> to vector<1x16xf32>
        tpu.vector_store %arg10[%swap3A_887, %swap3A_888], %swap3A_891 {strides = array<i32>} : memref<128x128xf32, #tpu.memory_space<vmem>>, vector<1x16xf32>,
        %get3A_892 = arith.index_cast %add3A_841 : i32 to index
        %get3A_893 = arith.constant 80 : index
        %get3A_894 = tpu.vector_load %arg10[%get3A_892, %get3A_893] {strides = array<i32>} : memref<128x128xf32, #tpu.memory_space<vmem>>, vector<1x16xf32>,
        %get3A_895 = vector.shape_cast %get3A_894 : vector<1x16xf32> to vector<16xf32>
        %mul3A_896 = arith.mulf %get3A_895, %broadcast_in_dim3A_837 : vector<16xf32>
        %swap3A_897 = arith.index_cast %add3A_841 : i32 to index
        %swap3A_898 = arith.constant 80 : index
        %swap3A_899 = tpu.vector_load %arg10[%swap3A_897, %swap3A_898] {strides = array<i32>} : memref<128x128xf32, #tpu.memory_space<vmem>>, vector<1x16xf32>,
        %swap3A_900 = vector.shape_cast %swap3A_899 : vector<1x16xf32> to vector<16xf32>
        %swap3A_901 = vector.shape_cast %mul3A_896 : vector<16xf32> to vector<1x16xf32>
        tpu.vector_store %arg10[%swap3A_897, %swap3A_898], %swap3A_901 {strides = array<i32>} : memref<128x128xf32, #tpu.memory_space<vmem>>, vector<1x16xf32>,
        %get3A_902 = arith.index_cast %add3A_841 : i32 to index
        %get3A_903 = arith.constant 96 : index
        %get3A_904 = tpu.vector_load %arg10[%get3A_902, %get3A_903] {strides = array<i32>} : memref<128x128xf32, #tpu.memory_space<vmem>>, vector<1x16xf32>,
        %get3A_905 = vector.shape_cast %get3A_904 : vector<1x16xf32> to vector<16xf32>
        %mul3A_906 = arith.mulf %get3A_905, %broadcast_in_dim3A_837 : vector<16xf32>
        %swap3A_907 = arith.index_cast %add3A_841 : i32 to index
        %swap3A_908 = arith.constant 96 : index
        %swap3A_909 = tpu.vector_load %arg10[%swap3A_907, %swap3A_908] {strides = array<i32>} : memref<128x128xf32, #tpu.memory_space<vmem>>, vector<1x16xf32>,
        %swap3A_910 = vector.shape_cast %swap3A_909 : vector<1x16xf32> to vector<16xf32>
        %swap3A_911 = vector.shape_cast %mul3A_906 : vector<16xf32> to vector<1x16xf32>
        tpu.vector_store %arg10[%swap3A_907, %swap3A_908], %swap3A_911 {strides = array<i32>} : memref<128x128xf32, #tpu.memory_space<vmem>>, vector<1x16xf32>,
        %get3A_912 = arith.index_cast %add3A_841 : i32 to index
        %get3A_913 = arith.constant 112 : index
        %get3A_914 = tpu.vector_load %arg10[%get3A_912, %get3A_913] {strides = array<i32>} : memref<128x128xf32, #tpu.memory_space<vmem>>, vector<1x16xf32>,
        %get3A_915 = vector.shape_cast %get3A_914 : vector<1x16xf32> to vector<16xf32>
        %mul3A_916 = arith.mulf %get3A_915, %broadcast_in_dim3A_837 : vector<16xf32>
        %swap3A_917 = arith.index_cast %add3A_841 : i32 to index
        %swap3A_918 = arith.constant 112 : index
        %swap3A_919 = tpu.vector_load %arg10[%swap3A_917, %swap3A_918] {strides = array<i32>} : memref<128x128xf32, #tpu.memory_space<vmem>>, vector<1x16xf32>,
        %swap3A_920 = vector.shape_cast %swap3A_919 : vector<1x16xf32> to vector<16xf32>
        %swap3A_921 = vector.shape_cast %mul3A_916 : vector<16xf32> to vector<1x16xf32>
        tpu.vector_store %arg10[%swap3A_917, %swap3A_918], %swap3A_921 {strides = array<i32>} : memref<128x128xf32, #tpu.memory_space<vmem>>, vector<1x16xf32>,
        %slice3A_922 = vector.extract_strided_slice %get3A_140 {offsets = [9], sizes = [1], strides = [1]} : vector<16xf32> to vector<1xf32>
        %squeeze3A_923 = vector.extract %slice3A_922[0] : f32 from vector<1xf32>
        %broadcast_in_dim3A_924 = vector.broadcast %squeeze3A_923 : f32 to vector<16xf32>
        %mul3A_925 = arith.constant 16 : i32
        %mul3A_926 = arith.muli %scan3A_135, %mul3A_925 : i32
        %add3A_927 = arith.constant 9 : i32
        %add3A_928 = arith.addi %mul3A_926, %add3A_927 : i32
        %get3A_929 = arith.index_cast %add3A_928 : i32 to index
        %get3A_930 = arith.constant 0 : index
        %get3A_931 = tpu.vector_load %arg10[%get3A_929, %get3A_930] {strides = array<i32>} : memref<128x128xf32, #tpu.memory_space<vmem>>, vector<1x16xf32>,
        %get3A_932 = vector.shape_cast %get3A_931 : vector<1x16xf32> to vector<16xf32>
        %mul3A_933 = arith.mulf %get3A_932, %broadcast_in_dim3A_924 : vector<16xf32>
        %swap3A_934 = arith.index_cast %add3A_928 : i32 to index
        %swap3A_935 = arith.constant 0 : index
        %swap3A_936 = tpu.vector_load %arg10[%swap3A_934, %swap3A_935] {strides = array<i32>} : memref<128x128xf32, #tpu.memory_space<vmem>>, vector<1x16xf32>,
        %swap3A_937 = vector.shape_cast %swap3A_936 : vector<1x16xf32> to vector<16xf32>
        %swap3A_938 = vector.shape_cast %mul3A_933 : vector<16xf32> to vector<1x16xf32>
        tpu.vector_store %arg10[%swap3A_934, %swap3A_935], %swap3A_938 {strides = array<i32>} : memref<128x128xf32, #tpu.memory_space<vmem>>, vector<1x16xf32>,
        %get3A_939 = arith.index_cast %add3A_928 : i32 to index
        %get3A_940 = arith.constant 16 : index
        %get3A_941 = tpu.vector_load %arg10[%get3A_939, %get3A_940] {strides = array<i32>} : memref<128x128xf32, #tpu.memory_space<vmem>>, vector<1x16xf32>,
        %get3A_942 = vector.shape_cast %get3A_941 : vector<1x16xf32> to vector<16xf32>
        %mul3A_943 = arith.mulf %get3A_942, %broadcast_in_dim3A_924 : vector<16xf32>
        %swap3A_944 = arith.index_cast %add3A_928 : i32 to index
        %swap3A_945 = arith.constant 16 : index
        %swap3A_946 = tpu.vector_load %arg10[%swap3A_944, %swap3A_945] {strides = array<i32>} : memref<128x128xf32, #tpu.memory_space<vmem>>, vector<1x16xf32>,
        %swap3A_947 = vector.shape_cast %swap3A_946 : vector<1x16xf32> to vector<16xf32>
        %swap3A_948 = vector.shape_cast %mul3A_943 : vector<16xf32> to vector<1x16xf32>
        tpu.vector_store %arg10[%swap3A_944, %swap3A_945], %swap3A_948 {strides = array<i32>} : memref<128x128xf32, #tpu.memory_space<vmem>>, vector<1x16xf32>,
        %get3A_949 = arith.index_cast %add3A_928 : i32 to index
        %get3A_950 = arith.constant 32 : index
        %get3A_951 = tpu.vector_load %arg10[%get3A_949, %get3A_950] {strides = array<i32>} : memref<128x128xf32, #tpu.memory_space<vmem>>, vector<1x16xf32>,
        %get3A_952 = vector.shape_cast %get3A_951 : vector<1x16xf32> to vector<16xf32>
        %mul3A_953 = arith.mulf %get3A_952, %broadcast_in_dim3A_924 : vector<16xf32>
        %swap3A_954 = arith.index_cast %add3A_928 : i32 to index
        %swap3A_955 = arith.constant 32 : index
        %swap3A_956 = tpu.vector_load %arg10[%swap3A_954, %swap3A_955] {strides = array<i32>} : memref<128x128xf32, #tpu.memory_space<vmem>>, vector<1x16xf32>,
        %swap3A_957 = vector.shape_cast %swap3A_956 : vector<1x16xf32> to vector<16xf32>
        %swap3A_958 = vector.shape_cast %mul3A_953 : vector<16xf32> to vector<1x16xf32>
        tpu.vector_store %arg10[%swap3A_954, %swap3A_955], %swap3A_958 {strides = array<i32>} : memref<128x128xf32, #tpu.memory_space<vmem>>, vector<1x16xf32>,
        %get3A_959 = arith.index_cast %add3A_928 : i32 to index
        %get3A_960 = arith.constant 48 : index
        %get3A_961 = tpu.vector_load %arg10[%get3A_959, %get3A_960] {strides = array<i32>} : memref<128x128xf32, #tpu.memory_space<vmem>>, vector<1x16xf32>,
        %get3A_962 = vector.shape_cast %get3A_961 : vector<1x16xf32> to vector<16xf32>
        %mul3A_963 = arith.mulf %get3A_962, %broadcast_in_dim3A_924 : vector<16xf32>
        %swap3A_964 = arith.index_cast %add3A_928 : i32 to index
        %swap3A_965 = arith.constant 48 : index
        %swap3A_966 = tpu.vector_load %arg10[%swap3A_964, %swap3A_965] {strides = array<i32>} : memref<128x128xf32, #tpu.memory_space<vmem>>, vector<1x16xf32>,
        %swap3A_967 = vector.shape_cast %swap3A_966 : vector<1x16xf32> to vector<16xf32>
        %swap3A_968 = vector.shape_cast %mul3A_963 : vector<16xf32> to vector<1x16xf32>
        tpu.vector_store %arg10[%swap3A_964, %swap3A_965], %swap3A_968 {strides = array<i32>} : memref<128x128xf32, #tpu.memory_space<vmem>>, vector<1x16xf32>,
        %get3A_969 = arith.index_cast %add3A_928 : i32 to index
        %get3A_970 = arith.constant 64 : index
        %get3A_971 = tpu.vector_load %arg10[%get3A_969, %get3A_970] {strides = array<i32>} : memref<128x128xf32, #tpu.memory_space<vmem>>, vector<1x16xf32>,
        %get3A_972 = vector.shape_cast %get3A_971 : vector<1x16xf32> to vector<16xf32>
        %mul3A_973 = arith.mulf %get3A_972, %broadcast_in_dim3A_924 : vector<16xf32>
        %swap3A_974 = arith.index_cast %add3A_928 : i32 to index
        %swap3A_975 = arith.constant 64 : index
        %swap3A_976 = tpu.vector_load %arg10[%swap3A_974, %swap3A_975] {strides = array<i32>} : memref<128x128xf32, #tpu.memory_space<vmem>>, vector<1x16xf32>,
        %swap3A_977 = vector.shape_cast %swap3A_976 : vector<1x16xf32> to vector<16xf32>
        %swap3A_978 = vector.shape_cast %mul3A_973 : vector<16xf32> to vector<1x16xf32>
        tpu.vector_store %arg10[%swap3A_974, %swap3A_975], %swap3A_978 {strides = array<i32>} : memref<128x128xf32, #tpu.memory_space<vmem>>, vector<1x16xf32>,
        %get3A_979 = arith.index_cast %add3A_928 : i32 to index
        %get3A_980 = arith.constant 80 : index
        %get3A_981 = tpu.vector_load %arg10[%get3A_979, %get3A_980] {strides = array<i32>} : memref<128x128xf32, #tpu.memory_space<vmem>>, vector<1x16xf32>,
        %get3A_982 = vector.shape_cast %get3A_981 : vector<1x16xf32> to vector<16xf32>
        %mul3A_983 = arith.mulf %get3A_982, %broadcast_in_dim3A_924 : vector<16xf32>
        %swap3A_984 = arith.index_cast %add3A_928 : i32 to index
        %swap3A_985 = arith.constant 80 : index
        %swap3A_986 = tpu.vector_load %arg10[%swap3A_984, %swap3A_985] {strides = array<i32>} : memref<128x128xf32, #tpu.memory_space<vmem>>, vector<1x16xf32>,
        %swap3A_987 = vector.shape_cast %swap3A_986 : vector<1x16xf32> to vector<16xf32>
        %swap3A_988 = vector.shape_cast %mul3A_983 : vector<16xf32> to vector<1x16xf32>
        tpu.vector_store %arg10[%swap3A_984, %swap3A_985], %swap3A_988 {strides = array<i32>} : memref<128x128xf32, #tpu.memory_space<vmem>>, vector<1x16xf32>,
        %get3A_989 = arith.index_cast %add3A_928 : i32 to index
        %get3A_990 = arith.constant 96 : index
        %get3A_991 = tpu.vector_load %arg10[%get3A_989, %get3A_990] {strides = array<i32>} : memref<128x128xf32, #tpu.memory_space<vmem>>, vector<1x16xf32>,
        %get3A_992 = vector.shape_cast %get3A_991 : vector<1x16xf32> to vector<16xf32>
        %mul3A_993 = arith.mulf %get3A_992, %broadcast_in_dim3A_924 : vector<16xf32>
        %swap3A_994 = arith.index_cast %add3A_928 : i32 to index
        %swap3A_995 = arith.constant 96 : index
        %swap3A_996 = tpu.vector_load %arg10[%swap3A_994, %swap3A_995] {strides = array<i32>} : memref<128x128xf32, #tpu.memory_space<vmem>>, vector<1x16xf32>,
        %swap3A_997 = vector.shape_cast %swap3A_996 : vector<1x16xf32> to vector<16xf32>
        %swap3A_998 = vector.shape_cast %mul3A_993 : vector<16xf32> to vector<1x16xf32>
        tpu.vector_store %arg10[%swap3A_994, %swap3A_995], %swap3A_998 {strides = array<i32>} : memref<128x128xf32, #tpu.memory_space<vmem>>, vector<1x16xf32>,
        %get3A_999 = arith.index_cast %add3A_928 : i32 to index
        %get3A_1000 = arith.constant 112 : index
        %get3A_1001 = tpu.vector_load %arg10[%get3A_999, %get3A_1000] {strides = array<i32>} : memref<128x128xf32, #tpu.memory_space<vmem>>, vector<1x16xf32>,
        %get3A_1002 = vector.shape_cast %get3A_1001 : vector<1x16xf32> to vector<16xf32>
        %mul3A_1003 = arith.mulf %get3A_1002, %broadcast_in_dim3A_924 : vector<16xf32>
        %swap3A_1004 = arith.index_cast %add3A_928 : i32 to index
        %swap3A_1005 = arith.constant 112 : index
        %swap3A_1006 = tpu.vector_load %arg10[%swap3A_1004, %swap3A_1005] {strides = array<i32>} : memref<128x128xf32, #tpu.memory_space<vmem>>, vector<1x16xf32>,
        %swap3A_1007 = vector.shape_cast %swap3A_1006 : vector<1x16xf32> to vector<16xf32>
        %swap3A_1008 = vector.shape_cast %mul3A_1003 : vector<16xf32> to vector<1x16xf32>
        tpu.vector_store %arg10[%swap3A_1004, %swap3A_1005], %swap3A_1008 {strides = array<i32>} : memref<128x128xf32, #tpu.memory_space<vmem>>, vector<1x16xf32>,
        %slice3A_1009 = vector.extract_strided_slice %get3A_140 {offsets = [10], sizes = [1], strides = [1]} : vector<16xf32> to vector<1xf32>
        %squeeze3A_1010 = vector.extract %slice3A_1009[0] : f32 from vector<1xf32>
        %broadcast_in_dim3A_1011 = vector.broadcast %squeeze3A_1010 : f32 to vector<16xf32>
        %mul3A_1012 = arith.constant 16 : i32
        %mul3A_1013 = arith.muli %scan3A_135, %mul3A_1012 : i32
        %add3A_1014 = arith.constant 10 : i32
        %add3A_1015 = arith.addi %mul3A_1013, %add3A_1014 : i32
        %get3A_1016 = arith.index_cast %add3A_1015 : i32 to index
        %get3A_1017 = arith.constant 0 : index
        %get3A_1018 = tpu.vector_load %arg10[%get3A_1016, %get3A_1017] {strides = array<i32>} : memref<128x128xf32, #tpu.memory_space<vmem>>, vector<1x16xf32>,
        %get3A_1019 = vector.shape_cast %get3A_1018 : vector<1x16xf32> to vector<16xf32>
        %mul3A_1020 = arith.mulf %get3A_1019, %broadcast_in_dim3A_1011 : vector<16xf32>
        %swap3A_1021 = arith.index_cast %add3A_1015 : i32 to index
        %swap3A_1022 = arith.constant 0 : index
        %swap3A_1023 = tpu.vector_load %arg10[%swap3A_1021, %swap3A_1022] {strides = array<i32>} : memref<128x128xf32, #tpu.memory_space<vmem>>, vector<1x16xf32>,
        %swap3A_1024 = vector.shape_cast %swap3A_1023 : vector<1x16xf32> to vector<16xf32>
        %swap3A_1025 = vector.shape_cast %mul3A_1020 : vector<16xf32> to vector<1x16xf32>
        tpu.vector_store %arg10[%swap3A_1021, %swap3A_1022], %swap3A_1025 {strides = array<i32>} : memref<128x128xf32, #tpu.memory_space<vmem>>, vector<1x16xf32>,
        %get3A_1026 = arith.index_cast %add3A_1015 : i32 to index
        %get3A_1027 = arith.constant 16 : index
        %get3A_1028 = tpu.vector_load %arg10[%get3A_1026, %get3A_1027] {strides = array<i32>} : memref<128x128xf32, #tpu.memory_space<vmem>>, vector<1x16xf32>,
        %get3A_1029 = vector.shape_cast %get3A_1028 : vector<1x16xf32> to vector<16xf32>
        %mul3A_1030 = arith.mulf %get3A_1029, %broadcast_in_dim3A_1011 : vector<16xf32>
        %swap3A_1031 = arith.index_cast %add3A_1015 : i32 to index
        %swap3A_1032 = arith.constant 16 : index
        %swap3A_1033 = tpu.vector_load %arg10[%swap3A_1031, %swap3A_1032] {strides = array<i32>} : memref<128x128xf32, #tpu.memory_space<vmem>>, vector<1x16xf32>,
        %swap3A_1034 = vector.shape_cast %swap3A_1033 : vector<1x16xf32> to vector<16xf32>
        %swap3A_1035 = vector.shape_cast %mul3A_1030 : vector<16xf32> to vector<1x16xf32>
        tpu.vector_store %arg10[%swap3A_1031, %swap3A_1032], %swap3A_1035 {strides = array<i32>} : memref<128x128xf32, #tpu.memory_space<vmem>>, vector<1x16xf32>,
        %get3A_1036 = arith.index_cast %add3A_1015 : i32 to index
        %get3A_1037 = arith.constant 32 : index
        %get3A_1038 = tpu.vector_load %arg10[%get3A_1036, %get3A_1037] {strides = array<i32>} : memref<128x128xf32, #tpu.memory_space<vmem>>, vector<1x16xf32>,
        %get3A_1039 = vector.shape_cast %get3A_1038 : vector<1x16xf32> to vector<16xf32>
        %mul3A_1040 = arith.mulf %get3A_1039, %broadcast_in_dim3A_1011 : vector<16xf32>
        %swap3A_1041 = arith.index_cast %add3A_1015 : i32 to index
        %swap3A_1042 = arith.constant 32 : index
        %swap3A_1043 = tpu.vector_load %arg10[%swap3A_1041, %swap3A_1042] {strides = array<i32>} : memref<128x128xf32, #tpu.memory_space<vmem>>, vector<1x16xf32>,
        %swap3A_1044 = vector.shape_cast %swap3A_1043 : vector<1x16xf32> to vector<16xf32>
        %swap3A_1045 = vector.shape_cast %mul3A_1040 : vector<16xf32> to vector<1x16xf32>
        tpu.vector_store %arg10[%swap3A_1041, %swap3A_1042], %swap3A_1045 {strides = array<i32>} : memref<128x128xf32, #tpu.memory_space<vmem>>, vector<1x16xf32>,
        %get3A_1046 = arith.index_cast %add3A_1015 : i32 to index
        %get3A_1047 = arith.constant 48 : index
        %get3A_1048 = tpu.vector_load %arg10[%get3A_1046, %get3A_1047] {strides = array<i32>} : memref<128x128xf32, #tpu.memory_space<vmem>>, vector<1x16xf32>,
        %get3A_1049 = vector.shape_cast %get3A_1048 : vector<1x16xf32> to vector<16xf32>
        %mul3A_1050 = arith.mulf %get3A_1049, %broadcast_in_dim3A_1011 : vector<16xf32>
        %swap3A_1051 = arith.index_cast %add3A_1015 : i32 to index
        %swap3A_1052 = arith.constant 48 : index
        %swap3A_1053 = tpu.vector_load %arg10[%swap3A_1051, %swap3A_1052] {strides = array<i32>} : memref<128x128xf32, #tpu.memory_space<vmem>>, vector<1x16xf32>,
        %swap3A_1054 = vector.shape_cast %swap3A_1053 : vector<1x16xf32> to vector<16xf32>
        %swap3A_1055 = vector.shape_cast %mul3A_1050 : vector<16xf32> to vector<1x16xf32>
        tpu.vector_store %arg10[%swap3A_1051, %swap3A_1052], %swap3A_1055 {strides = array<i32>} : memref<128x128xf32, #tpu.memory_space<vmem>>, vector<1x16xf32>,
        %get3A_1056 = arith.index_cast %add3A_1015 : i32 to index
        %get3A_1057 = arith.constant 64 : index
        %get3A_1058 = tpu.vector_load %arg10[%get3A_1056, %get3A_1057] {strides = array<i32>} : memref<128x128xf32, #tpu.memory_space<vmem>>, vector<1x16xf32>,
        %get3A_1059 = vector.shape_cast %get3A_1058 : vector<1x16xf32> to vector<16xf32>
        %mul3A_1060 = arith.mulf %get3A_1059, %broadcast_in_dim3A_1011 : vector<16xf32>
        %swap3A_1061 = arith.index_cast %add3A_1015 : i32 to index
        %swap3A_1062 = arith.constant 64 : index
        %swap3A_1063 = tpu.vector_load %arg10[%swap3A_1061, %swap3A_1062] {strides = array<i32>} : memref<128x128xf32, #tpu.memory_space<vmem>>, vector<1x16xf32>,
        %swap3A_1064 = vector.shape_cast %swap3A_1063 : vector<1x16xf32> to vector<16xf32>
        %swap3A_1065 = vector.shape_cast %mul3A_1060 : vector<16xf32> to vector<1x16xf32>
        tpu.vector_store %arg10[%swap3A_1061, %swap3A_1062], %swap3A_1065 {strides = array<i32>} : memref<128x128xf32, #tpu.memory_space<vmem>>, vector<1x16xf32>,
        %get3A_1066 = arith.index_cast %add3A_1015 : i32 to index
        %get3A_1067 = arith.constant 80 : index
        %get3A_1068 = tpu.vector_load %arg10[%get3A_1066, %get3A_1067] {strides = array<i32>} : memref<128x128xf32, #tpu.memory_space<vmem>>, vector<1x16xf32>,
        %get3A_1069 = vector.shape_cast %get3A_1068 : vector<1x16xf32> to vector<16xf32>
        %mul3A_1070 = arith.mulf %get3A_1069, %broadcast_in_dim3A_1011 : vector<16xf32>
        %swap3A_1071 = arith.index_cast %add3A_1015 : i32 to index
        %swap3A_1072 = arith.constant 80 : index
        %swap3A_1073 = tpu.vector_load %arg10[%swap3A_1071, %swap3A_1072] {strides = array<i32>} : memref<128x128xf32, #tpu.memory_space<vmem>>, vector<1x16xf32>,
        %swap3A_1074 = vector.shape_cast %swap3A_1073 : vector<1x16xf32> to vector<16xf32>
        %swap3A_1075 = vector.shape_cast %mul3A_1070 : vector<16xf32> to vector<1x16xf32>
        tpu.vector_store %arg10[%swap3A_1071, %swap3A_1072], %swap3A_1075 {strides = array<i32>} : memref<128x128xf32, #tpu.memory_space<vmem>>, vector<1x16xf32>,
        %get3A_1076 = arith.index_cast %add3A_1015 : i32 to index
        %get3A_1077 = arith.constant 96 : index
        %get3A_1078 = tpu.vector_load %arg10[%get3A_1076, %get3A_1077] {strides = array<i32>} : memref<128x128xf32, #tpu.memory_space<vmem>>, vector<1x16xf32>,
        %get3A_1079 = vector.shape_cast %get3A_1078 : vector<1x16xf32> to vector<16xf32>
        %mul3A_1080 = arith.mulf %get3A_1079, %broadcast_in_dim3A_1011 : vector<16xf32>
        %swap3A_1081 = arith.index_cast %add3A_1015 : i32 to index
        %swap3A_1082 = arith.constant 96 : index
        %swap3A_1083 = tpu.vector_load %arg10[%swap3A_1081, %swap3A_1082] {strides = array<i32>} : memref<128x128xf32, #tpu.memory_space<vmem>>, vector<1x16xf32>,
        %swap3A_1084 = vector.shape_cast %swap3A_1083 : vector<1x16xf32> to vector<16xf32>
        %swap3A_1085 = vector.shape_cast %mul3A_1080 : vector<16xf32> to vector<1x16xf32>
        tpu.vector_store %arg10[%swap3A_1081, %swap3A_1082], %swap3A_1085 {strides = array<i32>} : memref<128x128xf32, #tpu.memory_space<vmem>>, vector<1x16xf32>,
        %get3A_1086 = arith.index_cast %add3A_1015 : i32 to index
        %get3A_1087 = arith.constant 112 : index
        %get3A_1088 = tpu.vector_load %arg10[%get3A_1086, %get3A_1087] {strides = array<i32>} : memref<128x128xf32, #tpu.memory_space<vmem>>, vector<1x16xf32>,
        %get3A_1089 = vector.shape_cast %get3A_1088 : vector<1x16xf32> to vector<16xf32>
        %mul3A_1090 = arith.mulf %get3A_1089, %broadcast_in_dim3A_1011 : vector<16xf32>
        %swap3A_1091 = arith.index_cast %add3A_1015 : i32 to index
        %swap3A_1092 = arith.constant 112 : index
        %swap3A_1093 = tpu.vector_load %arg10[%swap3A_1091, %swap3A_1092] {strides = array<i32>} : memref<128x128xf32, #tpu.memory_space<vmem>>, vector<1x16xf32>,
        %swap3A_1094 = vector.shape_cast %swap3A_1093 : vector<1x16xf32> to vector<16xf32>
        %swap3A_1095 = vector.shape_cast %mul3A_1090 : vector<16xf32> to vector<1x16xf32>
        tpu.vector_store %arg10[%swap3A_1091, %swap3A_1092], %swap3A_1095 {strides = array<i32>} : memref<128x128xf32, #tpu.memory_space<vmem>>, vector<1x16xf32>,
        %slice3A_1096 = vector.extract_strided_slice %get3A_140 {offsets = [11], sizes = [1], strides = [1]} : vector<16xf32> to vector<1xf32>
        %squeeze3A_1097 = vector.extract %slice3A_1096[0] : f32 from vector<1xf32>
        %broadcast_in_dim3A_1098 = vector.broadcast %squeeze3A_1097 : f32 to vector<16xf32>
        %mul3A_1099 = arith.constant 16 : i32
        %mul3A_1100 = arith.muli %scan3A_135, %mul3A_1099 : i32
        %add3A_1101 = arith.constant 11 : i32
        %add3A_1102 = arith.addi %mul3A_1100, %add3A_1101 : i32
        %get3A_1103 = arith.index_cast %add3A_1102 : i32 to index
        %get3A_1104 = arith.constant 0 : index
        %get3A_1105 = tpu.vector_load %arg10[%get3A_1103, %get3A_1104] {strides = array<i32>} : memref<128x128xf32, #tpu.memory_space<vmem>>, vector<1x16xf32>,
        %get3A_1106 = vector.shape_cast %get3A_1105 : vector<1x16xf32> to vector<16xf32>
        %mul3A_1107 = arith.mulf %get3A_1106, %broadcast_in_dim3A_1098 : vector<16xf32>
        %swap3A_1108 = arith.index_cast %add3A_1102 : i32 to index
        %swap3A_1109 = arith.constant 0 : index
        %swap3A_1110 = tpu.vector_load %arg10[%swap3A_1108, %swap3A_1109] {strides = array<i32>} : memref<128x128xf32, #tpu.memory_space<vmem>>, vector<1x16xf32>,
        %swap3A_1111 = vector.shape_cast %swap3A_1110 : vector<1x16xf32> to vector<16xf32>
        %swap3A_1112 = vector.shape_cast %mul3A_1107 : vector<16xf32> to vector<1x16xf32>
        tpu.vector_store %arg10[%swap3A_1108, %swap3A_1109], %swap3A_1112 {strides = array<i32>} : memref<128x128xf32, #tpu.memory_space<vmem>>, vector<1x16xf32>,
        %get3A_1113 = arith.index_cast %add3A_1102 : i32 to index
        %get3A_1114 = arith.constant 16 : index
        %get3A_1115 = tpu.vector_load %arg10[%get3A_1113, %get3A_1114] {strides = array<i32>} : memref<128x128xf32, #tpu.memory_space<vmem>>, vector<1x16xf32>,
        %get3A_1116 = vector.shape_cast %get3A_1115 : vector<1x16xf32> to vector<16xf32>
        %mul3A_1117 = arith.mulf %get3A_1116, %broadcast_in_dim3A_1098 : vector<16xf32>
        %swap3A_1118 = arith.index_cast %add3A_1102 : i32 to index
        %swap3A_1119 = arith.constant 16 : index
        %swap3A_1120 = tpu.vector_load %arg10[%swap3A_1118, %swap3A_1119] {strides = array<i32>} : memref<128x128xf32, #tpu.memory_space<vmem>>, vector<1x16xf32>,
        %swap3A_1121 = vector.shape_cast %swap3A_1120 : vector<1x16xf32> to vector<16xf32>
        %swap3A_1122 = vector.shape_cast %mul3A_1117 : vector<16xf32> to vector<1x16xf32>
        tpu.vector_store %arg10[%swap3A_1118, %swap3A_1119], %swap3A_1122 {strides = array<i32>} : memref<128x128xf32, #tpu.memory_space<vmem>>, vector<1x16xf32>,
        %get3A_1123 = arith.index_cast %add3A_1102 : i32 to index
        %get3A_1124 = arith.constant 32 : index
        %get3A_1125 = tpu.vector_load %arg10[%get3A_1123, %get3A_1124] {strides = array<i32>} : memref<128x128xf32, #tpu.memory_space<vmem>>, vector<1x16xf32>,
        %get3A_1126 = vector.shape_cast %get3A_1125 : vector<1x16xf32> to vector<16xf32>
        %mul3A_1127 = arith.mulf %get3A_1126, %broadcast_in_dim3A_1098 : vector<16xf32>
        %swap3A_1128 = arith.index_cast %add3A_1102 : i32 to index
        %swap3A_1129 = arith.constant 32 : index
        %swap3A_1130 = tpu.vector_load %arg10[%swap3A_1128, %swap3A_1129] {strides = array<i32>} : memref<128x128xf32, #tpu.memory_space<vmem>>, vector<1x16xf32>,
        %swap3A_1131 = vector.shape_cast %swap3A_1130 : vector<1x16xf32> to vector<16xf32>
        %swap3A_1132 = vector.shape_cast %mul3A_1127 : vector<16xf32> to vector<1x16xf32>
        tpu.vector_store %arg10[%swap3A_1128, %swap3A_1129], %swap3A_1132 {strides = array<i32>} : memref<128x128xf32, #tpu.memory_space<vmem>>, vector<1x16xf32>,
        %get3A_1133 = arith.index_cast %add3A_1102 : i32 to index
        %get3A_1134 = arith.constant 48 : index
        %get3A_1135 = tpu.vector_load %arg10[%get3A_1133, %get3A_1134] {strides = array<i32>} : memref<128x128xf32, #tpu.memory_space<vmem>>, vector<1x16xf32>,
        %get3A_1136 = vector.shape_cast %get3A_1135 : vector<1x16xf32> to vector<16xf32>
        %mul3A_1137 = arith.mulf %get3A_1136, %broadcast_in_dim3A_1098 : vector<16xf32>
        %swap3A_1138 = arith.index_cast %add3A_1102 : i32 to index
        %swap3A_1139 = arith.constant 48 : index
        %swap3A_1140 = tpu.vector_load %arg10[%swap3A_1138, %swap3A_1139] {strides = array<i32>} : memref<128x128xf32, #tpu.memory_space<vmem>>, vector<1x16xf32>,
        %swap3A_1141 = vector.shape_cast %swap3A_1140 : vector<1x16xf32> to vector<16xf32>
        %swap3A_1142 = vector.shape_cast %mul3A_1137 : vector<16xf32> to vector<1x16xf32>
        tpu.vector_store %arg10[%swap3A_1138, %swap3A_1139], %swap3A_1142 {strides = array<i32>} : memref<128x128xf32, #tpu.memory_space<vmem>>, vector<1x16xf32>,
        %get3A_1143 = arith.index_cast %add3A_1102 : i32 to index
        %get3A_1144 = arith.constant 64 : index
        %get3A_1145 = tpu.vector_load %arg10[%get3A_1143, %get3A_1144] {strides = array<i32>} : memref<128x128xf32, #tpu.memory_space<vmem>>, vector<1x16xf32>,
        %get3A_1146 = vector.shape_cast %get3A_1145 : vector<1x16xf32> to vector<16xf32>
        %mul3A_1147 = arith.mulf %get3A_1146, %broadcast_in_dim3A_1098 : vector<16xf32>
        %swap3A_1148 = arith.index_cast %add3A_1102 : i32 to index
        %swap3A_1149 = arith.constant 64 : index
        %swap3A_1150 = tpu.vector_load %arg10[%swap3A_1148, %swap3A_1149] {strides = array<i32>} : memref<128x128xf32, #tpu.memory_space<vmem>>, vector<1x16xf32>,
        %swap3A_1151 = vector.shape_cast %swap3A_1150 : vector<1x16xf32> to vector<16xf32>
        %swap3A_1152 = vector.shape_cast %mul3A_1147 : vector<16xf32> to vector<1x16xf32>
        tpu.vector_store %arg10[%swap3A_1148, %swap3A_1149], %swap3A_1152 {strides = array<i32>} : memref<128x128xf32, #tpu.memory_space<vmem>>, vector<1x16xf32>,
        %get3A_1153 = arith.index_cast %add3A_1102 : i32 to index
        %get3A_1154 = arith.constant 80 : index
        %get3A_1155 = tpu.vector_load %arg10[%get3A_1153, %get3A_1154] {strides = array<i32>} : memref<128x128xf32, #tpu.memory_space<vmem>>, vector<1x16xf32>,
        %get3A_1156 = vector.shape_cast %get3A_1155 : vector<1x16xf32> to vector<16xf32>
        %mul3A_1157 = arith.mulf %get3A_1156, %broadcast_in_dim3A_1098 : vector<16xf32>
        %swap3A_1158 = arith.index_cast %add3A_1102 : i32 to index
        %swap3A_1159 = arith.constant 80 : index
        %swap3A_1160 = tpu.vector_load %arg10[%swap3A_1158, %swap3A_1159] {strides = array<i32>} : memref<128x128xf32, #tpu.memory_space<vmem>>, vector<1x16xf32>,
        %swap3A_1161 = vector.shape_cast %swap3A_1160 : vector<1x16xf32> to vector<16xf32>
        %swap3A_1162 = vector.shape_cast %mul3A_1157 : vector<16xf32> to vector<1x16xf32>
        tpu.vector_store %arg10[%swap3A_1158, %swap3A_1159], %swap3A_1162 {strides = array<i32>} : memref<128x128xf32, #tpu.memory_space<vmem>>, vector<1x16xf32>,
        %get3A_1163 = arith.index_cast %add3A_1102 : i32 to index
        %get3A_1164 = arith.constant 96 : index
        %get3A_1165 = tpu.vector_load %arg10[%get3A_1163, %get3A_1164] {strides = array<i32>} : memref<128x128xf32, #tpu.memory_space<vmem>>, vector<1x16xf32>,
        %get3A_1166 = vector.shape_cast %get3A_1165 : vector<1x16xf32> to vector<16xf32>
        %mul3A_1167 = arith.mulf %get3A_1166, %broadcast_in_dim3A_1098 : vector<16xf32>
        %swap3A_1168 = arith.index_cast %add3A_1102 : i32 to index
        %swap3A_1169 = arith.constant 96 : index
        %swap3A_1170 = tpu.vector_load %arg10[%swap3A_1168, %swap3A_1169] {strides = array<i32>} : memref<128x128xf32, #tpu.memory_space<vmem>>, vector<1x16xf32>,
        %swap3A_1171 = vector.shape_cast %swap3A_1170 : vector<1x16xf32> to vector<16xf32>
        %swap3A_1172 = vector.shape_cast %mul3A_1167 : vector<16xf32> to vector<1x16xf32>
        tpu.vector_store %arg10[%swap3A_1168, %swap3A_1169], %swap3A_1172 {strides = array<i32>} : memref<128x128xf32, #tpu.memory_space<vmem>>, vector<1x16xf32>,
        %get3A_1173 = arith.index_cast %add3A_1102 : i32 to index
        %get3A_1174 = arith.constant 112 : index
        %get3A_1175 = tpu.vector_load %arg10[%get3A_1173, %get3A_1174] {strides = array<i32>} : memref<128x128xf32, #tpu.memory_space<vmem>>, vector<1x16xf32>,
        %get3A_1176 = vector.shape_cast %get3A_1175 : vector<1x16xf32> to vector<16xf32>
        %mul3A_1177 = arith.mulf %get3A_1176, %broadcast_in_dim3A_1098 : vector<16xf32>
        %swap3A_1178 = arith.index_cast %add3A_1102 : i32 to index
        %swap3A_1179 = arith.constant 112 : index
        %swap3A_1180 = tpu.vector_load %arg10[%swap3A_1178, %swap3A_1179] {strides = array<i32>} : memref<128x128xf32, #tpu.memory_space<vmem>>, vector<1x16xf32>,
        %swap3A_1181 = vector.shape_cast %swap3A_1180 : vector<1x16xf32> to vector<16xf32>
        %swap3A_1182 = vector.shape_cast %mul3A_1177 : vector<16xf32> to vector<1x16xf32>
        tpu.vector_store %arg10[%swap3A_1178, %swap3A_1179], %swap3A_1182 {strides = array<i32>} : memref<128x128xf32, #tpu.memory_space<vmem>>, vector<1x16xf32>,
        %slice3A_1183 = vector.extract_strided_slice %get3A_140 {offsets = [12], sizes = [1], strides = [1]} : vector<16xf32> to vector<1xf32>
        %squeeze3A_1184 = vector.extract %slice3A_1183[0] : f32 from vector<1xf32>
        %broadcast_in_dim3A_1185 = vector.broadcast %squeeze3A_1184 : f32 to vector<16xf32>
        %mul3A_1186 = arith.constant 16 : i32
        %mul3A_1187 = arith.muli %scan3A_135, %mul3A_1186 : i32
        %add3A_1188 = arith.constant 12 : i32
        %add3A_1189 = arith.addi %mul3A_1187, %add3A_1188 : i32
        %get3A_1190 = arith.index_cast %add3A_1189 : i32 to index
        %get3A_1191 = arith.constant 0 : index
        %get3A_1192 = tpu.vector_load %arg10[%get3A_1190, %get3A_1191] {strides = array<i32>} : memref<128x128xf32, #tpu.memory_space<vmem>>, vector<1x16xf32>,
        %get3A_1193 = vector.shape_cast %get3A_1192 : vector<1x16xf32> to vector<16xf32>
        %mul3A_1194 = arith.mulf %get3A_1193, %broadcast_in_dim3A_1185 : vector<16xf32>
        %swap3A_1195 = arith.index_cast %add3A_1189 : i32 to index
        %swap3A_1196 = arith.constant 0 : index
        %swap3A_1197 = tpu.vector_load %arg10[%swap3A_1195, %swap3A_1196] {strides = array<i32>} : memref<128x128xf32, #tpu.memory_space<vmem>>, vector<1x16xf32>,
        %swap3A_1198 = vector.shape_cast %swap3A_1197 : vector<1x16xf32> to vector<16xf32>
        %swap3A_1199 = vector.shape_cast %mul3A_1194 : vector<16xf32> to vector<1x16xf32>
        tpu.vector_store %arg10[%swap3A_1195, %swap3A_1196], %swap3A_1199 {strides = array<i32>} : memref<128x128xf32, #tpu.memory_space<vmem>>, vector<1x16xf32>,
        %get3A_1200 = arith.index_cast %add3A_1189 : i32 to index
        %get3A_1201 = arith.constant 16 : index
        %get3A_1202 = tpu.vector_load %arg10[%get3A_1200, %get3A_1201] {strides = array<i32>} : memref<128x128xf32, #tpu.memory_space<vmem>>, vector<1x16xf32>,
        %get3A_1203 = vector.shape_cast %get3A_1202 : vector<1x16xf32> to vector<16xf32>
        %mul3A_1204 = arith.mulf %get3A_1203, %broadcast_in_dim3A_1185 : vector<16xf32>
        %swap3A_1205 = arith.index_cast %add3A_1189 : i32 to index
        %swap3A_1206 = arith.constant 16 : index
        %swap3A_1207 = tpu.vector_load %arg10[%swap3A_1205, %swap3A_1206] {strides = array<i32>} : memref<128x128xf32, #tpu.memory_space<vmem>>, vector<1x16xf32>,
        %swap3A_1208 = vector.shape_cast %swap3A_1207 : vector<1x16xf32> to vector<16xf32>
        %swap3A_1209 = vector.shape_cast %mul3A_1204 : vector<16xf32> to vector<1x16xf32>
        tpu.vector_store %arg10[%swap3A_1205, %swap3A_1206], %swap3A_1209 {strides = array<i32>} : memref<128x128xf32, #tpu.memory_space<vmem>>, vector<1x16xf32>,
        %get3A_1210 = arith.index_cast %add3A_1189 : i32 to index
        %get3A_1211 = arith.constant 32 : index
        %get3A_1212 = tpu.vector_load %arg10[%get3A_1210, %get3A_1211] {strides = array<i32>} : memref<128x128xf32, #tpu.memory_space<vmem>>, vector<1x16xf32>,
        %get3A_1213 = vector.shape_cast %get3A_1212 : vector<1x16xf32> to vector<16xf32>
        %mul3A_1214 = arith.mulf %get3A_1213, %broadcast_in_dim3A_1185 : vector<16xf32>
        %swap3A_1215 = arith.index_cast %add3A_1189 : i32 to index
        %swap3A_1216 = arith.constant 32 : index
        %swap3A_1217 = tpu.vector_load %arg10[%swap3A_1215, %swap3A_1216] {strides = array<i32>} : memref<128x128xf32, #tpu.memory_space<vmem>>, vector<1x16xf32>,
        %swap3A_1218 = vector.shape_cast %swap3A_1217 : vector<1x16xf32> to vector<16xf32>
        %swap3A_1219 = vector.shape_cast %mul3A_1214 : vector<16xf32> to vector<1x16xf32>
        tpu.vector_store %arg10[%swap3A_1215, %swap3A_1216], %swap3A_1219 {strides = array<i32>} : memref<128x128xf32, #tpu.memory_space<vmem>>, vector<1x16xf32>,
        %get3A_1220 = arith.index_cast %add3A_1189 : i32 to index
        %get3A_1221 = arith.constant 48 : index
        %get3A_1222 = tpu.vector_load %arg10[%get3A_1220, %get3A_1221] {strides = array<i32>} : memref<128x128xf32, #tpu.memory_space<vmem>>, vector<1x16xf32>,
        %get3A_1223 = vector.shape_cast %get3A_1222 : vector<1x16xf32> to vector<16xf32>
        %mul3A_1224 = arith.mulf %get3A_1223, %broadcast_in_dim3A_1185 : vector<16xf32>
        %swap3A_1225 = arith.index_cast %add3A_1189 : i32 to index
        %swap3A_1226 = arith.constant 48 : index
        %swap3A_1227 = tpu.vector_load %arg10[%swap3A_1225, %swap3A_1226] {strides = array<i32>} : memref<128x128xf32, #tpu.memory_space<vmem>>, vector<1x16xf32>,
        %swap3A_1228 = vector.shape_cast %swap3A_1227 : vector<1x16xf32> to vector<16xf32>
        %swap3A_1229 = vector.shape_cast %mul3A_1224 : vector<16xf32> to vector<1x16xf32>
        tpu.vector_store %arg10[%swap3A_1225, %swap3A_1226], %swap3A_1229 {strides = array<i32>} : memref<128x128xf32, #tpu.memory_space<vmem>>, vector<1x16xf32>,
        %get3A_1230 = arith.index_cast %add3A_1189 : i32 to index
        %get3A_1231 = arith.constant 64 : index
        %get3A_1232 = tpu.vector_load %arg10[%get3A_1230, %get3A_1231] {strides = array<i32>} : memref<128x128xf32, #tpu.memory_space<vmem>>, vector<1x16xf32>,
        %get3A_1233 = vector.shape_cast %get3A_1232 : vector<1x16xf32> to vector<16xf32>
        %mul3A_1234 = arith.mulf %get3A_1233, %broadcast_in_dim3A_1185 : vector<16xf32>
        %swap3A_1235 = arith.index_cast %add3A_1189 : i32 to index
        %swap3A_1236 = arith.constant 64 : index
        %swap3A_1237 = tpu.vector_load %arg10[%swap3A_1235, %swap3A_1236] {strides = array<i32>} : memref<128x128xf32, #tpu.memory_space<vmem>>, vector<1x16xf32>,
        %swap3A_1238 = vector.shape_cast %swap3A_1237 : vector<1x16xf32> to vector<16xf32>
        %swap3A_1239 = vector.shape_cast %mul3A_1234 : vector<16xf32> to vector<1x16xf32>
        tpu.vector_store %arg10[%swap3A_1235, %swap3A_1236], %swap3A_1239 {strides = array<i32>} : memref<128x128xf32, #tpu.memory_space<vmem>>, vector<1x16xf32>,
        %get3A_1240 = arith.index_cast %add3A_1189 : i32 to index
        %get3A_1241 = arith.constant 80 : index
        %get3A_1242 = tpu.vector_load %arg10[%get3A_1240, %get3A_1241] {strides = array<i32>} : memref<128x128xf32, #tpu.memory_space<vmem>>, vector<1x16xf32>,
        %get3A_1243 = vector.shape_cast %get3A_1242 : vector<1x16xf32> to vector<16xf32>
        %mul3A_1244 = arith.mulf %get3A_1243, %broadcast_in_dim3A_1185 : vector<16xf32>
        %swap3A_1245 = arith.index_cast %add3A_1189 : i32 to index
        %swap3A_1246 = arith.constant 80 : index
        %swap3A_1247 = tpu.vector_load %arg10[%swap3A_1245, %swap3A_1246] {strides = array<i32>} : memref<128x128xf32, #tpu.memory_space<vmem>>, vector<1x16xf32>,
        %swap3A_1248 = vector.shape_cast %swap3A_1247 : vector<1x16xf32> to vector<16xf32>
        %swap3A_1249 = vector.shape_cast %mul3A_1244 : vector<16xf32> to vector<1x16xf32>
        tpu.vector_store %arg10[%swap3A_1245, %swap3A_1246], %swap3A_1249 {strides = array<i32>} : memref<128x128xf32, #tpu.memory_space<vmem>>, vector<1x16xf32>,
        %get3A_1250 = arith.index_cast %add3A_1189 : i32 to index
        %get3A_1251 = arith.constant 96 : index
        %get3A_1252 = tpu.vector_load %arg10[%get3A_1250, %get3A_1251] {strides = array<i32>} : memref<128x128xf32, #tpu.memory_space<vmem>>, vector<1x16xf32>,
        %get3A_1253 = vector.shape_cast %get3A_1252 : vector<1x16xf32> to vector<16xf32>
        %mul3A_1254 = arith.mulf %get3A_1253, %broadcast_in_dim3A_1185 : vector<16xf32>
        %swap3A_1255 = arith.index_cast %add3A_1189 : i32 to index
        %swap3A_1256 = arith.constant 96 : index
        %swap3A_1257 = tpu.vector_load %arg10[%swap3A_1255, %swap3A_1256] {strides = array<i32>} : memref<128x128xf32, #tpu.memory_space<vmem>>, vector<1x16xf32>,
        %swap3A_1258 = vector.shape_cast %swap3A_1257 : vector<1x16xf32> to vector<16xf32>
        %swap3A_1259 = vector.shape_cast %mul3A_1254 : vector<16xf32> to vector<1x16xf32>
        tpu.vector_store %arg10[%swap3A_1255, %swap3A_1256], %swap3A_1259 {strides = array<i32>} : memref<128x128xf32, #tpu.memory_space<vmem>>, vector<1x16xf32>,
        %get3A_1260 = arith.index_cast %add3A_1189 : i32 to index
        %get3A_1261 = arith.constant 112 : index
        %get3A_1262 = tpu.vector_load %arg10[%get3A_1260, %get3A_1261] {strides = array<i32>} : memref<128x128xf32, #tpu.memory_space<vmem>>, vector<1x16xf32>,
        %get3A_1263 = vector.shape_cast %get3A_1262 : vector<1x16xf32> to vector<16xf32>
        %mul3A_1264 = arith.mulf %get3A_1263, %broadcast_in_dim3A_1185 : vector<16xf32>
        %swap3A_1265 = arith.index_cast %add3A_1189 : i32 to index
        %swap3A_1266 = arith.constant 112 : index
        %swap3A_1267 = tpu.vector_load %arg10[%swap3A_1265, %swap3A_1266] {strides = array<i32>} : memref<128x128xf32, #tpu.memory_space<vmem>>, vector<1x16xf32>,
        %swap3A_1268 = vector.shape_cast %swap3A_1267 : vector<1x16xf32> to vector<16xf32>
        %swap3A_1269 = vector.shape_cast %mul3A_1264 : vector<16xf32> to vector<1x16xf32>
        tpu.vector_store %arg10[%swap3A_1265, %swap3A_1266], %swap3A_1269 {strides = array<i32>} : memref<128x128xf32, #tpu.memory_space<vmem>>, vector<1x16xf32>,
        %slice3A_1270 = vector.extract_strided_slice %get3A_140 {offsets = [13], sizes = [1], strides = [1]} : vector<16xf32> to vector<1xf32>
        %squeeze3A_1271 = vector.extract %slice3A_1270[0] : f32 from vector<1xf32>
        %broadcast_in_dim3A_1272 = vector.broadcast %squeeze3A_1271 : f32 to vector<16xf32>
        %mul3A_1273 = arith.constant 16 : i32
        %mul3A_1274 = arith.muli %scan3A_135, %mul3A_1273 : i32
        %add3A_1275 = arith.constant 13 : i32
        %add3A_1276 = arith.addi %mul3A_1274, %add3A_1275 : i32
        %get3A_1277 = arith.index_cast %add3A_1276 : i32 to index
        %get3A_1278 = arith.constant 0 : index
        %get3A_1279 = tpu.vector_load %arg10[%get3A_1277, %get3A_1278] {strides = array<i32>} : memref<128x128xf32, #tpu.memory_space<vmem>>, vector<1x16xf32>,
        %get3A_1280 = vector.shape_cast %get3A_1279 : vector<1x16xf32> to vector<16xf32>
        %mul3A_1281 = arith.mulf %get3A_1280, %broadcast_in_dim3A_1272 : vector<16xf32>
        %swap3A_1282 = arith.index_cast %add3A_1276 : i32 to index
        %swap3A_1283 = arith.constant 0 : index
        %swap3A_1284 = tpu.vector_load %arg10[%swap3A_1282, %swap3A_1283] {strides = array<i32>} : memref<128x128xf32, #tpu.memory_space<vmem>>, vector<1x16xf32>,
        %swap3A_1285 = vector.shape_cast %swap3A_1284 : vector<1x16xf32> to vector<16xf32>
        %swap3A_1286 = vector.shape_cast %mul3A_1281 : vector<16xf32> to vector<1x16xf32>
        tpu.vector_store %arg10[%swap3A_1282, %swap3A_1283], %swap3A_1286 {strides = array<i32>} : memref<128x128xf32, #tpu.memory_space<vmem>>, vector<1x16xf32>,
        %get3A_1287 = arith.index_cast %add3A_1276 : i32 to index
        %get3A_1288 = arith.constant 16 : index
        %get3A_1289 = tpu.vector_load %arg10[%get3A_1287, %get3A_1288] {strides = array<i32>} : memref<128x128xf32, #tpu.memory_space<vmem>>, vector<1x16xf32>,
        %get3A_1290 = vector.shape_cast %get3A_1289 : vector<1x16xf32> to vector<16xf32>
        %mul3A_1291 = arith.mulf %get3A_1290, %broadcast_in_dim3A_1272 : vector<16xf32>
        %swap3A_1292 = arith.index_cast %add3A_1276 : i32 to index
        %swap3A_1293 = arith.constant 16 : index
        %swap3A_1294 = tpu.vector_load %arg10[%swap3A_1292, %swap3A_1293] {strides = array<i32>} : memref<128x128xf32, #tpu.memory_space<vmem>>, vector<1x16xf32>,
        %swap3A_1295 = vector.shape_cast %swap3A_1294 : vector<1x16xf32> to vector<16xf32>
        %swap3A_1296 = vector.shape_cast %mul3A_1291 : vector<16xf32> to vector<1x16xf32>
        tpu.vector_store %arg10[%swap3A_1292, %swap3A_1293], %swap3A_1296 {strides = array<i32>} : memref<128x128xf32, #tpu.memory_space<vmem>>, vector<1x16xf32>,
        %get3A_1297 = arith.index_cast %add3A_1276 : i32 to index
        %get3A_1298 = arith.constant 32 : index
        %get3A_1299 = tpu.vector_load %arg10[%get3A_1297, %get3A_1298] {strides = array<i32>} : memref<128x128xf32, #tpu.memory_space<vmem>>, vector<1x16xf32>,
        %get3A_1300 = vector.shape_cast %get3A_1299 : vector<1x16xf32> to vector<16xf32>
        %mul3A_1301 = arith.mulf %get3A_1300, %broadcast_in_dim3A_1272 : vector<16xf32>
        %swap3A_1302 = arith.index_cast %add3A_1276 : i32 to index
        %swap3A_1303 = arith.constant 32 : index
        %swap3A_1304 = tpu.vector_load %arg10[%swap3A_1302, %swap3A_1303] {strides = array<i32>} : memref<128x128xf32, #tpu.memory_space<vmem>>, vector<1x16xf32>,
        %swap3A_1305 = vector.shape_cast %swap3A_1304 : vector<1x16xf32> to vector<16xf32>
        %swap3A_1306 = vector.shape_cast %mul3A_1301 : vector<16xf32> to vector<1x16xf32>
        tpu.vector_store %arg10[%swap3A_1302, %swap3A_1303], %swap3A_1306 {strides = array<i32>} : memref<128x128xf32, #tpu.memory_space<vmem>>, vector<1x16xf32>,
        %get3A_1307 = arith.index_cast %add3A_1276 : i32 to index
        %get3A_1308 = arith.constant 48 : index
        %get3A_1309 = tpu.vector_load %arg10[%get3A_1307, %get3A_1308] {strides = array<i32>} : memref<128x128xf32, #tpu.memory_space<vmem>>, vector<1x16xf32>,
        %get3A_1310 = vector.shape_cast %get3A_1309 : vector<1x16xf32> to vector<16xf32>
        %mul3A_1311 = arith.mulf %get3A_1310, %broadcast_in_dim3A_1272 : vector<16xf32>
        %swap3A_1312 = arith.index_cast %add3A_1276 : i32 to index
        %swap3A_1313 = arith.constant 48 : index
        %swap3A_1314 = tpu.vector_load %arg10[%swap3A_1312, %swap3A_1313] {strides = array<i32>} : memref<128x128xf32, #tpu.memory_space<vmem>>, vector<1x16xf32>,
        %swap3A_1315 = vector.shape_cast %swap3A_1314 : vector<1x16xf32> to vector<16xf32>
        %swap3A_1316 = vector.shape_cast %mul3A_1311 : vector<16xf32> to vector<1x16xf32>
        tpu.vector_store %arg10[%swap3A_1312, %swap3A_1313], %swap3A_1316 {strides = array<i32>} : memref<128x128xf32, #tpu.memory_space<vmem>>, vector<1x16xf32>,
        %get3A_1317 = arith.index_cast %add3A_1276 : i32 to index
        %get3A_1318 = arith.constant 64 : index
        %get3A_1319 = tpu.vector_load %arg10[%get3A_1317, %get3A_1318] {strides = array<i32>} : memref<128x128xf32, #tpu.memory_space<vmem>>, vector<1x16xf32>,
        %get3A_1320 = vector.shape_cast %get3A_1319 : vector<1x16xf32> to vector<16xf32>
        %mul3A_1321 = arith.mulf %get3A_1320, %broadcast_in_dim3A_1272 : vector<16xf32>
        %swap3A_1322 = arith.index_cast %add3A_1276 : i32 to index
        %swap3A_1323 = arith.constant 64 : index
        %swap3A_1324 = tpu.vector_load %arg10[%swap3A_1322, %swap3A_1323] {strides = array<i32>} : memref<128x128xf32, #tpu.memory_space<vmem>>, vector<1x16xf32>,
        %swap3A_1325 = vector.shape_cast %swap3A_1324 : vector<1x16xf32> to vector<16xf32>
        %swap3A_1326 = vector.shape_cast %mul3A_1321 : vector<16xf32> to vector<1x16xf32>
        tpu.vector_store %arg10[%swap3A_1322, %swap3A_1323], %swap3A_1326 {strides = array<i32>} : memref<128x128xf32, #tpu.memory_space<vmem>>, vector<1x16xf32>,
        %get3A_1327 = arith.index_cast %add3A_1276 : i32 to index
        %get3A_1328 = arith.constant 80 : index
        %get3A_1329 = tpu.vector_load %arg10[%get3A_1327, %get3A_1328] {strides = array<i32>} : memref<128x128xf32, #tpu.memory_space<vmem>>, vector<1x16xf32>,
        %get3A_1330 = vector.shape_cast %get3A_1329 : vector<1x16xf32> to vector<16xf32>
        %mul3A_1331 = arith.mulf %get3A_1330, %broadcast_in_dim3A_1272 : vector<16xf32>
        %swap3A_1332 = arith.index_cast %add3A_1276 : i32 to index
        %swap3A_1333 = arith.constant 80 : index
        %swap3A_1334 = tpu.vector_load %arg10[%swap3A_1332, %swap3A_1333] {strides = array<i32>} : memref<128x128xf32, #tpu.memory_space<vmem>>, vector<1x16xf32>,
        %swap3A_1335 = vector.shape_cast %swap3A_1334 : vector<1x16xf32> to vector<16xf32>
        %swap3A_1336 = vector.shape_cast %mul3A_1331 : vector<16xf32> to vector<1x16xf32>
        tpu.vector_store %arg10[%swap3A_1332, %swap3A_1333], %swap3A_1336 {strides = array<i32>} : memref<128x128xf32, #tpu.memory_space<vmem>>, vector<1x16xf32>,
        %get3A_1337 = arith.index_cast %add3A_1276 : i32 to index
        %get3A_1338 = arith.constant 96 : index
        %get3A_1339 = tpu.vector_load %arg10[%get3A_1337, %get3A_1338] {strides = array<i32>} : memref<128x128xf32, #tpu.memory_space<vmem>>, vector<1x16xf32>,
        %get3A_1340 = vector.shape_cast %get3A_1339 : vector<1x16xf32> to vector<16xf32>
        %mul3A_1341 = arith.mulf %get3A_1340, %broadcast_in_dim3A_1272 : vector<16xf32>
        %swap3A_1342 = arith.index_cast %add3A_1276 : i32 to index
        %swap3A_1343 = arith.constant 96 : index
        %swap3A_1344 = tpu.vector_load %arg10[%swap3A_1342, %swap3A_1343] {strides = array<i32>} : memref<128x128xf32, #tpu.memory_space<vmem>>, vector<1x16xf32>,
        %swap3A_1345 = vector.shape_cast %swap3A_1344 : vector<1x16xf32> to vector<16xf32>
        %swap3A_1346 = vector.shape_cast %mul3A_1341 : vector<16xf32> to vector<1x16xf32>
        tpu.vector_store %arg10[%swap3A_1342, %swap3A_1343], %swap3A_1346 {strides = array<i32>} : memref<128x128xf32, #tpu.memory_space<vmem>>, vector<1x16xf32>,
        %get3A_1347 = arith.index_cast %add3A_1276 : i32 to index
        %get3A_1348 = arith.constant 112 : index
        %get3A_1349 = tpu.vector_load %arg10[%get3A_1347, %get3A_1348] {strides = array<i32>} : memref<128x128xf32, #tpu.memory_space<vmem>>, vector<1x16xf32>,
        %get3A_1350 = vector.shape_cast %get3A_1349 : vector<1x16xf32> to vector<16xf32>
        %mul3A_1351 = arith.mulf %get3A_1350, %broadcast_in_dim3A_1272 : vector<16xf32>
        %swap3A_1352 = arith.index_cast %add3A_1276 : i32 to index
        %swap3A_1353 = arith.constant 112 : index
        %swap3A_1354 = tpu.vector_load %arg10[%swap3A_1352, %swap3A_1353] {strides = array<i32>} : memref<128x128xf32, #tpu.memory_space<vmem>>, vector<1x16xf32>,
        %swap3A_1355 = vector.shape_cast %swap3A_1354 : vector<1x16xf32> to vector<16xf32>
        %swap3A_1356 = vector.shape_cast %mul3A_1351 : vector<16xf32> to vector<1x16xf32>
        tpu.vector_store %arg10[%swap3A_1352, %swap3A_1353], %swap3A_1356 {strides = array<i32>} : memref<128x128xf32, #tpu.memory_space<vmem>>, vector<1x16xf32>,
        %slice3A_1357 = vector.extract_strided_slice %get3A_140 {offsets = [14], sizes = [1], strides = [1]} : vector<16xf32> to vector<1xf32>
        %squeeze3A_1358 = vector.extract %slice3A_1357[0] : f32 from vector<1xf32>
        %broadcast_in_dim3A_1359 = vector.broadcast %squeeze3A_1358 : f32 to vector<16xf32>
        %mul3A_1360 = arith.constant 16 : i32
        %mul3A_1361 = arith.muli %scan3A_135, %mul3A_1360 : i32
        %add3A_1362 = arith.constant 14 : i32
        %add3A_1363 = arith.addi %mul3A_1361, %add3A_1362 : i32
        %get3A_1364 = arith.index_cast %add3A_1363 : i32 to index
        %get3A_1365 = arith.constant 0 : index
        %get3A_1366 = tpu.vector_load %arg10[%get3A_1364, %get3A_1365] {strides = array<i32>} : memref<128x128xf32, #tpu.memory_space<vmem>>, vector<1x16xf32>,
        %get3A_1367 = vector.shape_cast %get3A_1366 : vector<1x16xf32> to vector<16xf32>
        %mul3A_1368 = arith.mulf %get3A_1367, %broadcast_in_dim3A_1359 : vector<16xf32>
        %swap3A_1369 = arith.index_cast %add3A_1363 : i32 to index
        %swap3A_1370 = arith.constant 0 : index
        %swap3A_1371 = tpu.vector_load %arg10[%swap3A_1369, %swap3A_1370] {strides = array<i32>} : memref<128x128xf32, #tpu.memory_space<vmem>>, vector<1x16xf32>,
        %swap3A_1372 = vector.shape_cast %swap3A_1371 : vector<1x16xf32> to vector<16xf32>
        %swap3A_1373 = vector.shape_cast %mul3A_1368 : vector<16xf32> to vector<1x16xf32>
        tpu.vector_store %arg10[%swap3A_1369, %swap3A_1370], %swap3A_1373 {strides = array<i32>} : memref<128x128xf32, #tpu.memory_space<vmem>>, vector<1x16xf32>,
        %get3A_1374 = arith.index_cast %add3A_1363 : i32 to index
        %get3A_1375 = arith.constant 16 : index
        %get3A_1376 = tpu.vector_load %arg10[%get3A_1374, %get3A_1375] {strides = array<i32>} : memref<128x128xf32, #tpu.memory_space<vmem>>, vector<1x16xf32>,
        %get3A_1377 = vector.shape_cast %get3A_1376 : vector<1x16xf32> to vector<16xf32>
        %mul3A_1378 = arith.mulf %get3A_1377, %broadcast_in_dim3A_1359 : vector<16xf32>
        %swap3A_1379 = arith.index_cast %add3A_1363 : i32 to index
        %swap3A_1380 = arith.constant 16 : index
        %swap3A_1381 = tpu.vector_load %arg10[%swap3A_1379, %swap3A_1380] {strides = array<i32>} : memref<128x128xf32, #tpu.memory_space<vmem>>, vector<1x16xf32>,
        %swap3A_1382 = vector.shape_cast %swap3A_1381 : vector<1x16xf32> to vector<16xf32>
        %swap3A_1383 = vector.shape_cast %mul3A_1378 : vector<16xf32> to vector<1x16xf32>
        tpu.vector_store %arg10[%swap3A_1379, %swap3A_1380], %swap3A_1383 {strides = array<i32>} : memref<128x128xf32, #tpu.memory_space<vmem>>, vector<1x16xf32>,
        %get3A_1384 = arith.index_cast %add3A_1363 : i32 to index
        %get3A_1385 = arith.constant 32 : index
        %get3A_1386 = tpu.vector_load %arg10[%get3A_1384, %get3A_1385] {strides = array<i32>} : memref<128x128xf32, #tpu.memory_space<vmem>>, vector<1x16xf32>,
        %get3A_1387 = vector.shape_cast %get3A_1386 : vector<1x16xf32> to vector<16xf32>
        %mul3A_1388 = arith.mulf %get3A_1387, %broadcast_in_dim3A_1359 : vector<16xf32>
        %swap3A_1389 = arith.index_cast %add3A_1363 : i32 to index
        %swap3A_1390 = arith.constant 32 : index
        %swap3A_1391 = tpu.vector_load %arg10[%swap3A_1389, %swap3A_1390] {strides = array<i32>} : memref<128x128xf32, #tpu.memory_space<vmem>>, vector<1x16xf32>,
        %swap3A_1392 = vector.shape_cast %swap3A_1391 : vector<1x16xf32> to vector<16xf32>
        %swap3A_1393 = vector.shape_cast %mul3A_1388 : vector<16xf32> to vector<1x16xf32>
        tpu.vector_store %arg10[%swap3A_1389, %swap3A_1390], %swap3A_1393 {strides = array<i32>} : memref<128x128xf32, #tpu.memory_space<vmem>>, vector<1x16xf32>,
        %get3A_1394 = arith.index_cast %add3A_1363 : i32 to index
        %get3A_1395 = arith.constant 48 : index
        %get3A_1396 = tpu.vector_load %arg10[%get3A_1394, %get3A_1395] {strides = array<i32>} : memref<128x128xf32, #tpu.memory_space<vmem>>, vector<1x16xf32>,
        %get3A_1397 = vector.shape_cast %get3A_1396 : vector<1x16xf32> to vector<16xf32>
        %mul3A_1398 = arith.mulf %get3A_1397, %broadcast_in_dim3A_1359 : vector<16xf32>
        %swap3A_1399 = arith.index_cast %add3A_1363 : i32 to index
        %swap3A_1400 = arith.constant 48 : index
        %swap3A_1401 = tpu.vector_load %arg10[%swap3A_1399, %swap3A_1400] {strides = array<i32>} : memref<128x128xf32, #tpu.memory_space<vmem>>, vector<1x16xf32>,
        %swap3A_1402 = vector.shape_cast %swap3A_1401 : vector<1x16xf32> to vector<16xf32>
        %swap3A_1403 = vector.shape_cast %mul3A_1398 : vector<16xf32> to vector<1x16xf32>
        tpu.vector_store %arg10[%swap3A_1399, %swap3A_1400], %swap3A_1403 {strides = array<i32>} : memref<128x128xf32, #tpu.memory_space<vmem>>, vector<1x16xf32>,
        %get3A_1404 = arith.index_cast %add3A_1363 : i32 to index
        %get3A_1405 = arith.constant 64 : index
        %get3A_1406 = tpu.vector_load %arg10[%get3A_1404, %get3A_1405] {strides = array<i32>} : memref<128x128xf32, #tpu.memory_space<vmem>>, vector<1x16xf32>,
        %get3A_1407 = vector.shape_cast %get3A_1406 : vector<1x16xf32> to vector<16xf32>
        %mul3A_1408 = arith.mulf %get3A_1407, %broadcast_in_dim3A_1359 : vector<16xf32>
        %swap3A_1409 = arith.index_cast %add3A_1363 : i32 to index
        %swap3A_1410 = arith.constant 64 : index
        %swap3A_1411 = tpu.vector_load %arg10[%swap3A_1409, %swap3A_1410] {strides = array<i32>} : memref<128x128xf32, #tpu.memory_space<vmem>>, vector<1x16xf32>,
        %swap3A_1412 = vector.shape_cast %swap3A_1411 : vector<1x16xf32> to vector<16xf32>
        %swap3A_1413 = vector.shape_cast %mul3A_1408 : vector<16xf32> to vector<1x16xf32>
        tpu.vector_store %arg10[%swap3A_1409, %swap3A_1410], %swap3A_1413 {strides = array<i32>} : memref<128x128xf32, #tpu.memory_space<vmem>>, vector<1x16xf32>,
        %get3A_1414 = arith.index_cast %add3A_1363 : i32 to index
        %get3A_1415 = arith.constant 80 : index
        %get3A_1416 = tpu.vector_load %arg10[%get3A_1414, %get3A_1415] {strides = array<i32>} : memref<128x128xf32, #tpu.memory_space<vmem>>, vector<1x16xf32>,
        %get3A_1417 = vector.shape_cast %get3A_1416 : vector<1x16xf32> to vector<16xf32>
        %mul3A_1418 = arith.mulf %get3A_1417, %broadcast_in_dim3A_1359 : vector<16xf32>
        %swap3A_1419 = arith.index_cast %add3A_1363 : i32 to index
        %swap3A_1420 = arith.constant 80 : index
        %swap3A_1421 = tpu.vector_load %arg10[%swap3A_1419, %swap3A_1420] {strides = array<i32>} : memref<128x128xf32, #tpu.memory_space<vmem>>, vector<1x16xf32>,
        %swap3A_1422 = vector.shape_cast %swap3A_1421 : vector<1x16xf32> to vector<16xf32>
        %swap3A_1423 = vector.shape_cast %mul3A_1418 : vector<16xf32> to vector<1x16xf32>
        tpu.vector_store %arg10[%swap3A_1419, %swap3A_1420], %swap3A_1423 {strides = array<i32>} : memref<128x128xf32, #tpu.memory_space<vmem>>, vector<1x16xf32>,
        %get3A_1424 = arith.index_cast %add3A_1363 : i32 to index
        %get3A_1425 = arith.constant 96 : index
        %get3A_1426 = tpu.vector_load %arg10[%get3A_1424, %get3A_1425] {strides = array<i32>} : memref<128x128xf32, #tpu.memory_space<vmem>>, vector<1x16xf32>,
        %get3A_1427 = vector.shape_cast %get3A_1426 : vector<1x16xf32> to vector<16xf32>
        %mul3A_1428 = arith.mulf %get3A_1427, %broadcast_in_dim3A_1359 : vector<16xf32>
        %swap3A_1429 = arith.index_cast %add3A_1363 : i32 to index
        %swap3A_1430 = arith.constant 96 : index
        %swap3A_1431 = tpu.vector_load %arg10[%swap3A_1429, %swap3A_1430] {strides = array<i32>} : memref<128x128xf32, #tpu.memory_space<vmem>>, vector<1x16xf32>,
        %swap3A_1432 = vector.shape_cast %swap3A_1431 : vector<1x16xf32> to vector<16xf32>
        %swap3A_1433 = vector.shape_cast %mul3A_1428 : vector<16xf32> to vector<1x16xf32>
        tpu.vector_store %arg10[%swap3A_1429, %swap3A_1430], %swap3A_1433 {strides = array<i32>} : memref<128x128xf32, #tpu.memory_space<vmem>>, vector<1x16xf32>,
        %get3A_1434 = arith.index_cast %add3A_1363 : i32 to index
        %get3A_1435 = arith.constant 112 : index
        %get3A_1436 = tpu.vector_load %arg10[%get3A_1434, %get3A_1435] {strides = array<i32>} : memref<128x128xf32, #tpu.memory_space<vmem>>, vector<1x16xf32>,
        %get3A_1437 = vector.shape_cast %get3A_1436 : vector<1x16xf32> to vector<16xf32>
        %mul3A_1438 = arith.mulf %get3A_1437, %broadcast_in_dim3A_1359 : vector<16xf32>
        %swap3A_1439 = arith.index_cast %add3A_1363 : i32 to index
        %swap3A_1440 = arith.constant 112 : index
        %swap3A_1441 = tpu.vector_load %arg10[%swap3A_1439, %swap3A_1440] {strides = array<i32>} : memref<128x128xf32, #tpu.memory_space<vmem>>, vector<1x16xf32>,
        %swap3A_1442 = vector.shape_cast %swap3A_1441 : vector<1x16xf32> to vector<16xf32>
        %swap3A_1443 = vector.shape_cast %mul3A_1438 : vector<16xf32> to vector<1x16xf32>
        tpu.vector_store %arg10[%swap3A_1439, %swap3A_1440], %swap3A_1443 {strides = array<i32>} : memref<128x128xf32, #tpu.memory_space<vmem>>, vector<1x16xf32>,
        %slice3A_1444 = vector.extract_strided_slice %get3A_140 {offsets = [15], sizes = [1], strides = [1]} : vector<16xf32> to vector<1xf32>
        %squeeze3A_1445 = vector.extract %slice3A_1444[0] : f32 from vector<1xf32>
        %broadcast_in_dim3A_1446 = vector.broadcast %squeeze3A_1445 : f32 to vector<16xf32>
        %mul3A_1447 = arith.constant 16 : i32
        %mul3A_1448 = arith.muli %scan3A_135, %mul3A_1447 : i32
        %add3A_1449 = arith.constant 15 : i32
        %add3A_1450 = arith.addi %mul3A_1448, %add3A_1449 : i32
        %get3A_1451 = arith.index_cast %add3A_1450 : i32 to index
        %get3A_1452 = arith.constant 0 : index
        %get3A_1453 = tpu.vector_load %arg10[%get3A_1451, %get3A_1452] {strides = array<i32>} : memref<128x128xf32, #tpu.memory_space<vmem>>, vector<1x16xf32>,
        %get3A_1454 = vector.shape_cast %get3A_1453 : vector<1x16xf32> to vector<16xf32>
        %mul3A_1455 = arith.mulf %get3A_1454, %broadcast_in_dim3A_1446 : vector<16xf32>
        %swap3A_1456 = arith.index_cast %add3A_1450 : i32 to index
        %swap3A_1457 = arith.constant 0 : index
        %swap3A_1458 = tpu.vector_load %arg10[%swap3A_1456, %swap3A_1457] {strides = array<i32>} : memref<128x128xf32, #tpu.memory_space<vmem>>, vector<1x16xf32>,
        %swap3A_1459 = vector.shape_cast %swap3A_1458 : vector<1x16xf32> to vector<16xf32>
        %swap3A_1460 = vector.shape_cast %mul3A_1455 : vector<16xf32> to vector<1x16xf32>
        tpu.vector_store %arg10[%swap3A_1456, %swap3A_1457], %swap3A_1460 {strides = array<i32>} : memref<128x128xf32, #tpu.memory_space<vmem>>, vector<1x16xf32>,
        %get3A_1461 = arith.index_cast %add3A_1450 : i32 to index
        %get3A_1462 = arith.constant 16 : index
        %get3A_1463 = tpu.vector_load %arg10[%get3A_1461, %get3A_1462] {strides = array<i32>} : memref<128x128xf32, #tpu.memory_space<vmem>>, vector<1x16xf32>,
        %get3A_1464 = vector.shape_cast %get3A_1463 : vector<1x16xf32> to vector<16xf32>
        %mul3A_1465 = arith.mulf %get3A_1464, %broadcast_in_dim3A_1446 : vector<16xf32>
        %swap3A_1466 = arith.index_cast %add3A_1450 : i32 to index
        %swap3A_1467 = arith.constant 16 : index
        %swap3A_1468 = tpu.vector_load %arg10[%swap3A_1466, %swap3A_1467] {strides = array<i32>} : memref<128x128xf32, #tpu.memory_space<vmem>>, vector<1x16xf32>,
        %swap3A_1469 = vector.shape_cast %swap3A_1468 : vector<1x16xf32> to vector<16xf32>
        %swap3A_1470 = vector.shape_cast %mul3A_1465 : vector<16xf32> to vector<1x16xf32>
        tpu.vector_store %arg10[%swap3A_1466, %swap3A_1467], %swap3A_1470 {strides = array<i32>} : memref<128x128xf32, #tpu.memory_space<vmem>>, vector<1x16xf32>,
        %get3A_1471 = arith.index_cast %add3A_1450 : i32 to index
        %get3A_1472 = arith.constant 32 : index
        %get3A_1473 = tpu.vector_load %arg10[%get3A_1471, %get3A_1472] {strides = array<i32>} : memref<128x128xf32, #tpu.memory_space<vmem>>, vector<1x16xf32>,
        %get3A_1474 = vector.shape_cast %get3A_1473 : vector<1x16xf32> to vector<16xf32>
        %mul3A_1475 = arith.mulf %get3A_1474, %broadcast_in_dim3A_1446 : vector<16xf32>
        %swap3A_1476 = arith.index_cast %add3A_1450 : i32 to index
        %swap3A_1477 = arith.constant 32 : index
        %swap3A_1478 = tpu.vector_load %arg10[%swap3A_1476, %swap3A_1477] {strides = array<i32>} : memref<128x128xf32, #tpu.memory_space<vmem>>, vector<1x16xf32>,
        %swap3A_1479 = vector.shape_cast %swap3A_1478 : vector<1x16xf32> to vector<16xf32>
        %swap3A_1480 = vector.shape_cast %mul3A_1475 : vector<16xf32> to vector<1x16xf32>
        tpu.vector_store %arg10[%swap3A_1476, %swap3A_1477], %swap3A_1480 {strides = array<i32>} : memref<128x128xf32, #tpu.memory_space<vmem>>, vector<1x16xf32>,
        %get3A_1481 = arith.index_cast %add3A_1450 : i32 to index
        %get3A_1482 = arith.constant 48 : index
        %get3A_1483 = tpu.vector_load %arg10[%get3A_1481, %get3A_1482] {strides = array<i32>} : memref<128x128xf32, #tpu.memory_space<vmem>>, vector<1x16xf32>,
        %get3A_1484 = vector.shape_cast %get3A_1483 : vector<1x16xf32> to vector<16xf32>
        %mul3A_1485 = arith.mulf %get3A_1484, %broadcast_in_dim3A_1446 : vector<16xf32>
        %swap3A_1486 = arith.index_cast %add3A_1450 : i32 to index
        %swap3A_1487 = arith.constant 48 : index
        %swap3A_1488 = tpu.vector_load %arg10[%swap3A_1486, %swap3A_1487] {strides = array<i32>} : memref<128x128xf32, #tpu.memory_space<vmem>>, vector<1x16xf32>,
        %swap3A_1489 = vector.shape_cast %swap3A_1488 : vector<1x16xf32> to vector<16xf32>
        %swap3A_1490 = vector.shape_cast %mul3A_1485 : vector<16xf32> to vector<1x16xf32>
        tpu.vector_store %arg10[%swap3A_1486, %swap3A_1487], %swap3A_1490 {strides = array<i32>} : memref<128x128xf32, #tpu.memory_space<vmem>>, vector<1x16xf32>,
        %get3A_1491 = arith.index_cast %add3A_1450 : i32 to index
        %get3A_1492 = arith.constant 64 : index
        %get3A_1493 = tpu.vector_load %arg10[%get3A_1491, %get3A_1492] {strides = array<i32>} : memref<128x128xf32, #tpu.memory_space<vmem>>, vector<1x16xf32>,
        %get3A_1494 = vector.shape_cast %get3A_1493 : vector<1x16xf32> to vector<16xf32>
        %mul3A_1495 = arith.mulf %get3A_1494, %broadcast_in_dim3A_1446 : vector<16xf32>
        %swap3A_1496 = arith.index_cast %add3A_1450 : i32 to index
        %swap3A_1497 = arith.constant 64 : index
        %swap3A_1498 = tpu.vector_load %arg10[%swap3A_1496, %swap3A_1497] {strides = array<i32>} : memref<128x128xf32, #tpu.memory_space<vmem>>, vector<1x16xf32>,
        %swap3A_1499 = vector.shape_cast %swap3A_1498 : vector<1x16xf32> to vector<16xf32>
        %swap3A_1500 = vector.shape_cast %mul3A_1495 : vector<16xf32> to vector<1x16xf32>
        tpu.vector_store %arg10[%swap3A_1496, %swap3A_1497], %swap3A_1500 {strides = array<i32>} : memref<128x128xf32, #tpu.memory_space<vmem>>, vector<1x16xf32>,
        %get3A_1501 = arith.index_cast %add3A_1450 : i32 to index
        %get3A_1502 = arith.constant 80 : index
        %get3A_1503 = tpu.vector_load %arg10[%get3A_1501, %get3A_1502] {strides = array<i32>} : memref<128x128xf32, #tpu.memory_space<vmem>>, vector<1x16xf32>,
        %get3A_1504 = vector.shape_cast %get3A_1503 : vector<1x16xf32> to vector<16xf32>
        %mul3A_1505 = arith.mulf %get3A_1504, %broadcast_in_dim3A_1446 : vector<16xf32>
        %swap3A_1506 = arith.index_cast %add3A_1450 : i32 to index
        %swap3A_1507 = arith.constant 80 : index
        %swap3A_1508 = tpu.vector_load %arg10[%swap3A_1506, %swap3A_1507] {strides = array<i32>} : memref<128x128xf32, #tpu.memory_space<vmem>>, vector<1x16xf32>,
        %swap3A_1509 = vector.shape_cast %swap3A_1508 : vector<1x16xf32> to vector<16xf32>
        %swap3A_1510 = vector.shape_cast %mul3A_1505 : vector<16xf32> to vector<1x16xf32>
        tpu.vector_store %arg10[%swap3A_1506, %swap3A_1507], %swap3A_1510 {strides = array<i32>} : memref<128x128xf32, #tpu.memory_space<vmem>>, vector<1x16xf32>,
        %get3A_1511 = arith.index_cast %add3A_1450 : i32 to index
        %get3A_1512 = arith.constant 96 : index
        %get3A_1513 = tpu.vector_load %arg10[%get3A_1511, %get3A_1512] {strides = array<i32>} : memref<128x128xf32, #tpu.memory_space<vmem>>, vector<1x16xf32>,
        %get3A_1514 = vector.shape_cast %get3A_1513 : vector<1x16xf32> to vector<16xf32>
        %mul3A_1515 = arith.mulf %get3A_1514, %broadcast_in_dim3A_1446 : vector<16xf32>
        %swap3A_1516 = arith.index_cast %add3A_1450 : i32 to index
        %swap3A_1517 = arith.constant 96 : index
        %swap3A_1518 = tpu.vector_load %arg10[%swap3A_1516, %swap3A_1517] {strides = array<i32>} : memref<128x128xf32, #tpu.memory_space<vmem>>, vector<1x16xf32>,
        %swap3A_1519 = vector.shape_cast %swap3A_1518 : vector<1x16xf32> to vector<16xf32>
        %swap3A_1520 = vector.shape_cast %mul3A_1515 : vector<16xf32> to vector<1x16xf32>
        tpu.vector_store %arg10[%swap3A_1516, %swap3A_1517], %swap3A_1520 {strides = array<i32>} : memref<128x128xf32, #tpu.memory_space<vmem>>, vector<1x16xf32>,
        %get3A_1521 = arith.index_cast %add3A_1450 : i32 to index
        %get3A_1522 = arith.constant 112 : index
        %get3A_1523 = tpu.vector_load %arg10[%get3A_1521, %get3A_1522] {strides = array<i32>} : memref<128x128xf32, #tpu.memory_space<vmem>>, vector<1x16xf32>,
        %get3A_1524 = vector.shape_cast %get3A_1523 : vector<1x16xf32> to vector<16xf32>
        %mul3A_1525 = arith.mulf %get3A_1524, %broadcast_in_dim3A_1446 : vector<16xf32>
        %swap3A_1526 = arith.index_cast %add3A_1450 : i32 to index
        %swap3A_1527 = arith.constant 112 : index
        %swap3A_1528 = tpu.vector_load %arg10[%swap3A_1526, %swap3A_1527] {strides = array<i32>} : memref<128x128xf32, #tpu.memory_space<vmem>>, vector<1x16xf32>,
        %swap3A_1529 = vector.shape_cast %swap3A_1528 : vector<1x16xf32> to vector<16xf32>
        %swap3A_1530 = vector.shape_cast %mul3A_1525 : vector<16xf32> to vector<1x16xf32>
        tpu.vector_store %arg10[%swap3A_1526, %swap3A_1527], %swap3A_1530 {strides = array<i32>} : memref<128x128xf32, #tpu.memory_space<vmem>>, vector<1x16xf32>,
      }
      %scan3A_134 = arith.constant 8 : i32
      "tpu.region"() ({
        %run_scoped3A = tpu.sem_alloc : memref<!tpu.dma_semaphore, #tpu.memory_space<semaphore_mem>>
        %dma_start3A_135 = arith.constant 0 : i32
        %dma_start3A_136 = arith.constant 0 : i32
        %dma_start3A_137 = tpu.memref_slice %arg11[%dma_start3A_135, %dma_start3A_136] : memref<10000x128xf32, #tpu.memory_space<vmem_shared>> -> memref<10000x128xf32, #tpu.memory_space<vmem_shared>>
        tpu.enqueue_indirect_dma source(%arg10 : memref<128x128xf32, #tpu.memory_space<vmem>>) target(%dma_start3A_137 : memref<10000x128xf32, #tpu.memory_space<vmem_shared>>) offsets(%arg8 : memref<128xi32, #tpu.memory_space<vmem>>) semaphore(%run_scoped3A : memref<!tpu.dma_semaphore, #tpu.memory_space<semaphore_mem>>) {add = true}
        %dma_wait3A_138 = arith.constant 0 : i32
        %dma_wait3A_139 = arith.constant 0 : i32
        %dma_wait3A_140 = tpu.memref_slice %arg11[%dma_wait3A_138, %dma_wait3A_139] : memref<10000x128xf32, #tpu.memory_space<vmem_shared>> -> memref<10000x128xf32, #tpu.memory_space<vmem_shared>>
        tpu.wait_indirect_dma semaphore(%run_scoped3A : memref<!tpu.dma_semaphore, #tpu.memory_space<semaphore_mem>>) src(%arg10 : memref<128x128xf32, #tpu.memory_space<vmem>>) dst(%dma_wait3A_140 : memref<10000x128xf32, #tpu.memory_space<vmem_shared>>)
        tpu.yield
      }) : () -> ()
    }
    %scan3A_28 = arith.constant 79 : i32
    %barrier3A_29 = arith.constant 0 : index
    tpu.barrier barrier_id(%barrier3A_29)
    %add3A_30 = arith.constant 0 : i32
    %add3A_31 = arith.addi %multiple_of3A, %add3A_30 : i32
    "tpu.region"() ({
      %run_scoped3A = tpu.sem_alloc : memref<!tpu.dma_semaphore, #tpu.memory_space<semaphore_mem>>
      %dma_start3A = arith.constant 0 : i32
      %dma_start3A_49 = tpu.memref_slice %arg6[%arg0, %add3A_31, %dma_start3A] : memref<2x10000x128xf32, #tpu.memory_space<hbm>> -> memref<1x128x128xf32, #tpu.memory_space<hbm>>
      %dma_start3A_50 = tpu.memref_squeeze %dma_start3A_49 : memref<1x128x128xf32, #tpu.memory_space<hbm>> -> memref<128x128xf32, #tpu.memory_space<hbm>>
      %dma_start3A_51 = arith.constant 0 : i32
      %dma_start3A_52 = tpu.memref_slice %arg11[%add3A_31, %dma_start3A_51] : memref<10000x128xf32, #tpu.memory_space<vmem_shared>> -> memref<128x128xf32, #tpu.memory_space<vmem_shared>>
      tpu.enqueue_dma source(%dma_start3A_52 : memref<128x128xf32, #tpu.memory_space<vmem_shared>>) target(%dma_start3A_50 : memref<128x128xf32, #tpu.memory_space<hbm>>) target_semaphore(%run_scoped3A : memref<!tpu.dma_semaphore, #tpu.memory_space<semaphore_mem>>)
      %dma_wait3A = arith.constant 0 : i32
      %dma_wait3A_53 = tpu.memref_slice %arg6[%arg0, %add3A_31, %dma_wait3A] : memref<2x10000x128xf32, #tpu.memory_space<hbm>> -> memref<1x128x128xf32, #tpu.memory_space<hbm>>
      %dma_wait3A_54 = tpu.memref_squeeze %dma_wait3A_53 : memref<1x128x128xf32, #tpu.memory_space<hbm>> -> memref<128x128xf32, #tpu.memory_space<hbm>>
      %dma_wait3A_55 = arith.constant 0 : i32
      %dma_wait3A_56 = tpu.memref_slice %arg11[%add3A_31, %dma_wait3A_55] : memref<10000x128xf32, #tpu.memory_space<vmem_shared>> -> memref<128x128xf32, #tpu.memory_space<vmem_shared>>
      tpu.wait_dma2 semaphore(%run_scoped3A : memref<!tpu.dma_semaphore, #tpu.memory_space<semaphore_mem>>) src(%dma_wait3A_56 : memref<128x128xf32, #tpu.memory_space<vmem_shared>>) dst(%dma_wait3A_54 : memref<128x128xf32, #tpu.memory_space<hbm>>)
      tpu.yield
    }) : () -> ()
    %add3A_32 = arith.constant 128 : i32
    %add3A_33 = arith.addi %multiple_of3A, %add3A_32 : i32
    "tpu.region"() ({
      %run_scoped3A = tpu.sem_alloc : memref<!tpu.dma_semaphore, #tpu.memory_space<semaphore_mem>>
      %dma_start3A = arith.constant 0 : i32
      %dma_start3A_49 = tpu.memref_slice %arg6[%arg0, %add3A_33, %dma_start3A] : memref<2x10000x128xf32, #tpu.memory_space<hbm>> -> memref<1x128x128xf32, #tpu.memory_space<hbm>>
      %dma_start3A_50 = tpu.memref_squeeze %dma_start3A_49 : memref<1x128x128xf32, #tpu.memory_space<hbm>> -> memref<128x128xf32, #tpu.memory_space<hbm>>
      %dma_start3A_51 = arith.constant 0 : i32
      %dma_start3A_52 = tpu.memref_slice %arg11[%add3A_33, %dma_start3A_51] : memref<10000x128xf32, #tpu.memory_space<vmem_shared>> -> memref<128x128xf32, #tpu.memory_space<vmem_shared>>
      tpu.enqueue_dma source(%dma_start3A_52 : memref<128x128xf32, #tpu.memory_space<vmem_shared>>) target(%dma_start3A_50 : memref<128x128xf32, #tpu.memory_space<hbm>>) target_semaphore(%run_scoped3A : memref<!tpu.dma_semaphore, #tpu.memory_space<semaphore_mem>>)
      %dma_wait3A = arith.constant 0 : i32
      %dma_wait3A_53 = tpu.memref_slice %arg6[%arg0, %add3A_33, %dma_wait3A] : memref<2x10000x128xf32, #tpu.memory_space<hbm>> -> memref<1x128x128xf32, #tpu.memory_space<hbm>>
      %dma_wait3A_54 = tpu.memref_squeeze %dma_wait3A_53 : memref<1x128x128xf32, #tpu.memory_space<hbm>> -> memref<128x128xf32, #tpu.memory_space<hbm>>
      %dma_wait3A_55 = arith.constant 0 : i32
      %dma_wait3A_56 = tpu.memref_slice %arg11[%add3A_33, %dma_wait3A_55] : memref<10000x128xf32, #tpu.memory_space<vmem_shared>> -> memref<128x128xf32, #tpu.memory_space<vmem_shared>>
      tpu.wait_dma2 semaphore(%run_scoped3A : memref<!tpu.dma_semaphore, #tpu.memory_space<semaphore_mem>>) src(%dma_wait3A_56 : memref<128x128xf32, #tpu.memory_space<vmem_shared>>) dst(%dma_wait3A_54 : memref<128x128xf32, #tpu.memory_space<hbm>>)
      tpu.yield
    }) : () -> ()
    %add3A_34 = arith.constant 256 : i32
    %add3A_35 = arith.addi %multiple_of3A, %add3A_34 : i32
    "tpu.region"() ({
      %run_scoped3A = tpu.sem_alloc : memref<!tpu.dma_semaphore, #tpu.memory_space<semaphore_mem>>
      %dma_start3A = arith.constant 0 : i32
      %dma_start3A_49 = tpu.memref_slice %arg6[%arg0, %add3A_35, %dma_start3A] : memref<2x10000x128xf32, #tpu.memory_space<hbm>> -> memref<1x128x128xf32, #tpu.memory_space<hbm>>
      %dma_start3A_50 = tpu.memref_squeeze %dma_start3A_49 : memref<1x128x128xf32, #tpu.memory_space<hbm>> -> memref<128x128xf32, #tpu.memory_space<hbm>>
      %dma_start3A_51 = arith.constant 0 : i32
      %dma_start3A_52 = tpu.memref_slice %arg11[%add3A_35, %dma_start3A_51] : memref<10000x128xf32, #tpu.memory_space<vmem_shared>> -> memref<128x128xf32, #tpu.memory_space<vmem_shared>>
      tpu.enqueue_dma source(%dma_start3A_52 : memref<128x128xf32, #tpu.memory_space<vmem_shared>>) target(%dma_start3A_50 : memref<128x128xf32, #tpu.memory_space<hbm>>) target_semaphore(%run_scoped3A : memref<!tpu.dma_semaphore, #tpu.memory_space<semaphore_mem>>)
      %dma_wait3A = arith.constant 0 : i32
      %dma_wait3A_53 = tpu.memref_slice %arg6[%arg0, %add3A_35, %dma_wait3A] : memref<2x10000x128xf32, #tpu.memory_space<hbm>> -> memref<1x128x128xf32, #tpu.memory_space<hbm>>
      %dma_wait3A_54 = tpu.memref_squeeze %dma_wait3A_53 : memref<1x128x128xf32, #tpu.memory_space<hbm>> -> memref<128x128xf32, #tpu.memory_space<hbm>>
      %dma_wait3A_55 = arith.constant 0 : i32
      %dma_wait3A_56 = tpu.memref_slice %arg11[%add3A_35, %dma_wait3A_55] : memref<10000x128xf32, #tpu.memory_space<vmem_shared>> -> memref<128x128xf32, #tpu.memory_space<vmem_shared>>
      tpu.wait_dma2 semaphore(%run_scoped3A : memref<!tpu.dma_semaphore, #tpu.memory_space<semaphore_mem>>) src(%dma_wait3A_56 : memref<128x128xf32, #tpu.memory_space<vmem_shared>>) dst(%dma_wait3A_54 : memref<128x128xf32, #tpu.memory_space<hbm>>)
      tpu.yield
    }) : () -> ()
    %add3A_36 = arith.constant 384 : i32
    %add3A_37 = arith.addi %multiple_of3A, %add3A_36 : i32
    "tpu.region"() ({
      %run_scoped3A = tpu.sem_alloc : memref<!tpu.dma_semaphore, #tpu.memory_space<semaphore_mem>>
      %dma_start3A = arith.constant 0 : i32
      %dma_start3A_49 = tpu.memref_slice %arg6[%arg0, %add3A_37, %dma_start3A] : memref<2x10000x128xf32, #tpu.memory_space<hbm>> -> memref<1x128x128xf32, #tpu.memory_space<hbm>>
      %dma_start3A_50 = tpu.memref_squeeze %dma_start3A_49 : memref<1x128x128xf32, #tpu.memory_space<hbm>> -> memref<128x128xf32, #tpu.memory_space<hbm>>
      %dma_start3A_51 = arith.constant 0 : i32
      %dma_start3A_52 = tpu.memref_slice %arg11[%add3A_37, %dma_start3A_51] : memref<10000x128xf32, #tpu.memory_space<vmem_shared>> -> memref<128x128xf32, #tpu.memory_space<vmem_shared>>
      tpu.enqueue_dma source(%dma_start3A_52 : memref<128x128xf32, #tpu.memory_space<vmem_shared>>) target(%dma_start3A_50 : memref<128x128xf32, #tpu.memory_space<hbm>>) target_semaphore(%run_scoped3A : memref<!tpu.dma_semaphore, #tpu.memory_space<semaphore_mem>>)
      %dma_wait3A = arith.constant 0 : i32
      %dma_wait3A_53 = tpu.memref_slice %arg6[%arg0, %add3A_37, %dma_wait3A] : memref<2x10000x128xf32, #tpu.memory_space<hbm>> -> memref<1x128x128xf32, #tpu.memory_space<hbm>>
      %dma_wait3A_54 = tpu.memref_squeeze %dma_wait3A_53 : memref<1x128x128xf32, #tpu.memory_space<hbm>> -> memref<128x128xf32, #tpu.memory_space<hbm>>
      %dma_wait3A_55 = arith.constant 0 : i32
      %dma_wait3A_56 = tpu.memref_slice %arg11[%add3A_37, %dma_wait3A_55] : memref<10000x128xf32, #tpu.memory_space<vmem_shared>> -> memref<128x128xf32, #tpu.memory_space<vmem_shared>>
      tpu.wait_dma2 semaphore(%run_scoped3A : memref<!tpu.dma_semaphore, #tpu.memory_space<semaphore_mem>>) src(%dma_wait3A_56 : memref<128x128xf32, #tpu.memory_space<vmem_shared>>) dst(%dma_wait3A_54 : memref<128x128xf32, #tpu.memory_space<hbm>>)
      tpu.yield
    }) : () -> ()
    %add3A_38 = arith.constant 520 : i32
    %add3A_39 = arith.addi %multiple_of3A, %add3A_38 : i32
    %sub3A_40 = arith.constant 8 : i32
    %sub3A_41 = arith.subi %add3A_39, %sub3A_40 : i32
    %add3A_42 = arith.constant 520 : i32
    %add3A_43 = arith.addi %multiple_of3A, %add3A_42 : i32
    "tpu.region"() ({
      %run_scoped3A = tpu.sem_alloc : memref<!tpu.dma_semaphore, #tpu.memory_space<semaphore_mem>>
      %dma_start3A = arith.constant 0 : i32
      %dma_start3A_49 = tpu.memref_slice %arg6[%arg0, %sub3A_41, %dma_start3A] : memref<2x10000x128xf32, #tpu.memory_space<hbm>> -> memref<1x8x128xf32, #tpu.memory_space<hbm>>
      %dma_start3A_50 = tpu.memref_squeeze %dma_start3A_49 : memref<1x8x128xf32, #tpu.memory_space<hbm>> -> memref<8x128xf32, #tpu.memory_space<hbm>>
      %dma_start3A_51 = arith.constant 0 : i32
      %dma_start3A_52 = tpu.memref_slice %arg11[%sub3A_41, %dma_start3A_51] : memref<10000x128xf32, #tpu.memory_space<vmem_shared>> -> memref<8x128xf32, #tpu.memory_space<vmem_shared>>
      tpu.enqueue_dma source(%dma_start3A_52 : memref<8x128xf32, #tpu.memory_space<vmem_shared>>) target(%dma_start3A_50 : memref<8x128xf32, #tpu.memory_space<hbm>>) target_semaphore(%run_scoped3A : memref<!tpu.dma_semaphore, #tpu.memory_space<semaphore_mem>>)
      %dma_wait3A = arith.constant 0 : i32
      %dma_wait3A_53 = tpu.memref_slice %arg6[%arg0, %sub3A_41, %dma_wait3A] : memref<2x10000x128xf32, #tpu.memory_space<hbm>> -> memref<1x8x128xf32, #tpu.memory_space<hbm>>
      %dma_wait3A_54 = tpu.memref_squeeze %dma_wait3A_53 : memref<1x8x128xf32, #tpu.memory_space<hbm>> -> memref<8x128xf32, #tpu.memory_space<hbm>>
      %dma_wait3A_55 = arith.constant 0 : i32
      %dma_wait3A_56 = tpu.memref_slice %arg11[%sub3A_41, %dma_wait3A_55] : memref<10000x128xf32, #tpu.memory_space<vmem_shared>> -> memref<8x128xf32, #tpu.memory_space<vmem_shared>>
      tpu.wait_dma2 semaphore(%run_scoped3A : memref<!tpu.dma_semaphore, #tpu.memory_space<semaphore_mem>>) src(%dma_wait3A_56 : memref<8x128xf32, #tpu.memory_space<vmem_shared>>) dst(%dma_wait3A_54 : memref<8x128xf32, #tpu.memory_space<hbm>>)
      tpu.yield
    }) : () -> ()
    %lt3A_44 = arith.constant 15 : i32
    %lt3A_45 = arith.cmpi slt, %arg1, %lt3A_44 : i32
    %convert_element_type3A_46 = arith.extui %lt3A_45 : i1 to i32
    %cond3A_47 = arith.constant 0 : i32
    %cond3A_48 = arith.cmpi ne, %convert_element_type3A_46, %cond3A_47 : i32
    scf.if %cond3A_48 {
      "tpu.region"() ({
        %run_scoped3A = tpu.sem_alloc : memref<!tpu.dma_semaphore, #tpu.memory_space<semaphore_mem>>
        %dma_start3A = arith.constant 0 : i32
        %dma_start3A_49 = tpu.memref_slice %arg6[%arg0, %add3A_43, %dma_start3A] : memref<2x10000x128xf32, #tpu.memory_space<hbm>> -> memref<1x112x128xf32, #tpu.memory_space<hbm>>
        %dma_start3A_50 = tpu.memref_squeeze %dma_start3A_49 : memref<1x112x128xf32, #tpu.memory_space<hbm>> -> memref<112x128xf32, #tpu.memory_space<hbm>>
        %dma_start3A_51 = arith.constant 0 : i32
        %dma_start3A_52 = tpu.memref_slice %arg11[%add3A_43, %dma_start3A_51] : memref<10000x128xf32, #tpu.memory_space<vmem_shared>> -> memref<112x128xf32, #tpu.memory_space<vmem_shared>>
        tpu.enqueue_dma source(%dma_start3A_52 : memref<112x128xf32, #tpu.memory_space<vmem_shared>>) target(%dma_start3A_50 : memref<112x128xf32, #tpu.memory_space<hbm>>) target_semaphore(%run_scoped3A : memref<!tpu.dma_semaphore, #tpu.memory_space<semaphore_mem>>)
        %dma_wait3A = arith.constant 0 : i32
        %dma_wait3A_53 = tpu.memref_slice %arg6[%arg0, %add3A_43, %dma_wait3A] : memref<2x10000x128xf32, #tpu.memory_space<hbm>> -> memref<1x112x128xf32, #tpu.memory_space<hbm>>
        %dma_wait3A_54 = tpu.memref_squeeze %dma_wait3A_53 : memref<1x112x128xf32, #tpu.memory_space<hbm>> -> memref<112x128xf32, #tpu.memory_space<hbm>>
        %dma_wait3A_55 = arith.constant 0 : i32
        %dma_wait3A_56 = tpu.memref_slice %arg11[%add3A_43, %dma_wait3A_55] : memref<10000x128xf32, #tpu.memory_space<vmem_shared>> -> memref<112x128xf32, #tpu.memory_space<vmem_shared>>
        tpu.wait_dma2 semaphore(%run_scoped3A : memref<!tpu.dma_semaphore, #tpu.memory_space<semaphore_mem>>) src(%dma_wait3A_56 : memref<112x128xf32, #tpu.memory_space<vmem_shared>>) dst(%dma_wait3A_54 : memref<112x128xf32, #tpu.memory_space<hbm>>)
        tpu.yield
      }) : () -> ()
    } else {
    }
    return
  }
}

module attributes {stable_mosaic.version = 14 : i64} {
  func.func @_tc_body(%arg0: i32, %arg1: memref<2000x256xf32, #tpu.memory_space<vmem>>, %arg2: memref<2000x128xf32, #tpu.memory_space<vmem>>, %arg3: memref<2000x128xf32, #tpu.memory_space<vmem>>, %arg4: memref<128x256xf32, #tpu.memory_space<vmem>>, %arg5: memref<128x256xf32, #tpu.memory_space<vmem>>, %arg6: memref<256x256xf32, #tpu.memory_space<vmem>>, %arg7: memref<2000x256xf32, #tpu.memory_space<vmem>>) attributes {dimension_semantics = [#tpu.dimension_semantics<arbitrary>], iteration_bounds = array<i64: 5>, scalar_prefetch = 0 : i64, scratch_operands = 0 : i64, tpu.core_type = #tpu.core_type<tc>, window_params = [{transform_indices = @transform_0, window_bounds = array<i64: 2000, 256>}, {transform_indices = @transform_1, window_bounds = array<i64: 2000, 128>}, {transform_indices = @transform_2, window_bounds = array<i64: 2000, 128>}, {pipeline_mode = #tpu.pipeline_mode<synchronous>, transform_indices = @transform_3, window_bounds = array<i64: 128, 256>}, {pipeline_mode = #tpu.pipeline_mode<synchronous>, transform_indices = @transform_4, window_bounds = array<i64: 128, 256>}, {pipeline_mode = #tpu.pipeline_mode<synchronous>, transform_indices = @transform_5, window_bounds = array<i64: 256, 256>}, {transform_indices = @transform_6, window_bounds = array<i64: 2000, 256>}]} {
    %get3A = arith.constant 0 : index
    %get3A_0 = arith.constant 0 : index
    %get3A_1 = vector.load %arg2[%get3A, %get3A_0] : memref<2000x128xf32, #tpu.memory_space<vmem>>, vector<2000x128xf32>
    %get3A_2 = arith.constant 0 : index
    %get3A_3 = arith.constant 0 : index
    %get3A_4 = vector.load %arg4[%get3A_2, %get3A_3] : memref<128x256xf32, #tpu.memory_space<vmem>>, vector<128x256xf32>
    %dot_general3A = arith.constant dense<0.000000e+00> : vector<2000x256xf32>
    %dot_general3A_5 = tpu.matmul %get3A_1, %get3A_4, %dot_general3A {dimension_numbers = #tpu.dot_dimension_numbers<[1], [0], [0], [1], [0, 0, 1, 1], [], []>, transpose_lhs_hint = false} : vector<2000x128xf32>, vector<128x256xf32>, vector<2000x256xf32> -> vector<2000x256xf32>
    %get3A_6 = arith.constant 0 : index
    %get3A_7 = arith.constant 0 : index
    %get3A_8 = vector.load %arg3[%get3A_6, %get3A_7] : memref<2000x128xf32, #tpu.memory_space<vmem>>, vector<2000x128xf32>
    %get3A_9 = arith.constant 0 : index
    %get3A_10 = arith.constant 0 : index
    %get3A_11 = vector.load %arg5[%get3A_9, %get3A_10] : memref<128x256xf32, #tpu.memory_space<vmem>>, vector<128x256xf32>
    %dot_general3A_12 = arith.constant dense<0.000000e+00> : vector<2000x256xf32>
    %dot_general3A_13 = tpu.matmul %get3A_8, %get3A_11, %dot_general3A_12 {dimension_numbers = #tpu.dot_dimension_numbers<[1], [0], [0], [1], [0, 0, 1, 1], [], []>, transpose_lhs_hint = false} : vector<2000x128xf32>, vector<128x256xf32>, vector<2000x256xf32> -> vector<2000x256xf32>
    %add3A = arith.addf %dot_general3A_5, %dot_general3A_13 : vector<2000x256xf32>
    %get3A_14 = arith.constant 0 : index
    %get3A_15 = arith.constant 0 : index
    %get3A_16 = vector.load %arg1[%get3A_14, %get3A_15] : memref<2000x256xf32, #tpu.memory_space<vmem>>, vector<2000x256xf32>
    %get3A_17 = arith.constant 0 : index
    %get3A_18 = arith.constant 0 : index
    %get3A_19 = vector.load %arg6[%get3A_17, %get3A_18] : memref<256x256xf32, #tpu.memory_space<vmem>>, vector<256x256xf32>
    %dot_general3A_20 = arith.constant dense<0.000000e+00> : vector<2000x256xf32>
    %dot_general3A_21 = tpu.matmul %get3A_16, %get3A_19, %dot_general3A_20 {dimension_numbers = #tpu.dot_dimension_numbers<[1], [0], [0], [1], [0, 0, 1, 1], [], []>, transpose_lhs_hint = false} : vector<2000x256xf32>, vector<256x256xf32>, vector<2000x256xf32> -> vector<2000x256xf32>
    %add3A_22 = arith.addf %add3A, %dot_general3A_21 : vector<2000x256xf32>
    %max3A = arith.constant 0.000000e+00 : f32
    %max3A_23 = vector.broadcast %max3A : f32 to vector<2000x256xf32>
    %max3A_24 = arith.maximumf %add3A_22, %max3A_23 : vector<2000x256xf32>
    %swap3A = arith.constant 0 : index
    %swap3A_25 = arith.constant 0 : index
    %swap3A_26 = vector.load %arg7[%swap3A, %swap3A_25] : memref<2000x256xf32, #tpu.memory_space<vmem>>, vector<2000x256xf32>
    tpu.vector_store %arg7[%swap3A, %swap3A_25], %max3A_24 {strides = array<i32>} : memref<2000x256xf32, #tpu.memory_space<vmem>>, vector<2000x256xf32>,
    return
  }
  func.func @transform_0(%arg0: i32) -> (i32, i32) {
    %c0_i32 = arith.constant 0 : i32
    %c0_i32_0 = arith.constant 0 : i32
    return %arg0, %c0_i32 : i32, i32
  }
  func.func @transform_1(%arg0: i32) -> (i32, i32) {
    %c0_i32 = arith.constant 0 : i32
    %c0_i32_0 = arith.constant 0 : i32
    return %arg0, %c0_i32 : i32, i32
  }
  func.func @transform_2(%arg0: i32) -> (i32, i32) {
    %c0_i32 = arith.constant 0 : i32
    %c0_i32_0 = arith.constant 0 : i32
    return %arg0, %c0_i32 : i32, i32
  }
  func.func @transform_3(%arg0: i32) -> (i32, i32) {
    %c0_i32 = arith.constant 0 : i32
    %c0_i32_0 = arith.constant 0 : i32
    %c0_i32_1 = arith.constant 0 : i32
    return %c0_i32, %c0_i32_0 : i32, i32
  }
  func.func @transform_4(%arg0: i32) -> (i32, i32) {
    %c0_i32 = arith.constant 0 : i32
    %c0_i32_0 = arith.constant 0 : i32
    %c0_i32_1 = arith.constant 0 : i32
    return %c0_i32, %c0_i32_0 : i32, i32
  }
  func.func @transform_5(%arg0: i32) -> (i32, i32) {
    %c0_i32 = arith.constant 0 : i32
    %c0_i32_0 = arith.constant 0 : i32
    %c0_i32_1 = arith.constant 0 : i32
    return %c0_i32, %c0_i32_0 : i32, i32
  }
  func.func @transform_6(%arg0: i32) -> (i32, i32) {
    %c0_i32 = arith.constant 0 : i32
    %c0_i32_0 = arith.constant 0 : i32
    return %arg0, %c0_i32 : i32, i32
  }
}

</mosaic_0001>

<sc_bundles>
// kernel: kernel.4.cloned.1.call-start
scs
__scs_entry_jumppad:
0x0: {  	(pc) =	sbr.rel $0x88, $3  }
0x1: {  	(tag) =	ssettag $0x0;
	lr =	simm.s32 $0x1  }
0x2: {  	[smem:$0x3F9C] =	sst lr;
	_ =	strace $0xD0000000  }
0x3: {  	_ = 	snop  }
0x4: {  	_ = 	snop  }
0x5: {  	_ = 	snop  }
0x6: {  	_ = 	snop  }
0x7: {  	_ = 	snop  }
__scs_overlays_trampoline_lowered:
0x8: {  	[smem:$0x3FAB] =	sst s0  }
0x9: {  	[smem:$0x3FAC] =	sst s1  }
0xa: {  	[smem:$0x3FAD] =	sst s2  }
0xb: {  	[smem:$0x3FAE] =	sst s3  }
0xc: {  	[smem:$0x3FAF] =	sst s4  }
0xd: {  	[smem:$0x3FB0] =	sst s5  }
0xe: {  	[smem:$0x3FB1] =	sst s6  }
0xf: {  	[smem:$0x3FB2] =	sst s7  }
0x10: {  	[smem:$0x3FB3] =	sst s8  }
0x11: {  	[smem:$0x3FB4] =	sst s9;
	s0 =	simm.s32 @!p0 $0x0  }
0x12: {  	s1 =	sld [smem:$0x3F9A];
	s0 =	simm.s32 @p0 $0x1  }
0x13: {  	[smem:$0x3FB5] =	sst s0;
	s0 =	simm.s32 @!p1 $0x0  }
0x14: {  	s2 =	sld [smem:$0x3F99];
	s0 =	simm.s32 @p1 $0x1  }
0x15: {  	[smem:$0x3FB6] =	sst s0;
	s0 =	simm.s32 @!p2 $0x0  }
0x16: {  	s3 =	sld [smem:$0x3FDB];
	s0 =	simm.s32 @p2 $0x1  }
0x17: {  	s4 =	simm.s32 $0x1BF5;
	[smem:$0x3FB8] =	sst s0  }
0x18: {  	s0 =	sld [smem:$0x3F9B];
	_ =	swait.ge [sflag:s4], $0x0  }
0x19: {  	s7 =	sld [smem:$0x3F9C]  }
0x1a: {  	s8 =	sadd.s32 $0xFFFFE003, lr  }
0x1b: {  	s9 =	sadd.s32 $0xFFFFFEF7, lr;
	s5 =	simm.s32 $0xFFFFFFFF;
	p2 =	slt.u32 s8, $0xFFFFF086  }
0x1c: {  	p1 =	slt.u32 s9, $0xF7A;
	s5 =	simm.s32 @!p2 $0x0  }
0x1d: {  	s5 =	simm.s32 @p1 $0x1;
	p0 =	seq.s32 s7, s2  }
0x1e: {  	s7 =	smul.u32 @!p0 $0xF7A, s2;
	p2 =	seq.s32 @!p0 s5, $0x0  }
0x1f: {  	s9 =	smul.u32 $0xF7A, s1;
	s8 =	simm.s32 @!p0 $0x1BF5;
	p2 =	por !p2, p0  }
0x20: {  	[sflag:s8] =	ssyncset.s32 @!p0 $0xFFFFF086;
	s6 =	sadd.s32 @!p0 s3, s7;
	s7 =	simm.s32 @!p0 $0x108  }
0x21: {  	s3 =	sadd.s32 s3, s9;
	s6 =	sadd.s32 @!p0 $0x88, s6;
	s7 =	simm.s32 @p2 $0x1082  }
0x22: {  	[simem:s7], [sflag:s8] =	dma.local @!p0 [hbm:s6], $0xF7A  }
0x23: {  	s9 =	sor.u32 $0xD0000000, s2;
	s6 =	simm.s32 $0x108;
	_ =	swait.ge @!p0 [sflag:s8], $0x0  }
0x24: {  	s3 =	sadd.s32 $0x88, s3;
	s6 =	simm.s32 @!p1 $0x1082;
	[sflag:s4] =	ssyncset.s32 $0xFFFFF086  }
0x25: {  	[simem:s6], [sflag:s4] =	dma.local [hbm:s3], $0xF7A  }
0x26: {  	[smem:$0x3F9C] =	sst s1;
	(tag) =	ssettag s2;
	_ =	strace s9  }
0x27: {  	s1 =	sld [smem:$0x3FAC]  }
0x28: {  	s2 =	sld [smem:$0x3FAD]  }
0x29: {  	s4 =	sld [smem:$0x3FAF]  }
0x2a: {  	p0 =	seq.s32 s5, $0x0;
	s5 =	sld [smem:$0x3FB0]  }
0x2b: {  	s6 =	sld [smem:$0x3FB1]  }
0x2c: {  	s7 =	sld [smem:$0x3FB2]  }
0x2d: {  	s3 =	simm.s32 $0x108;
	s8 =	sld [smem:$0x3FB3]  }
0x2e: {  	s3 =	simm.s32 @!p0 $0x1082;
	s9 =	sld [smem:$0x3FB4]  }
0x2f: {  	lr =	sadd.s32 s0, s3;
	s0 =	sld [smem:$0x3FAB]  }
0x30: {  	s3 =	sld [smem:$0x3FAE]  }
0x31: {  	[smem:$0x3FB7] =	sst s10  }
0x32: {  	s10 =	sld [smem:$0x3FB5];
	_ =	sdelay $0x3  }
0x33: {  	p0 =	seq.s32 s10, $0x1;
	s10 =	sld [smem:$0x3FB7];
	_ =	sdelay $0x3  }
0x34: {  	[smem:$0x3FB7] =	sst s10  }
0x35: {  	s10 =	sld [smem:$0x3FB6];
	_ =	sdelay $0x3  }
0x36: {  	p1 =	seq.s32 s10, $0x1;
	s10 =	sld [smem:$0x3FB7];
	_ =	sdelay $0x3  }
0x37: {  	[smem:$0x3FB7] =	sst s10  }
0x38: {  	s10 =	sld [smem:$0x3FB8]  }
0x39: {  	_ = 	snop;
	(pc) =	sbr.ind lr, $3  }
0x3a: {  	_ = 	snop  }
0x3b: {  	_ = 	snop  }
0x3c: {  	p2 =	seq.s32 s10, $0x1;
	s10 =	sld [smem:$0x3FB7]  }
0x3d: {  	_ =	shalt  }
0x3e: {  	_ =	shalt  }
0x3f: {  	_ =	shalt  }
0x40: {  	_ =	shalt  }
0x41: {  	_ =	shalt  }
0x42: {  	_ =	shalt  }
0x43: {  	_ =	shalt  }
0x44: {  	_ =	shalt  }
0x45: {  	_ =	shalt  }
0x46: {  	_ =	shalt  }
0x47: {  	_ =	shalt  }
0x48: {  	_ =	shalt  }
0x49: {  	_ =	shalt  }
0x4a: {  	_ =	shalt  }
0x4b: {  	_ =	shalt  }
0x4c: {  	_ =	shalt  }
0x4d: {  	_ =	shalt  }
0x4e: {  	_ =	shalt  }
0x4f: {  	_ =	shalt  }
0x50: {  	_ =	shalt  }
0x51: {  	_ =	shalt  }
0x52: {  	_ =	shalt  }
0x53: {  	_ =	shalt  }
0x54: {  	_ =	shalt  }
0x55: {  	_ =	shalt  }
0x56: {  	_ =	shalt  }
0x57: {  	_ =	shalt  }
0x58: {  	_ =	shalt  }
0x59: {  	_ =	shalt  }
0x5a: {  	_ =	shalt  }
0x5b: {  	_ =	shalt  }
0x5c: {  	_ =	shalt  }
0x5d: {  	_ =	shalt  }
0x5e: {  	_ =	shalt  }
0x5f: {  	_ =	shalt  }
0x60: {  	_ =	shalt  }
0x61: {  	_ =	shalt  }
0x62: {  	_ =	shalt  }
0x63: {  	_ =	shalt  }
0x64: {  	_ =	shalt  }
0x65: {  	_ =	shalt  }
0x66: {  	_ =	shalt  }
0x67: {  	_ =	shalt  }
0x68: {  	_ =	shalt  }
0x69: {  	_ =	shalt  }
0x6a: {  	_ =	shalt  }
0x6b: {  	_ =	shalt  }
0x6c: {  	_ =	shalt  }
0x6d: {  	_ =	shalt  }
0x6e: {  	_ =	shalt  }
0x6f: {  	_ =	shalt  }
0x70: {  	_ =	shalt  }
0x71: {  	_ =	shalt  }
0x72: {  	_ =	shalt  }
0x73: {  	_ =	shalt  }
0x74: {  	_ =	shalt  }
0x75: {  	_ =	shalt  }
0x76: {  	_ =	shalt  }
0x77: {  	_ =	shalt  }
0x78: {  	_ =	shalt  }
0x79: {  	_ =	shalt  }
0x7a: {  	_ =	shalt  }
0x7b: {  	_ =	shalt  }
0x7c: {  	_ =	shalt  }
0x7d: {  	_ =	shalt  }
0x7e: {  	_ =	shalt  }
0x7f: {  	_ =	shalt  }
0x80: {  	_ =	shalt  }
0x81: {  	_ =	shalt  }
0x82: {  	_ =	shalt  }
0x83: {  	_ =	shalt  }
0x84: {  	_ =	shalt  }
0x85: {  	_ =	shalt  }
0x86: {  	_ =	shalt  }
0x87: {  	_ =	shalt  }
.Lfunc_end0:
.L_simem_size_0:
called_computation_lowered:
.L_overlay_start_0:
0x88: {  	s2 =	sld [smem:$0x3FD9]  }
0x89: {  	s3 =	sld [smem:$0x3FFE];
	_ =	sdelay $0x1  }
0x8a: {  	s1 =	srdreg.scid  }
0x8b: {  	s0 =	sand.u32 $0x1, s1  }
0x8c: {  	s17 =	sshll.u32 s0, $0xA;
	s2 =	sadd.s32 s3, s2  }
0x8d: {  	s2 =	sadd.s32 s2, s17  }
0x8e: {  	[smem:$0x3FC3] =	sst s2  }
0x8f: {  	_ = 	snop  }
0x90: {  	s2 =	sld [smem:$0x3FD0];
	(tm) =	ssettm $0x1  }
0x91: {  	s18 =	sld [smem:$0x3FFB];
	_ =	sdelay $0x3  }
0x92: {  	_ =	strace s18  }
0x93: {  	s3 =	sld [smem:$0x3FFC];
	_ =	sdelay $0x3  }
0x94: {  	_ =	strace s3  }
0x95: {  	s3 =	sld [smem:$0x3FFD];
	_ =	sdelay $0x3  }
0x96: {  	_ =	strace s3  }
0x97: {  	_ =	strace $0x8FFFFFFF  }
0x98: {  	s19 =	sld [smem:$0x3FDB];
	_ =	sdelay $0x1  }
0x99: {  	s4 =	simm.s32 $_scs_section_size  }
0x9a: {  	s5 =	simm.s32 $_size__tile_overlayer_lowered;
	s6 =	simm.s32 $_tile_overlayer_lowered  }
0x9b: {  	s22 =	simm.s32 $0x1BFF;
	s21 =	sshll.u32 s6, $0x1;
	s3 =	sadd.s32 s4, s19  }
0x9c: {  	s7 =	simm.s32 $0x0;
	s20 =	sshll.u32 s5, $0x1;
	s5 =	sadd.s32 s21, s3  }
0x9d: {  	[timem:s7], [sflag:s22] =	dma.local [hbm:s5], s20  }
0x9e: {  	_ =	swait.ge [sflag:s22], s20  }
0x9f: {  	s4 =	ssub.s32 $0x0, s20;
	[sflag:s22] =	ssyncset.done $0x0  }
0xa0: {  	[sflag:s22] =	ssyncadd.s32 s4;
	_ =	sdelay $0x1  }
0xa1: {  	s23 =	simm.s32 $0x1B8B  }
0xa2: {  	_ =	swait.ge [sflag:s23], $0x1  }
0xa3: {  	[sflag:s23] =	ssyncset.done $0x0  }
0xa4: {  	s25 =	simm.s32 $0x1B8E;
	s24 =	sld [smem:$0x3FFE];
	[sflag:s23] =	ssyncadd.s32 $0xFFFFFFFF  }
0xa5: {  	s26 =	simm.s32 $execute0_lowered;
	[smem:$0x3FD2] =	sst s25  }
0xa6: {  	s5 =	sshll.u32 s26, $0x1;
	_ =	strace $0x80000046;
	[dreg:$0x1] =	wrdreg $0xFFFFFFFF  }
0xa7: {  	s28 =	simm.s32 $_size_execute0_lowered;
	s3 =	sadd.s32 s3, s5;
	[dreg:$0x0] =	wrdreg $0x0  }
0xa8: {  	s5 =	sshll.u32 s28, $0x1;
	[dreg:$0x2] =	wrdreg s3  }
0xa9: {  	[dreg:$0x3] =	wrdreg s5  }
0xaa: {  	[dreg:$0x4] =	wrdreg $0xC0  }
0xab: {  	_ =	task [dreg:s7], $0x5FFFF  }
0xac: {  	[dreg:$0x1] =	wrdreg $0xFFFFFFFF  }
0xad: {  	[dreg:$0x0] =	wrdreg $0x60  }
0xae: {  	[dreg:$0x2] =	wrdreg s2  }
0xaf: {  	[dreg:$0x3] =	wrdreg s24  }
0xb0: {  	[dreg:$0x4] =	wrdreg $0x41800  }
0xb1: {  	[dreg:$0x5] =	wrdreg $0x9  }
0xb2: {  	_ =	task.clear_ibuf [dreg:s7], $0x6FFFF;
	_ =	strace $0x90000046  }
0xb3: {  	s29 =	simm.s32 $0x9;
	_ =	strace $0x80000048  }
0xb4: {  	_ =	swait.ge [sflag:s29], $0x1  }
0xb5: {  	[sflag:s29] =	ssyncadd.s32 $0xFFFFFFFF  }
0xb6: {  	_ =	strace $0x90000048  }
0xb7: {  	_ =	sfence  }
0xb8: {  	s30 =	sld [smem:$0x0];
	_ =	sdelay $0x2  }
0xb9: {  	s31 =	sshll.u32 s1, $0xD;
	s1 =	sshrl.u32 s1, $0x2  }
0xba: {  	s3 =	sand.u32 $0x4000, s31;
	s1 =	sadd.s32 s1, s30  }
0xbb: {  	s0 =	sor.u32 s3, s0;
	s1 =	sshll.u32 s1, $0x11  }
0xbc: {  	s0 =	sor.u32 s1, s0  }
0xbd: {  	s0 =	sadd.s32 $0x8F2B, s0  }
0xbe: {  	[sflag:s0] =	ssyncadd.remote.s32 $0x1  }
0xbf: {  	_ =	sfence.sel $0xFFFF  }
0xc0: {  	[dreg:$0x0] =	wrdreg $0xFFFFFFFF;
	(pc) =	sbr.abs _section_cstart, $3  }
0xc1: {  	[dreg:$0x1] =	wrdreg $0xFFFFFFFF  }
0xc2: {  	_ =	task.clear_ibuf [dreg:s7], $0x2FFFF;
	_ =	strace $0x9FFFFFFF  }
0xc3: {  	(tm) =	ssettm $0x7FFFFFFF  }
tec
execute0_lowered:
.L_overlay_start_1:
0x0: {  	(tag) =	ssettag $0x1  }
0x1: {  	s1 =	rddreg [dreg:$0x0]  }
0x2: {  	s8 =	rddreg [dreg:$0x1]  }
0x3: {  	s2 =	rddreg [dreg:$0x2]  }
0x4: {  	s0 =	rddreg [dreg:$0x3];
	s3 =	simm.s32 $0x0  }
0x5: {  	s6 =	srdreg.scid;
	s4 =	stileid.u32;
	s25 =	simm.s32 $0x100  }
0x6: {  	s26 =	simm.s32 $0x1;
	[smem:$0x7FF] =	sst s3;
	s10 =	smul.u32 $0x4F000, s4  }
0x7: {  	s5 =	sadd.s32 $0xB600, s8;
	s13 =	sand.u32 $0x1, s6;
	s15 =	smul.u32 $0x13C00, s4  }
0x8: {  	s6 =	sadd.s32 $0x6600, s8;
	s7 =	sadd.s32 $0x1600, s8;
	s14 =	smul.u32 $0x4F, s4  }
0x9: {  	s20 =	sadd.s32 $0x10600, s8;
	p0 =	seq.s32 s4, $0xF;
	s22 =	smul.u32 $0x138800, s13  }
0xa: {  	_ =	strace $0x80000047;
	s9 =	ssub.s32 $0x2, s13;
	s24 =	smul.u32 $0x2710, s13  }
0xb: {  	s11 =	sshrl.u32 s9, $0x1;
	s31 =	sshrl.u32 s10, $0x2;
	s16 =	sadd.s32 $0x4000, s15  }
0xc: {  	s17 =	sadd.s32 $0x8000, s15;
	s18 =	sadd.s32 $0xC000, s15;
	s19 =	sadd.s32 $0x10000, s15  }
0xd: {  	s23 =	sadd.s32 $0x10400, s15;
	s21 =	ssub.s32 s9, s11;
	s8 =	sadd.s32 s31, s2  }
0xe: {  	s9 =	sadd.s32 s16, s2;
	s10 =	sadd.s32 s17, s2;
	s11 =	sadd.s32 s18, s2  }
0xf: {  	s12 =	sadd.s32 s19, s2;
	s13 =	sadd.s32 s23, s2;
	s15 =	sadd.s32 s15, s22  }
0x10: {  	s16 =	sadd.s32 s22, s16;
	s17 =	sadd.s32 s22, s17;
	s18 =	sadd.s32 s22, s18  }
0x11: {  	s19 =	sadd.s32 s22, s19;
	s22 =	sadd.s32 s22, s23;
	s23 =	simm.s32 $0x2  }
0x12: {  	v0 =	vmov s24;
	s24 =	simm.s32 $0x80;
	s15 =	sshrl.u32 s15, $0x3;
	s16 =	sshrl.u32 s16, $0x3  }
0x13: {  	s17 =	sshrl.u32 s17, $0x3;
	s18 =	sshrl.u32 s18, $0x3;
	s19 =	sshrl.u32 s19, $0x3  }
0x14: {  	s22 =	sshrl.u32 s22, $0x3;
	s21 =	smax.u32 s21, $0x1;
	s15 =	sadd.s32 s20, s15  }
0x15: {  	s16 =	sadd.s32 s20, s16;
	s17 =	sadd.s32 s20, s17;
	s18 =	sadd.s32 s20, s18  }
0x16: {  	v1 =	vimm.f32 $0.0e+00;
	s19 =	sadd.s32 s20, s19;
	s20 =	sadd.s32 s20, s22;
	s22 =	simm.s32 $0x180  }
.LBB2_1:
0x17: {  	s28 =	simm.s32 $0x0;
	s29 =	simm.s32 $0x200  }
.LBB2_2:
0x18: {  	p1 =	sne.s32 s29, $0xFE00;
	[tilespmem:s28+$0x1F0] =	vst v1  }
0x19: {  	[tilespmem:s28+$0x180] =	vst v1  }
0x1a: {  	[tilespmem:s28+$0x190] =	vst v1  }
.Ltmp0:
0x1b: {  	[tilespmem:s28+$0x1A0] =	vst v1;
	(pc) =	sbr.rel @p1 .LBB2_2-.Ltmp0, $4  }
0x1c: {  	[tilespmem:s28+$0x1B0] =	vst v1  }
0x1d: {  	[tilespmem:s28+$0x1C0] =	vst v1  }
0x1e: {  	[tilespmem:s28+$0x1D0] =	vst v1  }
0x1f: {  	[tilespmem:s28+$0x1E0] =	vst v1;
	s28 =	sshra.s32 s29, $0x2;
	s29 =	sadd.s32 $0x200, s29  }
0x20: {  	[tilespmem:s28+$0x1F0] =	vst v1  }
0x21: {  	[tilespmem:s28+$0x180] =	vst v1  }
0x22: {  	[tilespmem:s28+$0x190] =	vst v1  }
0x23: {  	[tilespmem:s28+$0x1A0] =	vst v1  }
0x24: {  	[tilespmem:s28+$0x1B0] =	vst v1  }
0x25: {  	[tilespmem:s28+$0x1C0] =	vst v1  }
0x26: {  	[tilespmem:s28+$0x1D0] =	vst v1  }
0x27: {  	[tilespmem:s28+$0x1E0] =	vst v1  }
0x28: {  	[spmem:s8] =	stream.linear.scatter [tilespmem:s22], [sflag:$0x2], $0x4000, $0x38;
	[tilespmem:$0x17A00] =	vst v63  }
0x29: {  	_ =	swait.ge [sflag:s23], $0x4000  }
0x2a: {  	[sflag:s23] =	ssyncset.done $0x0  }
0x2b: {  	[sflag:s23] =	ssyncadd.s32 $0xFFFFC000  }
0x2c: {  	[spmem:s9] =	stream.linear.scatter [tilespmem:s22], [sflag:$0x2], $0x4000, $0x38;
	[tilespmem:$0x17A00] =	vst v63  }
0x2d: {  	_ =	swait.ge [sflag:s23], $0x4000  }
0x2e: {  	[sflag:s23] =	ssyncset.done $0x0  }
0x2f: {  	[sflag:s23] =	ssyncadd.s32 $0xFFFFC000  }
0x30: {  	[spmem:s10] =	stream.linear.scatter [tilespmem:s22], [sflag:$0x2], $0x4000, $0x38;
	[tilespmem:$0x17A00] =	vst v63  }
0x31: {  	_ =	swait.ge [sflag:s23], $0x4000  }
0x32: {  	[sflag:s23] =	ssyncset.done $0x0  }
0x33: {  	[sflag:s23] =	ssyncadd.s32 $0xFFFFC000  }
0x34: {  	[spmem:s11] =	stream.linear.scatter [tilespmem:s22], [sflag:$0x2], $0x4000, $0x38;
	[tilespmem:$0x17A00] =	vst v63  }
0x35: {  	_ =	swait.ge [sflag:s23], $0x4000  }
0x36: {  	[sflag:s23] =	ssyncset.done $0x0  }
0x37: {  	[sflag:s23] =	ssyncadd.s32 $0xFFFFC000  }
0x38: {  	[spmem:s12] =	stream.linear.scatter [tilespmem:s22], [sflag:$0x2], $0x400, $0x38;
	[tilespmem:$0x17A00] =	vst v63  }
0x39: {  	_ =	swait.ge [sflag:s23], $0x400  }
0x3a: {  	[sflag:s23] =	ssyncset.done $0x0  }
0x3b: {  	s28 =	simm.s32 @!p0 $0x180;
	[sflag:s23] =	ssyncadd.s32 $0xFFFFFC00  }
0x3c: {  	[spmem:s13] =	stream.linear.scatter @!p0 [tilespmem:s28], [sflag:$0x2], $0x3800, $0x38;
	[tilespmem:$0x17A00] =	vst v63  }
0x3d: {  	s28 =	simm.s32 @!p0 $0x2  }
0x3e: {  	_ =	swait.ge @!p0 [sflag:s28], $0x3800  }
0x3f: {  	[sflag:s28] =	ssyncset.done @!p0 $0x0  }
0x40: {  	[sflag:s28] =	ssyncadd.s32 @!p0 $0xFFFFC800  }
0x41: {  	s29 =	simm.s32 $0x0;
	s28 =	simm.s32 $0x0;
	[bflag:$0x0] =	sbarrier.arrive $0xFFFF  }
.LBB2_4:
0x42: {  	s30 =	sadd.s32 s14, s29  }
0x43: {  	s30 =	sshll.u32 s30, $0x4  }
0x44: {  	s31 =	sadd.s32 s5, s30  }
0x45: {  	[tilespmem:s28], [sflag:$0x2] =	stream.linear.gather [hbm4b:s31+s28], $0x80, $0x38;
	[tilespmem:$0x17A00] =	vst v63  }
0x46: {  	_ =	swait.ge [sflag:s23], $0x80  }
0x47: {  	[sflag:s23] =	ssyncset.done $0x0  }
0x48: {  	s31 =	sadd.s32 s6, s30;
	[sflag:s23] =	ssyncadd.s32 $0xFFFFFF80  }
0x49: {  	[tilespmem:s24], [sflag:$0x2] =	stream.linear.gather [hbm4b:s31+s28], $0x80, $0x38;
	[tilespmem:$0x17A00] =	vst v63  }
0x4a: {  	_ =	swait.ge [sflag:s23], $0x80  }
0x4b: {  	[sflag:s23] =	ssyncset.done $0x0  }
0x4c: {  	s30 =	sadd.s32 s7, s30;
	[sflag:s23] =	ssyncadd.s32 $0xFFFFFF80  }
0x4d: {  	[tilespmem:s25], [sflag:$0x2] =	stream.linear.gather [hbm4b:s30+s28], $0x80, $0x38;
	[tilespmem:$0x17A00] =	vst v63  }
0x4e: {  	_ =	swait.ge [sflag:s23], $0x80  }
0x4f: {  	[sflag:s23] =	ssyncset.done $0x0  }
0x50: {  	[sflag:s23] =	ssyncadd.s32 $0xFFFFFF80  }
0x51: {  	v2 =	vld [tilespmem:$0x0]  }
0x52: {  	v3 =	vld [tilespmem:$0x10]  }
0x53: {  	v4 =	vld [tilespmem:$0x20]  }
0x54: {  	v5 =	vld [tilespmem:$0x30]  }
0x55: {  	v6 =	vld [tilespmem:$0x40]  }
0x56: {  	v7 =	vld [tilespmem:$0x50];
	v2 =	vadd.s32 v0, v2  }
0x57: {  	[tilespmem:$0x0] =	vst v2;
	v2 =	vadd.s32 v0, v3;
	v3 =	vld [tilespmem:$0x60]  }
0x58: {  	v63 =	vld [tilespmem:$0x70];
	[tilespmem:$0x10] =	vst v2;
	v2 =	vadd.s32 v0, v4  }
0x59: {  	[tilespmem:$0x20] =	vst v2;
	v2 =	vadd.s32 v0, v5  }
0x5a: {  	[tilespmem:$0x30] =	vst v2;
	v2 =	vadd.s32 v0, v6  }
0x5b: {  	[tilespmem:$0x40] =	vst v2;
	v2 =	vadd.s32 v0, v7  }
0x5c: {  	[tilespmem:$0x50] =	vst v2;
	v2 =	vadd.s32 v0, v3  }
0x5d: {  	[tilespmem:$0x60] =	vst v2;
	v2 =	vadd.s32 v0, v63  }
0x5e: {  	[tilespmem:$0x70] =	vst v2  }
0x5f: {  	[tilespmem:s22], [sflag:$0x1] =	stream.indirect.gather [hbm4b:s1+s24], $0x80, s28, s24, $0xb8;
	[tilespmem:$0x17A00] =	vst v63  }
0x60: {  	_ =	swait.ge [sflag:s26], $0x4000  }
0x61: {  	[sflag:s26] =	ssyncset.done $0x0  }
0x62: {  	s30 =	simm.s32 $0x0;
	[sflag:s26] =	ssyncadd.s32 $0xFFFFC000  }
.LBB2_5:
0x63: {  	s31 =	sshll.u32 s30, $0x4  }
0x64: {  	s31 =	sand.u32 $0x3FFFFFF0, s31  }
0x65: {  	v2 =	vld [tilespmem:s31+$0x100];
	s31 =	sshll.u32 s30, $0xB  }
0x66: {  	s31 =	sand.u32 $0x3FFFF800, s31  }
0x67: {  	v3 =	vld [tilespmem:s31+$0x180]  }
0x68: {  	v4 =	vld [tilespmem:s31+$0x190]  }
0x69: {  	v5 =	vld [tilespmem:s31+$0x1A0]  }
0x6a: {  	v7 =	vld [tilespmem:s31+$0x1B0];
	v6 =	vbroadcast v2, $0x0  }
0x6b: {  	v8 =	vld [tilespmem:s31+$0x1C0]  }
0x6c: {  	v9 =	vld [tilespmem:s31+$0x1D0];
	v3 =	vmul.f32 v6, v3  }
0x6d: {  	v10 =	vld [tilespmem:s31+$0x1E0];
	v4 =	vmul.f32 v4, v6  }
0x6e: {  	v24 =	vld [tilespmem:s31+$0x1F0];
	[tilespmem:s31+$0x180] =	vst v3;
	v3 =	vmul.f32 v5, v6  }
0x6f: {  	v26 =	vld [tilespmem:s31+$0x200];
	v25 =	vmul.f32 v7, v6;
	[tilespmem:s31+$0x190] =	vst v4  }
0x70: {  	v27 =	vld [tilespmem:s31+$0x210];
	[tilespmem:s31+$0x1A0] =	vst v3;
	v3 =	vmul.f32 v8, v6  }
0x71: {  	v29 =	vld [tilespmem:s31+$0x220];
	v28 =	vmul.f32 v9, v6;
	[tilespmem:s31+$0x1B0] =	vst v25  }
0x72: {  	v11 =	vld [tilespmem:s31+$0x230];
	v30 =	vbroadcast v2, $0x1;
	[tilespmem:s31+$0x1C0] =	vst v3;
	v3 =	vmul.f32 v10, v6  }
0x73: {  	v32 =	vld [tilespmem:s31+$0x240];
	v31 =	vmul.f32 v24, v6;
	[tilespmem:s31+$0x1D0] =	vst v28  }
0x74: {  	v33 =	vld [tilespmem:s31+$0x250];
	[tilespmem:s31+$0x1E0] =	vst v3;
	v3 =	vmul.f32 v26, v30  }
0x75: {  	v35 =	vld [tilespmem:s31+$0x260];
	v34 =	vmul.f32 v27, v30;
	[tilespmem:s31+$0x1F0] =	vst v31  }
0x76: {  	v36 =	vld [tilespmem:s31+$0x270];
	[tilespmem:s31+$0x200] =	vst v3;
	v3 =	vmul.f32 v29, v30  }
0x77: {  	v38 =	vld [tilespmem:s31+$0x280];
	v37 =	vmul.f32 v11, v30;
	[tilespmem:s31+$0x210] =	vst v34  }
0x78: {  	v39 =	vld [tilespmem:s31+$0x290];
	[tilespmem:s31+$0x220] =	vst v3;
	v3 =	vmul.f32 v32, v30  }
0x79: {  	v41 =	vld [tilespmem:s31+$0x2A0];
	v40 =	vmul.f32 v33, v30;
	[tilespmem:s31+$0x230] =	vst v37  }
0x7a: {  	v43 =	vld [tilespmem:s31+$0x2B0];
	v42 =	vbroadcast v2, $0x2;
	[tilespmem:s31+$0x240] =	vst v3;
	v3 =	vmul.f32 v35, v30  }
0x7b: {  	v45 =	vld [tilespmem:s31+$0x2C0];
	v44 =	vmul.f32 v36, v30;
	[tilespmem:s31+$0x250] =	vst v40  }
0x7c: {  	v46 =	vld [tilespmem:s31+$0x2D0];
	[tilespmem:s31+$0x260] =	vst v3;
	v3 =	vmul.f32 v38, v42  }
0x7d: {  	v48 =	vld [tilespmem:s31+$0x2E0];
	v47 =	vmul.f32 v39, v42;
	[tilespmem:s31+$0x270] =	vst v44  }
0x7e: {  	v49 =	vld [tilespmem:s31+$0x2F0];
	[tilespmem:s31+$0x280] =	vst v3;
	v3 =	vmul.f32 v41, v42  }
0x7f: {  	v51 =	vld [tilespmem:s31+$0x300];
	v50 =	vmul.f32 v43, v42;
	[tilespmem:s31+$0x290] =	vst v47  }
0x80: {  	v52 =	vld [tilespmem:s31+$0x310];
	[tilespmem:s31+$0x2A0] =	vst v3;
	v3 =	vmul.f32 v45, v42  }
0x81: {  	v54 =	vld [tilespmem:s31+$0x320];
	v53 =	vmul.f32 v46, v42;
	[tilespmem:s31+$0x2B0] =	vst v50  }
0x82: {  	v56 =	vld [tilespmem:s31+$0x330];
	v55 =	vbroadcast v2, $0x3;
	[tilespmem:s31+$0x2C0] =	vst v3;
	v3 =	vmul.f32 v48, v42  }
0x83: {  	v58 =	vld [tilespmem:s31+$0x340];
	v57 =	vmul.f32 v49, v42;
	[tilespmem:s31+$0x2D0] =	vst v53  }
0x84: {  	v59 =	vld [tilespmem:s31+$0x350];
	[tilespmem:s31+$0x2E0] =	vst v3;
	v3 =	vmul.f32 v51, v55  }
0x85: {  	v61 =	vld [tilespmem:s31+$0x360];
	v60 =	vmul.f32 v52, v55;
	[tilespmem:s31+$0x2F0] =	vst v57  }
0x86: {  	v62 =	vld [tilespmem:s31+$0x370];
	[tilespmem:s31+$0x300] =	vst v3;
	v3 =	vmul.f32 v54, v55  }
0x87: {  	v12 =	vld [tilespmem:s31+$0x380];
	v63 =	vmul.f32 v56, v55;
	[tilespmem:s31+$0x310] =	vst v60  }
0x88: {  	v13 =	vld [tilespmem:s31+$0x390];
	[tilespmem:s31+$0x320] =	vst v3;
	v3 =	vmul.f32 v58, v55  }
0x89: {  	v15 =	vld [tilespmem:s31+$0x3A0];
	v14 =	vmul.f32 v59, v55;
	[tilespmem:s31+$0x330] =	vst v63  }
0x8a: {  	v17 =	vld [tilespmem:s31+$0x3B0];
	v16 =	vbroadcast v2, $0x4;
	[tilespmem:s31+$0x340] =	vst v3;
	v3 =	vmul.f32 v61, v55  }
0x8b: {  	v19 =	vld [tilespmem:s31+$0x3C0];
	v18 =	vmul.f32 v62, v55;
	[tilespmem:s31+$0x350] =	vst v14  }
0x8c: {  	v20 =	vld [tilespmem:s31+$0x3D0];
	[tilespmem:s31+$0x360] =	vst v3;
	v3 =	vmul.f32 v12, v16  }
0x8d: {  	v22 =	vld [tilespmem:s31+$0x3E0];
	v21 =	vmul.f32 v13, v16;
	[tilespmem:s31+$0x370] =	vst v18  }
0x8e: {  	v23 =	vld [tilespmem:s31+$0x3F0];
	[tilespmem:s31+$0x380] =	vst v3;
	v3 =	vmul.f32 v15, v16  }
0x8f: {  	v24 =	vmul.f32 v17, v16;
	[tilespmem:s31+$0x390] =	vst v21;
	v25 =	vld [tilespmem:s31+$0x400]  }
0x90: {  	v33 =	vld [tilespmem:s31+$0x450];
	[tilespmem:s31+$0x3A0] =	vst v3;
	v3 =	vmul.f32 v19, v16  }
0x91: {  	v27 =	vmul.f32 v20, v16;
	[tilespmem:s31+$0x3B0] =	vst v24;
	v28 =	vld [tilespmem:s31+$0x420]  }
0x92: {  	v36 =	vld [tilespmem:s31+$0x470];
	v29 =	vbroadcast v2, $0x5;
	[tilespmem:s31+$0x3C0] =	vst v3;
	v3 =	vmul.f32 v22, v16  }
0x93: {  	[tilespmem:s31+$0x3D0] =	vst v27;
	v31 =	vmul.f32 v23, v16;
	v32 =	vld [tilespmem:s31+$0x440]  }
0x94: {  	v26 =	vld [tilespmem:s31+$0x410];
	[tilespmem:s31+$0x3E0] =	vst v3;
	v3 =	vmul.f32 v25, v29  }
0x95: {  	[tilespmem:s31+$0x3F0] =	vst v31;
	v40 =	vmul.f32 v33, v29;
	v35 =	vld [tilespmem:s31+$0x460]  }
0x96: {  	v30 =	vld [tilespmem:s31+$0x430];
	[tilespmem:s31+$0x400] =	vst v3;
	v3 =	vmul.f32 v28, v29  }
0x97: {  	v44 =	vmul.f32 v36, v29;
	[tilespmem:s31+$0x450] =	vst v40;
	v38 =	vld [tilespmem:s31+$0x480]  }
0x98: {  	v39 =	vld [tilespmem:s31+$0x490];
	[tilespmem:s31+$0x420] =	vst v3;
	v3 =	vmul.f32 v32, v29  }
0x99: {  	v34 =	vmul.f32 v26, v29;
	[tilespmem:s31+$0x470] =	vst v44;
	v41 =	vld [tilespmem:s31+$0x4A0]  }
0x9a: {  	v43 =	vld [tilespmem:s31+$0x4B0];
	v42 =	vbroadcast v2, $0x6;
	[tilespmem:s31+$0x440] =	vst v3;
	v3 =	vmul.f32 v35, v29  }
0x9b: {  	[tilespmem:s31+$0x410] =	vst v34;
	v37 =	vmul.f32 v30, v29;
	v45 =	vld [tilespmem:s31+$0x4C0]  }
0x9c: {  	v46 =	vld [tilespmem:s31+$0x4D0];
	[tilespmem:s31+$0x460] =	vst v3;
	v3 =	vmul.f32 v38, v42  }
0x9d: {  	[tilespmem:s31+$0x430] =	vst v37;
	v48 =	vld [tilespmem:s31+$0x4E0];
	v47 =	vmul.f32 v39, v42  }
0x9e: {  	v49 =	vld [tilespmem:s31+$0x4F0];
	[tilespmem:s31+$0x480] =	vst v3;
	v3 =	vmul.f32 v41, v42  }
0x9f: {  	v50 =	vmul.f32 v43, v42;
	v51 =	vld [tilespmem:s31+$0x500];
	[tilespmem:s31+$0x490] =	vst v47  }
0xa0: {  	v52 =	vld [tilespmem:s31+$0x510];
	[tilespmem:s31+$0x4A0] =	vst v3;
	v3 =	vmul.f32 v45, v42  }
0xa1: {  	v53 =	vmul.f32 v46, v42;
	[tilespmem:s31+$0x4B0] =	vst v50;
	v54 =	vld [tilespmem:s31+$0x520]  }
0xa2: {  	v56 =	vld [tilespmem:s31+$0x530];
	v55 =	vbroadcast v2, $0x7;
	[tilespmem:s31+$0x4C0] =	vst v3;
	v3 =	vmul.f32 v48, v42  }
0xa3: {  	v57 =	vmul.f32 v49, v42;
	[tilespmem:s31+$0x4D0] =	vst v53;
	v58 =	vld [tilespmem:s31+$0x540]  }
0xa4: {  	v59 =	vld [tilespmem:s31+$0x550];
	[tilespmem:s31+$0x4E0] =	vst v3;
	v3 =	vmul.f32 v51, v55  }
0xa5: {  	[tilespmem:s31+$0x4F0] =	vst v57;
	v61 =	vld [tilespmem:s31+$0x560];
	v60 =	vmul.f32 v52, v55  }
0xa6: {  	v62 =	vld [tilespmem:s31+$0x570];
	[tilespmem:s31+$0x500] =	vst v3;
	v3 =	vmul.f32 v54, v55  }
0xa7: {  	v63 =	vmul.f32 v56, v55;
	v12 =	vld [tilespmem:s31+$0x580];
	[tilespmem:s31+$0x510] =	vst v60  }
0xa8: {  	v13 =	vld [tilespmem:s31+$0x590];
	[tilespmem:s31+$0x520] =	vst v3;
	v3 =	vmul.f32 v58, v55  }
0xa9: {  	v14 =	vmul.f32 v59, v55;
	[tilespmem:s31+$0x530] =	vst v63;
	v15 =	vld [tilespmem:s31+$0x5A0]  }
0xaa: {  	v17 =	vld [tilespmem:s31+$0x5B0];
	v16 =	vbroadcast v2, $0x8;
	[tilespmem:s31+$0x540] =	vst v3;
	v3 =	vmul.f32 v61, v55  }
0xab: {  	v18 =	vmul.f32 v62, v55;
	[tilespmem:s31+$0x550] =	vst v14;
	v19 =	vld [tilespmem:s31+$0x5C0]  }
0xac: {  	v20 =	vld [tilespmem:s31+$0x5D0];
	[tilespmem:s31+$0x560] =	vst v3;
	v3 =	vmul.f32 v12, v16  }
0xad: {  	[tilespmem:s31+$0x570] =	vst v18;
	v22 =	vld [tilespmem:s31+$0x5E0];
	v21 =	vmul.f32 v13, v16  }
0xae: {  	v23 =	vld [tilespmem:s31+$0x5F0];
	[tilespmem:s31+$0x580] =	vst v3;
	v3 =	vmul.f32 v15, v16  }
0xaf: {  	v24 =	vmul.f32 v17, v16;
	v25 =	vld [tilespmem:s31+$0x600];
	[tilespmem:s31+$0x590] =	vst v21  }
0xb0: {  	v26 =	vld [tilespmem:s31+$0x610];
	[tilespmem:s31+$0x5A0] =	vst v3;
	v3 =	vmul.f32 v19, v16  }
0xb1: {  	v27 =	vmul.f32 v20, v16;
	[tilespmem:s31+$0x5B0] =	vst v24;
	v28 =	vld [tilespmem:s31+$0x620]  }
0xb2: {  	v30 =	vld [tilespmem:s31+$0x630];
	v29 =	vbroadcast v2, $0x9;
	[tilespmem:s31+$0x5C0] =	vst v3;
	v3 =	vmul.f32 v22, v16  }
0xb3: {  	v31 =	vmul.f32 v23, v16;
	[tilespmem:s31+$0x5D0] =	vst v27;
	v32 =	vld [tilespmem:s31+$0x640]  }
0xb4: {  	v33 =	vld [tilespmem:s31+$0x650];
	[tilespmem:s31+$0x5E0] =	vst v3;
	v3 =	vmul.f32 v25, v29  }
0xb5: {  	[tilespmem:s31+$0x5F0] =	vst v31;
	v35 =	vld [tilespmem:s31+$0x660];
	v34 =	vmul.f32 v26, v29  }
0xb6: {  	v36 =	vld [tilespmem:s31+$0x670];
	[tilespmem:s31+$0x600] =	vst v3;
	v3 =	vmul.f32 v28, v29  }
0xb7: {  	v37 =	vmul.f32 v30, v29;
	v38 =	vld [tilespmem:s31+$0x680];
	[tilespmem:s31+$0x610] =	vst v34  }
0xb8: {  	v39 =	vld [tilespmem:s31+$0x690];
	[tilespmem:s31+$0x620] =	vst v3;
	v3 =	vmul.f32 v32, v29  }
0xb9: {  	v40 =	vmul.f32 v33, v29;
	[tilespmem:s31+$0x630] =	vst v37;
	v41 =	vld [tilespmem:s31+$0x6A0]  }
0xba: {  	v43 =	vld [tilespmem:s31+$0x6B0];
	v42 =	vbroadcast v2, $0xA;
	[tilespmem:s31+$0x640] =	vst v3;
	v3 =	vmul.f32 v35, v29  }
0xbb: {  	v44 =	vmul.f32 v36, v29;
	[tilespmem:s31+$0x650] =	vst v40;
	v45 =	vld [tilespmem:s31+$0x6C0]  }
0xbc: {  	v46 =	vld [tilespmem:s31+$0x6D0];
	[tilespmem:s31+$0x660] =	vst v3;
	v3 =	vmul.f32 v38, v42  }
0xbd: {  	[tilespmem:s31+$0x670] =	vst v44;
	v48 =	vld [tilespmem:s31+$0x6E0];
	v47 =	vmul.f32 v39, v42  }
0xbe: {  	v49 =	vld [tilespmem:s31+$0x6F0];
	[tilespmem:s31+$0x680] =	vst v3;
	v3 =	vmul.f32 v41, v42  }
0xbf: {  	v50 =	vmul.f32 v43, v42;
	v51 =	vld [tilespmem:s31+$0x700];
	[tilespmem:s31+$0x690] =	vst v47  }
0xc0: {  	v52 =	vld [tilespmem:s31+$0x710];
	[tilespmem:s31+$0x6A0] =	vst v3;
	v3 =	vmul.f32 v45, v42  }
0xc1: {  	v53 =	vmul.f32 v46, v42;
	[tilespmem:s31+$0x6B0] =	vst v50;
	v54 =	vld [tilespmem:s31+$0x720]  }
0xc2: {  	v56 =	vld [tilespmem:s31+$0x730];
	v55 =	vbroadcast v2, $0xB;
	[tilespmem:s31+$0x6C0] =	vst v3;
	v3 =	vmul.f32 v48, v42  }
0xc3: {  	v57 =	vmul.f32 v49, v42;
	[tilespmem:s31+$0x6D0] =	vst v53;
	v58 =	vld [tilespmem:s31+$0x740]  }
0xc4: {  	v59 =	vld [tilespmem:s31+$0x750];
	[tilespmem:s31+$0x6E0] =	vst v3;
	v3 =	vmul.f32 v51, v55  }
0xc5: {  	[tilespmem:s31+$0x6F0] =	vst v57;
	v61 =	vld [tilespmem:s31+$0x760];
	v60 =	vmul.f32 v52, v55  }
0xc6: {  	v62 =	vld [tilespmem:s31+$0x770];
	[tilespmem:s31+$0x700] =	vst v3;
	v3 =	vmul.f32 v54, v55  }
0xc7: {  	v63 =	vmul.f32 v56, v55;
	v12 =	vld [tilespmem:s31+$0x780];
	[tilespmem:s31+$0x710] =	vst v60  }
0xc8: {  	v13 =	vld [tilespmem:s31+$0x790];
	[tilespmem:s31+$0x720] =	vst v3;
	v3 =	vmul.f32 v58, v55  }
0xc9: {  	v14 =	vmul.f32 v59, v55;
	[tilespmem:s31+$0x730] =	vst v63;
	v15 =	vld [tilespmem:s31+$0x7A0]  }
0xca: {  	v17 =	vld [tilespmem:s31+$0x7B0];
	v16 =	vbroadcast v2, $0xC;
	[tilespmem:s31+$0x740] =	vst v3;
	v3 =	vmul.f32 v61, v55  }
0xcb: {  	v18 =	vmul.f32 v62, v55;
	[tilespmem:s31+$0x750] =	vst v14;
	v19 =	vld [tilespmem:s31+$0x7C0]  }
0xcc: {  	v20 =	vld [tilespmem:s31+$0x7D0];
	[tilespmem:s31+$0x760] =	vst v3;
	v3 =	vmul.f32 v12, v16  }
0xcd: {  	[tilespmem:s31+$0x770] =	vst v18;
	v22 =	vld [tilespmem:s31+$0x7E0];
	v21 =	vmul.f32 v13, v16  }
0xce: {  	v23 =	vld [tilespmem:s31+$0x7F0];
	[tilespmem:s31+$0x780] =	vst v3;
	v3 =	vmul.f32 v15, v16  }
0xcf: {  	v24 =	vmul.f32 v17, v16;
	v25 =	vld [tilespmem:s31+$0x800];
	[tilespmem:s31+$0x790] =	vst v21  }
0xd0: {  	v26 =	vld [tilespmem:s31+$0x810];
	[tilespmem:s31+$0x7A0] =	vst v3;
	v3 =	vmul.f32 v19, v16  }
0xd1: {  	v27 =	vmul.f32 v20, v16;
	[tilespmem:s31+$0x7B0] =	vst v24;
	v28 =	vld [tilespmem:s31+$0x820]  }
0xd2: {  	v30 =	vld [tilespmem:s31+$0x830];
	v29 =	vbroadcast v2, $0xD;
	[tilespmem:s31+$0x7C0] =	vst v3;
	v3 =	vmul.f32 v22, v16  }
0xd3: {  	v31 =	vmul.f32 v23, v16;
	[tilespmem:s31+$0x7D0] =	vst v27;
	v32 =	vld [tilespmem:s31+$0x840]  }
0xd4: {  	v33 =	vld [tilespmem:s31+$0x850];
	[tilespmem:s31+$0x7E0] =	vst v3;
	v3 =	vmul.f32 v25, v29  }
0xd5: {  	[tilespmem:s31+$0x7F0] =	vst v31;
	v35 =	vld [tilespmem:s31+$0x860];
	v34 =	vmul.f32 v26, v29  }
0xd6: {  	v36 =	vld [tilespmem:s31+$0x870];
	[tilespmem:s31+$0x800] =	vst v3;
	v3 =	vmul.f32 v28, v29  }
0xd7: {  	v37 =	vmul.f32 v30, v29;
	v38 =	vld [tilespmem:s31+$0x880];
	[tilespmem:s31+$0x810] =	vst v34  }
0xd8: {  	v39 =	vld [tilespmem:s31+$0x890];
	[tilespmem:s31+$0x820] =	vst v3;
	v3 =	vmul.f32 v32, v29  }
0xd9: {  	v40 =	vmul.f32 v33, v29;
	[tilespmem:s31+$0x830] =	vst v37;
	v41 =	vld [tilespmem:s31+$0x8A0]  }
0xda: {  	v43 =	vld [tilespmem:s31+$0x8B0];
	v42 =	vbroadcast v2, $0xE;
	[tilespmem:s31+$0x840] =	vst v3;
	v3 =	vmul.f32 v35, v29  }
0xdb: {  	v44 =	vmul.f32 v36, v29;
	[tilespmem:s31+$0x850] =	vst v40;
	v45 =	vld [tilespmem:s31+$0x8C0]  }
0xdc: {  	v46 =	vld [tilespmem:s31+$0x8D0];
	[tilespmem:s31+$0x860] =	vst v3;
	v3 =	vmul.f32 v38, v42  }
0xdd: {  	[tilespmem:s31+$0x870] =	vst v44;
	v48 =	vld [tilespmem:s31+$0x8E0];
	v47 =	vmul.f32 v39, v42  }
0xde: {  	v49 =	vld [tilespmem:s31+$0x8F0];
	[tilespmem:s31+$0x880] =	vst v3;
	v3 =	vmul.f32 v41, v42  }
0xdf: {  	v50 =	vmul.f32 v43, v42;
	v51 =	vld [tilespmem:s31+$0x900];
	[tilespmem:s31+$0x890] =	vst v47  }
0xe0: {  	v52 =	vld [tilespmem:s31+$0x910];
	[tilespmem:s31+$0x8A0] =	vst v3;
	v3 =	vmul.f32 v45, v42  }
0xe1: {  	v53 =	vmul.f32 v46, v42;
	[tilespmem:s31+$0x8B0] =	vst v50;
	v54 =	vld [tilespmem:s31+$0x920]  }
0xe2: {  	v2 =	vbroadcast v2, $0xF;
	v58 =	vld [tilespmem:s31+$0x950];
	[tilespmem:s31+$0x8C0] =	vst v3;
	v3 =	vmul.f32 v48, v42  }
0xe3: {  	v57 =	vld [tilespmem:s31+$0x940];
	v56 =	vmul.f32 v49, v42;
	[tilespmem:s31+$0x8D0] =	vst v53  }
0xe4: {  	v55 =	vld [tilespmem:s31+$0x930];
	[tilespmem:s31+$0x8E0] =	vst v3;
	v3 =	vmul.f32 v51, v2  }
0xe5: {  	v60 =	vld [tilespmem:s31+$0x960];
	v59 =	vmul.f32 v52, v2;
	[tilespmem:s31+$0x8F0] =	vst v56  }
0xe6: {  	v61 =	vld [tilespmem:s31+$0x970];
	[tilespmem:s31+$0x900] =	vst v3;
	v3 =	vmul.f32 v54, v2  }
0xe7: {  	[tilespmem:s31+$0x910] =	vst v59;
	v63 =	vmul.f32 v58, v2  }
0xe8: {  	p1 =	sne.s32 s30, $0x7;
	[tilespmem:s31+$0x920] =	vst v3;
	v3 =	vmul.f32 v57, v2  }
.Ltmp1:
0xe9: {  	v62 =	vmul.f32 v55, v2;
	[tilespmem:s31+$0x950] =	vst v63;
	(pc) =	sbr.rel @p1 .LBB2_5-.Ltmp1, $4  }
0xea: {  	[tilespmem:s31+$0x940] =	vst v3;
	v3 =	vmul.f32 v60, v2  }
0xeb: {  	[tilespmem:s31+$0x930] =	vst v62;
	v2 =	vmul.f32 v61, v2  }
0xec: {  	[tilespmem:s31+$0x960] =	vst v3  }
0xed: {  	s30 =	sadd.s32 $0x1, s30;
	[tilespmem:s31+$0x970] =	vst v2  }
0xee: {  	s29 =	sadd.s32 $0x1, s29  }
0xef: {  	p1 =	sne.s32 s29, $0x4F  }
.Ltmp2:
0xf0: {  	_ = 	snop;
	(pc) =	sbr.rel @p1 .LBB2_4-.Ltmp2, $4  }
0xf1: {  	[spmem:s2] =	stream.indirect.scatter.add.f32 [tilespmem:s22], [sflag:$0x2], $0x80, s24, s24, $0xb8;
	[tilespmem:$0x17A00] =	vst v63  }
0xf2: {  	_ =	swait.ge [sflag:s23], $0x4000  }
0xf3: {  	[sflag:s23] =	ssyncset.done $0x0  }
0xf4: {  	[sflag:s23] =	ssyncadd.s32 $0xFFFFC000  }
0xf5: {  	s28 =	sshll.u32 s4, $0x6  }
0xf6: {  	[bflag:$0x0] =	sbarrier.arrive $0xFFFF;
	s29 =	sshrl.u32 s8, $0x3;
	s28 =	sor.u32 $0x1C02, s28  }
0xf7: {  	[hbm:s15], [sflag:s28] =	dma.local [spmem:s29], $0x800  }
0xf8: {  	_ =	swait.ge [sflag:s23], $0x800  }
0xf9: {  	[sflag:s23] =	ssyncset.done $0x0  }
0xfa: {  	s30 =	sshrl.u32 s9, $0x3;
	[sflag:s23] =	ssyncadd.s32 $0xFFFFF800  }
0xfb: {  	[hbm:s16], [sflag:s28] =	dma.local [spmem:s30], $0x800  }
0xfc: {  	_ =	swait.ge [sflag:s23], $0x800  }
0xfd: {  	[sflag:s23] =	ssyncset.done $0x0  }
0xfe: {  	s31 =	sshrl.u32 s10, $0x3;
	[sflag:s23] =	ssyncadd.s32 $0xFFFFF800  }
0xff: {  	[hbm:s17], [sflag:s28] =	dma.local [spmem:s31], $0x800  }
0x100: {  	_ =	swait.ge [sflag:s23], $0x800  }
0x101: {  	[sflag:s23] =	ssyncset.done $0x0  }
0x102: {  	s30 =	sshrl.u32 s11, $0x3;
	[sflag:s23] =	ssyncadd.s32 $0xFFFFF800  }
0x103: {  	[hbm:s18], [sflag:s28] =	dma.local [spmem:s30], $0x800  }
0x104: {  	_ =	swait.ge [sflag:s23], $0x800  }
0x105: {  	[sflag:s23] =	ssyncset.done $0x0  }
0x106: {  	s31 =	sshrl.u32 s12, $0x3;
	[sflag:s23] =	ssyncadd.s32 $0xFFFFF800  }
0x107: {  	[hbm:s19], [sflag:s28] =	dma.local [spmem:s31], $0x80  }
0x108: {  	_ =	swait.ge [sflag:s23], $0x80  }
0x109: {  	s3 =	sadd.s32 $0x1, s3;
	[sflag:s23] =	ssyncset.done $0x0  }
0x10a: {  	p1 =	sne.s32 s3, s21;
	s29 =	sshrl.u32 @!p0 s13, $0x3;
	[sflag:s23] =	ssyncadd.s32 $0xFFFFFF80  }
0x10b: {  	[hbm:s20], [sflag:s28] =	dma.local @!p0 [spmem:s29], $0x700  }
.Ltmp3:
0x10c: {  	_ = 	snop;
	(pc) =	sbr.rel @p1 .LBB2_1-.Ltmp3, $4  }
0x10d: {  	s28 =	simm.s32 @!p0 $0x2  }
0x10e: {  	_ =	swait.ge @!p0 [sflag:s28], $0x700  }
0x10f: {  	[sflag:s28] =	ssyncset.done @!p0 $0x0  }
0x110: {  	[sflag:s28] =	ssyncadd.s32 @!p0 $0xFFFFF900  }
0x111: {  	_ =	sfence.sel $0x180000  }
0x112: {  	[bflag:$0x0] =	sbarrier.arrive $0xFFFF  }
0x113: {  	p0 =	sne.s32 s4, $0x0;
	_ =	strace $0x90000047  }
0x114: {  	s0 =	sadd.s32 @!p0 $0x100000, s0;
	[bflag:$0x2] =	sbarrier.arrive $0xFFFF  }
0x115: {  	[sflag:s0] =	ssyncadd.tile.s32 @!p0 $0x1;
	_ =	shalt  }
.Lfunc_end2:
_tile_overlayer_lowered:
.L_overlay_start_2:
0x116: {  	(tag) =	ssettag $0x2  }
0x117: {  	s0 =	rddreg [dreg:$0x0];
	s2 =	stileid.u32  }
0x118: {  	s1 =	rddreg [dreg:$0x1];
	p0 =	sne.s32 s2, $0x0  }
0x119: {  	s3 =	rddreg [dreg:$0x2];
	[bflag:$0x3] =	sbarrier.arrive $0xFFFF;
	s2 =	simm.s32 @!p0 $0x1C02  }
0x11a: {  	[timem:s3], [sflag:s2] =	dma.local @!p0 [hbm:s0], s1  }
0x11b: {  	s0 =	simm.s32 @!p0 $0x2  }
0x11c: {  	_ =	swait.ge @!p0 [sflag:s0], s1  }
0x11d: {  	s1 =	ssub.s32 @!p0 $0x0, s1;
	[sflag:s0] =	ssyncset.done @!p0 $0x0  }
0x11e: {  	[sflag:s0] =	ssyncadd.s32 @!p0 s1  }
0x11f: {  	[bflag:$0x3] =	sbarrier.arrive $0xFFFF  }
0x120: {  	_ =	shalt  }

</sc_bundles>
